<compile_context>
chip_gen: v7x
topology: tpu7x:2x2x1
jax: 0.10.2.dev20260603
libtpu: 0.0.44.dev20260713+nightly
codegen_flags: <defaults>
</compile_context>

<pallas_src>
import functools

import jax
import jax.numpy as jnp
from jax import lax
from jax.experimental import pallas as pl
from jax.experimental.pallas import tpu as pltpu
from jax.experimental.pallas import tpu_sc as plsc

B, L, C = 4096, 50, 16
D = 128
LP = 56
NC, NS = 2, 16
NW = NC * NS
BPW = B // NW
WCH = 1
WIDX = WCH * LP
NWCH = BPW // WCH
CCH = 64
NCCH = (BPW * C) // CCH
DSL = D // 16
G = 8


def _sc_mesh():
    return plsc.VectorSubcoreMesh(core_axis_name="c", subcore_axis_name="s")


@functools.partial(
    pl.kernel,
    mesh=_sc_mesh(),
    out_type=[
        jax.ShapeDtypeStruct((B, D), jnp.float32),
        jax.ShapeDtypeStruct((B * C, D), jnp.float32),
    ],
    scratch_types=[
        pltpu.VMEM((BPW * LP,), jnp.int32),
        pltpu.VMEM((G, CCH, D), jnp.float32),
        pltpu.VMEM((BPW, D), jnp.float32),
        pltpu.VMEM((BPW * C,), jnp.int32),
        pltpu.SemaphoreType.DMA,
        pltpu.SemaphoreType.DMA,
        pltpu.SemaphoreType.DMA,
        pltpu.SemaphoreType.DMA,
        pltpu.SemaphoreType.DMA,
        pltpu.SemaphoreType.DMA,
        pltpu.SemaphoreType.DMA,
        pltpu.SemaphoreType.DMA,
    ],
)
def _sc_gather(wemb, eemb, wids, cids, psum_out, cands_out,
               widx_v, rows_v, acc_v, cidx_v,
               s0, s1, s2, s3, s4, s5, s6, s7):
    sems = (s0, s1, s2, s3, s4, s5, s6, s7)
    wid = lax.axis_index("s") * NC + lax.axis_index("c")
    wbase = wid * BPW

    pltpu.sync_copy(wids.at[pl.ds(wbase * LP, BPW * LP)], widx_v)
    pltpu.sync_copy(cids.at[pl.ds(wbase * C, BPW * C)], cidx_v)

    def wdesc(k, g):
        off = pl.multiple_of(k * WIDX, 8)
        return pltpu.make_async_copy(
            wemb.at[widx_v.at[pl.ds(off, WIDX)]],
            rows_v.at[g, pl.ds(0, WIDX)], sems[g])

    for g in range(G):
        wdesc(g, g).start()

    def wgroup(m, carry):
        for g in range(G):
            k = m * G + g
            wdesc(k, g).wait()
            for rr in range(WCH):
                def add_rows(j, accs, _rr=rr, _g=g):
                    base = _rr * LP + j * 2
                    t = tuple(
                        accs[d] + rows_v[_g, base, pl.ds(d * 16, 16)]
                        for d in range(DSL))
                    return tuple(
                        t[d] + rows_v[_g, base + 1, pl.ds(d * 16, 16)]
                        for d in range(DSL))
                accs = lax.fori_loop(
                    0, L // 2, add_rows,
                    tuple(jnp.zeros((16,), jnp.float32) for _ in range(DSL)))
                r = k * WCH + rr
                for d in range(DSL):
                    acc_v[r, pl.ds(d * 16, 16)] = accs[d]

            @pl.when(k + G < NWCH)
            def _fire_next(_k=k, _g=g):
                wdesc(_k + G, _g).start()
        return carry

    lax.fori_loop(0, NWCH // G, wgroup, 0)
    pltpu.sync_copy(acc_v, psum_out.at[pl.ds(wbase, BPW)])

    def cdesc(k, g):
        off = pl.multiple_of(k * CCH, 8)
        return pltpu.make_async_copy(
            eemb.at[cidx_v.at[pl.ds(off, CCH)]], rows_v.at[g], sems[g])

    for g in range(G):
        cdesc(g, g).start()

    def cgroup(m, carry):
        for g in range(G):
            k = m * G + g
            cdesc(k, g).wait()
            dst = pl.multiple_of(wbase * C + k * CCH, 8)
            pltpu.sync_copy(rows_v.at[g], cands_out.at[pl.ds(dst, CCH)])

            @pl.when(k + G < NCCH)
            def _fire_next(_k=k, _g=g):
                cdesc(_k + G, _g).start()
        return carry

    lax.fori_loop(0, NCCH // G, cgroup, 0)


TB = 256


def _tc_body(ids_ref, psum_ref, w_ref, b_ref, cands_ref, out_ref):
    ids = ids_ref[...]
    cnt = jnp.sum((ids != 0).astype(jnp.float32), axis=1, keepdims=True)
    pooled = psum_ref[...] / jnp.maximum(cnt, 1.0)
    proj = lax.dot_general(
        pooled, w_ref[...], (((1,), (1,)), ((), ())),
        preferred_element_type=jnp.float32,
    ) + b_ref[...]
    cands = cands_ref[...].reshape(TB, C, D)
    out_ref[...] = jnp.sum(cands * proj[:, None, :], axis=-1)


def kernel(word_emb, ent_emb, W, b, word_ids, cand_ent_ids):
    wids = word_ids.astype(jnp.int32)
    cids = cand_ent_ids.astype(jnp.int32)
    nrows = jnp.int32(word_emb.shape[0])
    spread = ((jnp.arange(B * LP, dtype=jnp.int32) * 7919) % nrows).reshape(B, LP)
    col = jnp.arange(LP, dtype=jnp.int32)[None, :]
    wids_pad = jnp.where(
        col < L, jnp.pad(wids, ((0, 0), (0, LP - L))), spread
    ).reshape(-1)
    cids_flat = cids.reshape(-1)

    psum, cands = _sc_gather(word_emb, ent_emb, wids_pad, cids_flat)

    scores = pl.pallas_call(
        _tc_body,
        grid=(B // TB,),
        in_specs=[
            pl.BlockSpec((TB, L), lambda i: (i, 0)),
            pl.BlockSpec((TB, D), lambda i: (i, 0)),
            pl.BlockSpec((D, D), lambda i: (0, 0)),
            pl.BlockSpec((1, D), lambda i: (0, 0)),
            pl.BlockSpec((TB * C, D), lambda i: (i, 0)),
        ],
        out_specs=pl.BlockSpec((TB, C), lambda i: (i, 0)),
        out_shape=jax.ShapeDtypeStruct((B, C), jnp.float32),
    )(wids, psum, W, b.reshape(1, D), cands)
    return scores

# --- scband reference (transcript-rebuilt; emitter-appended) ---
"""Pipeline reference for scband-yamada-base-28432683499629 (READ-ONLY COPY).

The authoritative reference and input builder live on the scoring server;
editing this copy changes nothing except your own understanding.
"""

import jax, jax.numpy as jnp
import numpy as np

B, L, C = 4096, 50, 16
WV, EV, D = 100000, 100000, 128


def setup_inputs(seed: int = 0) -> dict:
    key = jax.random.key(seed)
    k1, k2, k3, k4, k5, k6 = jax.random.split(key, 6)
    # Frozen pretrained Yamada embeddings (padding_idx=0 -> zero row)
    word_emb = jax.random.normal(k1, (WV, D), dtype=jnp.float32) * 0.02
    word_emb = word_emb.at[0].set(0.0)
    ent_emb = jax.random.normal(k2, (EV, D), dtype=jnp.float32) * 0.02
    ent_emb = ent_emb.at[0].set(0.0)
    # orig_linear: W maps word-emb space -> entity-emb space (trainable)
    W = jax.random.normal(k3, (D, D), dtype=jnp.float32) * 0.02
    b = jnp.zeros((D,), dtype=jnp.float32)
    word_ids = jax.random.randint(k4, (B, L), 0, WV, dtype=jnp.int64)
    cand_ent_ids = jax.random.randint(k5, (B, C), 0, EV, dtype=jnp.int64)
    return {
        'word_emb': word_emb,
        'ent_emb': ent_emb,
        'W': W,
        'b': b,
        'word_ids': word_ids,
        'cand_ent_ids': cand_ent_ids,
    }


def reference(word_emb, ent_emb, W, b, word_ids, cand_ent_ids):
    # Gather context word embeddings: [B, L, D]
    ctx = jnp.take(word_emb, word_ids, axis=0)
    # Masked mean-pool over context (padding_idx=0 excluded)
    mask = (word_ids != 0).astype(jnp.float32)[..., None]
    pooled = (ctx * mask).sum(axis=1) / jnp.maximum(mask.sum(axis=1), 1.0)
    # orig_linear: pooled @ W.T + b  (dropout is identity in eval mode)
    proj = pooled @ W.T + b
    # Gather candidate entity embeddings: [B, C, D]
    cands = jnp.take(ent_emb, cand_ent_ids, axis=0)
    # Yamada scoring: dot product between projected context and candidates
    scores = jnp.einsum('bd,bcd->bc', proj, cands)
    return scores

if __name__ == "__main__":
    import jax
    _d = setup_inputs()
    print(jax.jit(kernel)(*tuple(_d.values())))

</pallas_src>

<mosaic_0001>
#map = affine_map<(d0, d1) -> (0, 0)>
#map1 = affine_map<(d0, d1) -> (0)>
module attributes {stable_mosaic.version = 14 : i64} {
  func.func @_sc_gather(%arg0: i32, %arg1: i32, %arg2: memref<100000x128xf32, #tpu.memory_space<hbm>>, %arg3: memref<100000x128xf32, #tpu.memory_space<hbm>>, %arg4: memref<229376xi32, #tpu.memory_space<hbm>>, %arg5: memref<65536xi32, #tpu.memory_space<hbm>>, %arg6: memref<4096x128xf32, #tpu.memory_space<hbm>>, %arg7: memref<65536x128xf32, #tpu.memory_space<hbm>>, %arg8: memref<7168xi32, #tpu.memory_space<vmem>>, %arg9: memref<8x64x128xf32, #tpu.memory_space<vmem>>, %arg10: memref<128x128xf32, #tpu.memory_space<vmem>>, %arg11: memref<2048xi32, #tpu.memory_space<vmem>>, %arg12: memref<!tpu.dma_semaphore, #tpu.memory_space<semaphore_mem>>, %arg13: memref<!tpu.dma_semaphore, #tpu.memory_space<semaphore_mem>>, %arg14: memref<!tpu.dma_semaphore, #tpu.memory_space<semaphore_mem>>, %arg15: memref<!tpu.dma_semaphore, #tpu.memory_space<semaphore_mem>>, %arg16: memref<!tpu.dma_semaphore, #tpu.memory_space<semaphore_mem>>, %arg17: memref<!tpu.dma_semaphore, #tpu.memory_space<semaphore_mem>>, %arg18: memref<!tpu.dma_semaphore, #tpu.memory_space<semaphore_mem>>, %arg19: memref<!tpu.dma_semaphore, #tpu.memory_space<semaphore_mem>>) attributes {dimension_semantics = [#tpu.dimension_semantics<core_parallel>, #tpu.dimension_semantics<subcore_parallel>], iteration_bounds = array<i64: 2, 16>, scalar_prefetch = 0 : i64, scratch_operands = 12 : i64, tpu.core_type = #tpu.core_type<sc_vector_subcore>, window_params = [{transform_indices = #map}, {transform_indices = #map}, {transform_indices = #map1}, {transform_indices = #map1}, {transform_indices = #map}, {transform_indices = #map}]} {
    %mul3A = arith.constant 2 : i32
    %mul3A_0 = arith.muli %arg1, %mul3A : i32
    %add3A = arith.addi %mul3A_0, %arg0 : i32
    %mul3A_1 = arith.constant 128 : i32
    %mul3A_2 = arith.muli %add3A, %mul3A_1 : i32
    %mul3A_3 = arith.constant 56 : i32
    %mul3A_4 = arith.muli %mul3A_2, %mul3A_3 : i32
    "tpu.region"() ({
      %run_scoped3A = tpu.sem_alloc : memref<!tpu.dma_semaphore, #tpu.memory_space<semaphore_mem>>
      %dma_start3A_192 = tpu.memref_slice %arg4[%mul3A_4] : memref<229376xi32, #tpu.memory_space<hbm>> -> memref<7168xi32, #tpu.memory_space<hbm>>
      %dma_start3A_193 = tpu.memref_slice %arg4[%mul3A_4] : memref<229376xi32, #tpu.memory_space<hbm>> -> memref<7168xi32, #tpu.memory_space<hbm>>
      tpu.enqueue_dma source(%dma_start3A_193 : memref<7168xi32, #tpu.memory_space<hbm>>) target(%arg8 : memref<7168xi32, #tpu.memory_space<vmem>>) target_semaphore(%run_scoped3A : memref<!tpu.dma_semaphore, #tpu.memory_space<semaphore_mem>>)
      %dma_wait3A = tpu.memref_slice %arg4[%mul3A_4] : memref<229376xi32, #tpu.memory_space<hbm>> -> memref<7168xi32, #tpu.memory_space<hbm>>
      %dma_wait3A_194 = tpu.memref_slice %arg4[%mul3A_4] : memref<229376xi32, #tpu.memory_space<hbm>> -> memref<7168xi32, #tpu.memory_space<hbm>>
      tpu.wait_dma2 semaphore(%run_scoped3A : memref<!tpu.dma_semaphore, #tpu.memory_space<semaphore_mem>>) src(%dma_wait3A_194 : memref<7168xi32, #tpu.memory_space<hbm>>) dst(%arg8 : memref<7168xi32, #tpu.memory_space<vmem>>)
      tpu.yield
    }) : () -> ()
    %mul3A_5 = arith.constant 16 : i32
    %mul3A_6 = arith.muli %mul3A_2, %mul3A_5 : i32
    "tpu.region"() ({
      %run_scoped3A = tpu.sem_alloc : memref<!tpu.dma_semaphore, #tpu.memory_space<semaphore_mem>>
      %dma_start3A_192 = tpu.memref_slice %arg5[%mul3A_6] : memref<65536xi32, #tpu.memory_space<hbm>> -> memref<2048xi32, #tpu.memory_space<hbm>>
      %dma_start3A_193 = tpu.memref_slice %arg5[%mul3A_6] : memref<65536xi32, #tpu.memory_space<hbm>> -> memref<2048xi32, #tpu.memory_space<hbm>>
      tpu.enqueue_dma source(%dma_start3A_193 : memref<2048xi32, #tpu.memory_space<hbm>>) target(%arg11 : memref<2048xi32, #tpu.memory_space<vmem>>) target_semaphore(%run_scoped3A : memref<!tpu.dma_semaphore, #tpu.memory_space<semaphore_mem>>)
      %dma_wait3A = tpu.memref_slice %arg5[%mul3A_6] : memref<65536xi32, #tpu.memory_space<hbm>> -> memref<2048xi32, #tpu.memory_space<hbm>>
      %dma_wait3A_194 = tpu.memref_slice %arg5[%mul3A_6] : memref<65536xi32, #tpu.memory_space<hbm>> -> memref<2048xi32, #tpu.memory_space<hbm>>
      tpu.wait_dma2 semaphore(%run_scoped3A : memref<!tpu.dma_semaphore, #tpu.memory_space<semaphore_mem>>) src(%dma_wait3A_194 : memref<2048xi32, #tpu.memory_space<hbm>>) dst(%arg11 : memref<2048xi32, #tpu.memory_space<vmem>>)
      tpu.yield
    }) : () -> ()
    %multiple_of3A = arith.constant 0 : i32
    %multiple_of3A_7 = tpu.assume_multiple %multiple_of3A, 8 : i32
    %dma_start3A = arith.constant 0 : i32
    %dma_start3A_8 = arith.constant 0 : i32
    %dma_start3A_9 = arith.constant 0 : i32
    %dma_start3A_10 = tpu.memref_slice %arg9[%dma_start3A, %dma_start3A_8, %dma_start3A_9] : memref<8x64x128xf32, #tpu.memory_space<vmem>> -> memref<1x56x128xf32, #tpu.memory_space<vmem>>
    %dma_start3A_11 = tpu.memref_squeeze %dma_start3A_10 : memref<1x56x128xf32, #tpu.memory_space<vmem>> -> memref<56x128xf32, #tpu.memory_space<vmem>>
    %dma_start3A_12 = tpu.memref_slice %arg8[%multiple_of3A_7] : memref<7168xi32, #tpu.memory_space<vmem>> -> memref<56xi32, #tpu.memory_space<vmem>>
    %dma_start3A_13 = arith.constant 0 : i32
    %dma_start3A_14 = arith.constant 0 : i32
    %dma_start3A_15 = tpu.memref_slice %arg2[%dma_start3A_13, %dma_start3A_14] : memref<100000x128xf32, #tpu.memory_space<hbm>> -> memref<100000x128xf32, #tpu.memory_space<hbm>>
    tpu.enqueue_indirect_dma source(%dma_start3A_15 : memref<100000x128xf32, #tpu.memory_space<hbm>>) target(%dma_start3A_11 : memref<56x128xf32, #tpu.memory_space<vmem>>) offsets(%dma_start3A_12 : memref<56xi32, #tpu.memory_space<vmem>>) semaphore(%arg12 : memref<!tpu.dma_semaphore, #tpu.memory_space<semaphore_mem>>)
    %multiple_of3A_16 = arith.constant 56 : i32
    %multiple_of3A_17 = tpu.assume_multiple %multiple_of3A_16, 8 : i32
    %dma_start3A_18 = arith.constant 1 : i32
    %dma_start3A_19 = arith.constant 0 : i32
    %dma_start3A_20 = arith.constant 0 : i32
    %dma_start3A_21 = tpu.memref_slice %arg9[%dma_start3A_18, %dma_start3A_19, %dma_start3A_20] : memref<8x64x128xf32, #tpu.memory_space<vmem>> -> memref<1x56x128xf32, #tpu.memory_space<vmem>>
    %dma_start3A_22 = tpu.memref_squeeze %dma_start3A_21 : memref<1x56x128xf32, #tpu.memory_space<vmem>> -> memref<56x128xf32, #tpu.memory_space<vmem>>
    %dma_start3A_23 = tpu.memref_slice %arg8[%multiple_of3A_17] : memref<7168xi32, #tpu.memory_space<vmem>> -> memref<56xi32, #tpu.memory_space<vmem>>
    %dma_start3A_24 = arith.constant 0 : i32
    %dma_start3A_25 = arith.constant 0 : i32
    %dma_start3A_26 = tpu.memref_slice %arg2[%dma_start3A_24, %dma_start3A_25] : memref<100000x128xf32, #tpu.memory_space<hbm>> -> memref<100000x128xf32, #tpu.memory_space<hbm>>
    tpu.enqueue_indirect_dma source(%dma_start3A_26 : memref<100000x128xf32, #tpu.memory_space<hbm>>) target(%dma_start3A_22 : memref<56x128xf32, #tpu.memory_space<vmem>>) offsets(%dma_start3A_23 : memref<56xi32, #tpu.memory_space<vmem>>) semaphore(%arg13 : memref<!tpu.dma_semaphore, #tpu.memory_space<semaphore_mem>>)
    %multiple_of3A_27 = arith.constant 112 : i32
    %multiple_of3A_28 = tpu.assume_multiple %multiple_of3A_27, 8 : i32
    %dma_start3A_29 = arith.constant 2 : i32
    %dma_start3A_30 = arith.constant 0 : i32
    %dma_start3A_31 = arith.constant 0 : i32
    %dma_start3A_32 = tpu.memref_slice %arg9[%dma_start3A_29, %dma_start3A_30, %dma_start3A_31] : memref<8x64x128xf32, #tpu.memory_space<vmem>> -> memref<1x56x128xf32, #tpu.memory_space<vmem>>
    %dma_start3A_33 = tpu.memref_squeeze %dma_start3A_32 : memref<1x56x128xf32, #tpu.memory_space<vmem>> -> memref<56x128xf32, #tpu.memory_space<vmem>>
    %dma_start3A_34 = tpu.memref_slice %arg8[%multiple_of3A_28] : memref<7168xi32, #tpu.memory_space<vmem>> -> memref<56xi32, #tpu.memory_space<vmem>>
    %dma_start3A_35 = arith.constant 0 : i32
    %dma_start3A_36 = arith.constant 0 : i32
    %dma_start3A_37 = tpu.memref_slice %arg2[%dma_start3A_35, %dma_start3A_36] : memref<100000x128xf32, #tpu.memory_space<hbm>> -> memref<100000x128xf32, #tpu.memory_space<hbm>>
    tpu.enqueue_indirect_dma source(%dma_start3A_37 : memref<100000x128xf32, #tpu.memory_space<hbm>>) target(%dma_start3A_33 : memref<56x128xf32, #tpu.memory_space<vmem>>) offsets(%dma_start3A_34 : memref<56xi32, #tpu.memory_space<vmem>>) semaphore(%arg14 : memref<!tpu.dma_semaphore, #tpu.memory_space<semaphore_mem>>)
    %multiple_of3A_38 = arith.constant 168 : i32
    %multiple_of3A_39 = tpu.assume_multiple %multiple_of3A_38, 8 : i32
    %dma_start3A_40 = arith.constant 3 : i32
    %dma_start3A_41 = arith.constant 0 : i32
    %dma_start3A_42 = arith.constant 0 : i32
    %dma_start3A_43 = tpu.memref_slice %arg9[%dma_start3A_40, %dma_start3A_41, %dma_start3A_42] : memref<8x64x128xf32, #tpu.memory_space<vmem>> -> memref<1x56x128xf32, #tpu.memory_space<vmem>>
    %dma_start3A_44 = tpu.memref_squeeze %dma_start3A_43 : memref<1x56x128xf32, #tpu.memory_space<vmem>> -> memref<56x128xf32, #tpu.memory_space<vmem>>
    %dma_start3A_45 = tpu.memref_slice %arg8[%multiple_of3A_39] : memref<7168xi32, #tpu.memory_space<vmem>> -> memref<56xi32, #tpu.memory_space<vmem>>
    %dma_start3A_46 = arith.constant 0 : i32
    %dma_start3A_47 = arith.constant 0 : i32
    %dma_start3A_48 = tpu.memref_slice %arg2[%dma_start3A_46, %dma_start3A_47] : memref<100000x128xf32, #tpu.memory_space<hbm>> -> memref<100000x128xf32, #tpu.memory_space<hbm>>
    tpu.enqueue_indirect_dma source(%dma_start3A_48 : memref<100000x128xf32, #tpu.memory_space<hbm>>) target(%dma_start3A_44 : memref<56x128xf32, #tpu.memory_space<vmem>>) offsets(%dma_start3A_45 : memref<56xi32, #tpu.memory_space<vmem>>) semaphore(%arg15 : memref<!tpu.dma_semaphore, #tpu.memory_space<semaphore_mem>>)
    %multiple_of3A_49 = arith.constant 224 : i32
    %multiple_of3A_50 = tpu.assume_multiple %multiple_of3A_49, 8 : i32
    %dma_start3A_51 = arith.constant 4 : i32
    %dma_start3A_52 = arith.constant 0 : i32
    %dma_start3A_53 = arith.constant 0 : i32
    %dma_start3A_54 = tpu.memref_slice %arg9[%dma_start3A_51, %dma_start3A_52, %dma_start3A_53] : memref<8x64x128xf32, #tpu.memory_space<vmem>> -> memref<1x56x128xf32, #tpu.memory_space<vmem>>
    %dma_start3A_55 = tpu.memref_squeeze %dma_start3A_54 : memref<1x56x128xf32, #tpu.memory_space<vmem>> -> memref<56x128xf32, #tpu.memory_space<vmem>>
    %dma_start3A_56 = tpu.memref_slice %arg8[%multiple_of3A_50] : memref<7168xi32, #tpu.memory_space<vmem>> -> memref<56xi32, #tpu.memory_space<vmem>>
    %dma_start3A_57 = arith.constant 0 : i32
    %dma_start3A_58 = arith.constant 0 : i32
    %dma_start3A_59 = tpu.memref_slice %arg2[%dma_start3A_57, %dma_start3A_58] : memref<100000x128xf32, #tpu.memory_space<hbm>> -> memref<100000x128xf32, #tpu.memory_space<hbm>>
    tpu.enqueue_indirect_dma source(%dma_start3A_59 : memref<100000x128xf32, #tpu.memory_space<hbm>>) target(%dma_start3A_55 : memref<56x128xf32, #tpu.memory_space<vmem>>) offsets(%dma_start3A_56 : memref<56xi32, #tpu.memory_space<vmem>>) semaphore(%arg16 : memref<!tpu.dma_semaphore, #tpu.memory_space<semaphore_mem>>)
    %multiple_of3A_60 = arith.constant 280 : i32
    %multiple_of3A_61 = tpu.assume_multiple %multiple_of3A_60, 8 : i32
    %dma_start3A_62 = arith.constant 5 : i32
    %dma_start3A_63 = arith.constant 0 : i32
    %dma_start3A_64 = arith.constant 0 : i32
    %dma_start3A_65 = tpu.memref_slice %arg9[%dma_start3A_62, %dma_start3A_63, %dma_start3A_64] : memref<8x64x128xf32, #tpu.memory_space<vmem>> -> memref<1x56x128xf32, #tpu.memory_space<vmem>>
    %dma_start3A_66 = tpu.memref_squeeze %dma_start3A_65 : memref<1x56x128xf32, #tpu.memory_space<vmem>> -> memref<56x128xf32, #tpu.memory_space<vmem>>
    %dma_start3A_67 = tpu.memref_slice %arg8[%multiple_of3A_61] : memref<7168xi32, #tpu.memory_space<vmem>> -> memref<56xi32, #tpu.memory_space<vmem>>
    %dma_start3A_68 = arith.constant 0 : i32
    %dma_start3A_69 = arith.constant 0 : i32
    %dma_start3A_70 = tpu.memref_slice %arg2[%dma_start3A_68, %dma_start3A_69] : memref<100000x128xf32, #tpu.memory_space<hbm>> -> memref<100000x128xf32, #tpu.memory_space<hbm>>
    tpu.enqueue_indirect_dma source(%dma_start3A_70 : memref<100000x128xf32, #tpu.memory_space<hbm>>) target(%dma_start3A_66 : memref<56x128xf32, #tpu.memory_space<vmem>>) offsets(%dma_start3A_67 : memref<56xi32, #tpu.memory_space<vmem>>) semaphore(%arg17 : memref<!tpu.dma_semaphore, #tpu.memory_space<semaphore_mem>>)
    %multiple_of3A_71 = arith.constant 336 : i32
    %multiple_of3A_72 = tpu.assume_multiple %multiple_of3A_71, 8 : i32
    %dma_start3A_73 = arith.constant 6 : i32
    %dma_start3A_74 = arith.constant 0 : i32
    %dma_start3A_75 = arith.constant 0 : i32
    %dma_start3A_76 = tpu.memref_slice %arg9[%dma_start3A_73, %dma_start3A_74, %dma_start3A_75] : memref<8x64x128xf32, #tpu.memory_space<vmem>> -> memref<1x56x128xf32, #tpu.memory_space<vmem>>
    %dma_start3A_77 = tpu.memref_squeeze %dma_start3A_76 : memref<1x56x128xf32, #tpu.memory_space<vmem>> -> memref<56x128xf32, #tpu.memory_space<vmem>>
    %dma_start3A_78 = tpu.memref_slice %arg8[%multiple_of3A_72] : memref<7168xi32, #tpu.memory_space<vmem>> -> memref<56xi32, #tpu.memory_space<vmem>>
    %dma_start3A_79 = arith.constant 0 : i32
    %dma_start3A_80 = arith.constant 0 : i32
    %dma_start3A_81 = tpu.memref_slice %arg2[%dma_start3A_79, %dma_start3A_80] : memref<100000x128xf32, #tpu.memory_space<hbm>> -> memref<100000x128xf32, #tpu.memory_space<hbm>>
    tpu.enqueue_indirect_dma source(%dma_start3A_81 : memref<100000x128xf32, #tpu.memory_space<hbm>>) target(%dma_start3A_77 : memref<56x128xf32, #tpu.memory_space<vmem>>) offsets(%dma_start3A_78 : memref<56xi32, #tpu.memory_space<vmem>>) semaphore(%arg18 : memref<!tpu.dma_semaphore, #tpu.memory_space<semaphore_mem>>)
    %multiple_of3A_82 = arith.constant 392 : i32
    %multiple_of3A_83 = tpu.assume_multiple %multiple_of3A_82, 8 : i32
    %dma_start3A_84 = arith.constant 7 : i32
    %dma_start3A_85 = arith.constant 0 : i32
    %dma_start3A_86 = arith.constant 0 : i32
    %dma_start3A_87 = tpu.memref_slice %arg9[%dma_start3A_84, %dma_start3A_85, %dma_start3A_86] : memref<8x64x128xf32, #tpu.memory_space<vmem>> -> memref<1x56x128xf32, #tpu.memory_space<vmem>>
    %dma_start3A_88 = tpu.memref_squeeze %dma_start3A_87 : memref<1x56x128xf32, #tpu.memory_space<vmem>> -> memref<56x128xf32, #tpu.memory_space<vmem>>
    %dma_start3A_89 = tpu.memref_slice %arg8[%multiple_of3A_83] : memref<7168xi32, #tpu.memory_space<vmem>> -> memref<56xi32, #tpu.memory_space<vmem>>
    %dma_start3A_90 = arith.constant 0 : i32
    %dma_start3A_91 = arith.constant 0 : i32
    %dma_start3A_92 = tpu.memref_slice %arg2[%dma_start3A_90, %dma_start3A_91] : memref<100000x128xf32, #tpu.memory_space<hbm>> -> memref<100000x128xf32, #tpu.memory_space<hbm>>
    tpu.enqueue_indirect_dma source(%dma_start3A_92 : memref<100000x128xf32, #tpu.memory_space<hbm>>) target(%dma_start3A_88 : memref<56x128xf32, #tpu.memory_space<vmem>>) offsets(%dma_start3A_89 : memref<56xi32, #tpu.memory_space<vmem>>) semaphore(%arg19 : memref<!tpu.dma_semaphore, #tpu.memory_space<semaphore_mem>>)
    %scan3A = arith.constant 0 : i32
    %scan3A_93 = arith.constant 0 : i32
    %scan3A_94 = arith.constant 16 : i32
    %scan3A_95 = arith.addi %scan3A_93, %scan3A_94 : i32
    %scan3A_96 = arith.constant 1 : i32
    scf.for %scan3A_192 = %scan3A_93 to %scan3A_95 step %scan3A_96  : i32 {
      %mul3A_193 = arith.constant 8 : i32
      %mul3A_194 = arith.muli %scan3A_192, %mul3A_193 : i32
      %add3A_195 = arith.constant 0 : i32
      %add3A_196 = arith.addi %mul3A_194, %add3A_195 : i32
      %mul3A_197 = arith.constant 56 : i32
      %mul3A_198 = arith.muli %add3A_196, %mul3A_197 : i32
      %multiple_of3A_199 = tpu.assume_multiple %mul3A_198, 8 : i32
      %dma_wait3A = arith.constant 0 : i32
      %dma_wait3A_200 = arith.constant 0 : i32
      %dma_wait3A_201 = arith.constant 0 : i32
      %dma_wait3A_202 = tpu.memref_slice %arg9[%dma_wait3A, %dma_wait3A_200, %dma_wait3A_201] : memref<8x64x128xf32, #tpu.memory_space<vmem>> -> memref<1x56x128xf32, #tpu.memory_space<vmem>>
      %dma_wait3A_203 = tpu.memref_squeeze %dma_wait3A_202 : memref<1x56x128xf32, #tpu.memory_space<vmem>> -> memref<56x128xf32, #tpu.memory_space<vmem>>
      %dma_wait3A_204 = tpu.memref_slice %arg8[%multiple_of3A_199] : memref<7168xi32, #tpu.memory_space<vmem>> -> memref<56xi32, #tpu.memory_space<vmem>>
      %dma_wait3A_205 = arith.constant 0 : i32
      %dma_wait3A_206 = arith.constant 0 : i32
      %dma_wait3A_207 = tpu.memref_slice %arg2[%dma_wait3A_205, %dma_wait3A_206] : memref<100000x128xf32, #tpu.memory_space<hbm>> -> memref<100000x128xf32, #tpu.memory_space<hbm>>
      tpu.wait_indirect_dma semaphore(%arg12 : memref<!tpu.dma_semaphore, #tpu.memory_space<semaphore_mem>>) src(%dma_wait3A_207 : memref<100000x128xf32, #tpu.memory_space<hbm>>) dst(%dma_wait3A_203 : memref<56x128xf32, #tpu.memory_space<vmem>>)
      %broadcast_in_dim3A = arith.constant 0.000000e+00 : f32
      %broadcast_in_dim3A_208 = vector.broadcast %broadcast_in_dim3A : f32 to vector<16xf32>
      %broadcast_in_dim3A_209 = arith.constant 0.000000e+00 : f32
      %broadcast_in_dim3A_210 = vector.broadcast %broadcast_in_dim3A_209 : f32 to vector<16xf32>
      %broadcast_in_dim3A_211 = arith.constant 0.000000e+00 : f32
      %broadcast_in_dim3A_212 = vector.broadcast %broadcast_in_dim3A_211 : f32 to vector<16xf32>
      %broadcast_in_dim3A_213 = arith.constant 0.000000e+00 : f32
      %broadcast_in_dim3A_214 = vector.broadcast %broadcast_in_dim3A_213 : f32 to vector<16xf32>
      %broadcast_in_dim3A_215 = arith.constant 0.000000e+00 : f32
      %broadcast_in_dim3A_216 = vector.broadcast %broadcast_in_dim3A_215 : f32 to vector<16xf32>
      %broadcast_in_dim3A_217 = arith.constant 0.000000e+00 : f32
      %broadcast_in_dim3A_218 = vector.broadcast %broadcast_in_dim3A_217 : f32 to vector<16xf32>
      %broadcast_in_dim3A_219 = arith.constant 0.000000e+00 : f32
      %broadcast_in_dim3A_220 = vector.broadcast %broadcast_in_dim3A_219 : f32 to vector<16xf32>
      %broadcast_in_dim3A_221 = arith.constant 0.000000e+00 : f32
      %broadcast_in_dim3A_222 = vector.broadcast %broadcast_in_dim3A_221 : f32 to vector<16xf32>
      %scan3A_223 = arith.constant 0 : i32
      %scan3A_224 = arith.constant 25 : i32
      %scan3A_225 = arith.addi %scan3A_223, %scan3A_224 : i32
      %scan3A_226 = arith.constant 1 : i32
      %scan3A_227:8 = scf.for %scan3A_899 = %scan3A_223 to %scan3A_225 step %scan3A_226 iter_args(%scan3A_900 = %broadcast_in_dim3A_208, %scan3A_901 = %broadcast_in_dim3A_210, %scan3A_902 = %broadcast_in_dim3A_212, %scan3A_903 = %broadcast_in_dim3A_214, %scan3A_904 = %broadcast_in_dim3A_216, %scan3A_905 = %broadcast_in_dim3A_218, %scan3A_906 = %broadcast_in_dim3A_220, %scan3A_907 = %broadcast_in_dim3A_222) -> (vector<16xf32>, vector<16xf32>, vector<16xf32>, vector<16xf32>, vector<16xf32>, vector<16xf32>, vector<16xf32>, vector<16xf32>)  : i32 {
        %mul3A_908 = arith.constant 2 : i32
        %mul3A_909 = arith.muli %scan3A_899, %mul3A_908 : i32
        %add3A_910 = arith.constant 0 : i32
        %add3A_911 = arith.addi %add3A_910, %mul3A_909 : i32
        %get3A = arith.constant 0 : i32
        %get3A_912 = arith.index_cast %get3A : i32 to index
        %get3A_913 = arith.index_cast %add3A_911 : i32 to index
        %get3A_914 = arith.constant 0 : index
        %get3A_915 = tpu.vector_load %arg9[%get3A_912, %get3A_913, %get3A_914] {strides = array<i32>} : memref<8x64x128xf32, #tpu.memory_space<vmem>>, vector<1x1x16xf32>,
        %get3A_916 = vector.shape_cast %get3A_915 : vector<1x1x16xf32> to vector<16xf32>
        %add3A_917 = arith.addf %scan3A_900, %get3A_916 : vector<16xf32>
        %get3A_918 = arith.constant 0 : i32
        %get3A_919 = arith.index_cast %get3A_918 : i32 to index
        %get3A_920 = arith.index_cast %add3A_911 : i32 to index
        %get3A_921 = arith.constant 16 : index
        %get3A_922 = tpu.vector_load %arg9[%get3A_919, %get3A_920, %get3A_921] {strides = array<i32>} : memref<8x64x128xf32, #tpu.memory_space<vmem>>, vector<1x1x16xf32>,
        %get3A_923 = vector.shape_cast %get3A_922 : vector<1x1x16xf32> to vector<16xf32>
        %add3A_924 = arith.addf %scan3A_901, %get3A_923 : vector<16xf32>
        %get3A_925 = arith.constant 0 : i32
        %get3A_926 = arith.index_cast %get3A_925 : i32 to index
        %get3A_927 = arith.index_cast %add3A_911 : i32 to index
        %get3A_928 = arith.constant 32 : index
        %get3A_929 = tpu.vector_load %arg9[%get3A_926, %get3A_927, %get3A_928] {strides = array<i32>} : memref<8x64x128xf32, #tpu.memory_space<vmem>>, vector<1x1x16xf32>,
        %get3A_930 = vector.shape_cast %get3A_929 : vector<1x1x16xf32> to vector<16xf32>
        %add3A_931 = arith.addf %scan3A_902, %get3A_930 : vector<16xf32>
        %get3A_932 = arith.constant 0 : i32
        %get3A_933 = arith.index_cast %get3A_932 : i32 to index
        %get3A_934 = arith.index_cast %add3A_911 : i32 to index
        %get3A_935 = arith.constant 48 : index
        %get3A_936 = tpu.vector_load %arg9[%get3A_933, %get3A_934, %get3A_935] {strides = array<i32>} : memref<8x64x128xf32, #tpu.memory_space<vmem>>, vector<1x1x16xf32>,
        %get3A_937 = vector.shape_cast %get3A_936 : vector<1x1x16xf32> to vector<16xf32>
        %add3A_938 = arith.addf %scan3A_903, %get3A_937 : vector<16xf32>
        %get3A_939 = arith.constant 0 : i32
        %get3A_940 = arith.index_cast %get3A_939 : i32 to index
        %get3A_941 = arith.index_cast %add3A_911 : i32 to index
        %get3A_942 = arith.constant 64 : index
        %get3A_943 = tpu.vector_load %arg9[%get3A_940, %get3A_941, %get3A_942] {strides = array<i32>} : memref<8x64x128xf32, #tpu.memory_space<vmem>>, vector<1x1x16xf32>,
        %get3A_944 = vector.shape_cast %get3A_943 : vector<1x1x16xf32> to vector<16xf32>
        %add3A_945 = arith.addf %scan3A_904, %get3A_944 : vector<16xf32>
        %get3A_946 = arith.constant 0 : i32
        %get3A_947 = arith.index_cast %get3A_946 : i32 to index
        %get3A_948 = arith.index_cast %add3A_911 : i32 to index
        %get3A_949 = arith.constant 80 : index
        %get3A_950 = tpu.vector_load %arg9[%get3A_947, %get3A_948, %get3A_949] {strides = array<i32>} : memref<8x64x128xf32, #tpu.memory_space<vmem>>, vector<1x1x16xf32>,
        %get3A_951 = vector.shape_cast %get3A_950 : vector<1x1x16xf32> to vector<16xf32>
        %add3A_952 = arith.addf %scan3A_905, %get3A_951 : vector<16xf32>
        %get3A_953 = arith.constant 0 : i32
        %get3A_954 = arith.index_cast %get3A_953 : i32 to index
        %get3A_955 = arith.index_cast %add3A_911 : i32 to index
        %get3A_956 = arith.constant 96 : index
        %get3A_957 = tpu.vector_load %arg9[%get3A_954, %get3A_955, %get3A_956] {strides = array<i32>} : memref<8x64x128xf32, #tpu.memory_space<vmem>>, vector<1x1x16xf32>,
        %get3A_958 = vector.shape_cast %get3A_957 : vector<1x1x16xf32> to vector<16xf32>
        %add3A_959 = arith.addf %scan3A_906, %get3A_958 : vector<16xf32>
        %get3A_960 = arith.constant 0 : i32
        %get3A_961 = arith.index_cast %get3A_960 : i32 to index
        %get3A_962 = arith.index_cast %add3A_911 : i32 to index
        %get3A_963 = arith.constant 112 : index
        %get3A_964 = tpu.vector_load %arg9[%get3A_961, %get3A_962, %get3A_963] {strides = array<i32>} : memref<8x64x128xf32, #tpu.memory_space<vmem>>, vector<1x1x16xf32>,
        %get3A_965 = vector.shape_cast %get3A_964 : vector<1x1x16xf32> to vector<16xf32>
        %add3A_966 = arith.addf %scan3A_907, %get3A_965 : vector<16xf32>
        %add3A_967 = arith.constant 1 : i32
        %add3A_968 = arith.addi %add3A_911, %add3A_967 : i32
        %get3A_969 = arith.constant 0 : i32
        %get3A_970 = arith.index_cast %get3A_969 : i32 to index
        %get3A_971 = arith.index_cast %add3A_968 : i32 to index
        %get3A_972 = arith.constant 0 : index
        %get3A_973 = tpu.vector_load %arg9[%get3A_970, %get3A_971, %get3A_972] {strides = array<i32>} : memref<8x64x128xf32, #tpu.memory_space<vmem>>, vector<1x1x16xf32>,
        %get3A_974 = vector.shape_cast %get3A_973 : vector<1x1x16xf32> to vector<16xf32>
        %add3A_975 = arith.addf %add3A_917, %get3A_974 : vector<16xf32>
        %add3A_976 = arith.constant 1 : i32
        %add3A_977 = arith.addi %add3A_911, %add3A_976 : i32
        %get3A_978 = arith.constant 0 : i32
        %get3A_979 = arith.index_cast %get3A_978 : i32 to index
        %get3A_980 = arith.index_cast %add3A_977 : i32 to index
        %get3A_981 = arith.constant 16 : index
        %get3A_982 = tpu.vector_load %arg9[%get3A_979, %get3A_980, %get3A_981] {strides = array<i32>} : memref<8x64x128xf32, #tpu.memory_space<vmem>>, vector<1x1x16xf32>,
        %get3A_983 = vector.shape_cast %get3A_982 : vector<1x1x16xf32> to vector<16xf32>
        %add3A_984 = arith.addf %add3A_924, %get3A_983 : vector<16xf32>
        %add3A_985 = arith.constant 1 : i32
        %add3A_986 = arith.addi %add3A_911, %add3A_985 : i32
        %get3A_987 = arith.constant 0 : i32
        %get3A_988 = arith.index_cast %get3A_987 : i32 to index
        %get3A_989 = arith.index_cast %add3A_986 : i32 to index
        %get3A_990 = arith.constant 32 : index
        %get3A_991 = tpu.vector_load %arg9[%get3A_988, %get3A_989, %get3A_990] {strides = array<i32>} : memref<8x64x128xf32, #tpu.memory_space<vmem>>, vector<1x1x16xf32>,
        %get3A_992 = vector.shape_cast %get3A_991 : vector<1x1x16xf32> to vector<16xf32>
        %add3A_993 = arith.addf %add3A_931, %get3A_992 : vector<16xf32>
        %add3A_994 = arith.constant 1 : i32
        %add3A_995 = arith.addi %add3A_911, %add3A_994 : i32
        %get3A_996 = arith.constant 0 : i32
        %get3A_997 = arith.index_cast %get3A_996 : i32 to index
        %get3A_998 = arith.index_cast %add3A_995 : i32 to index
        %get3A_999 = arith.constant 48 : index
        %get3A_1000 = tpu.vector_load %arg9[%get3A_997, %get3A_998, %get3A_999] {strides = array<i32>} : memref<8x64x128xf32, #tpu.memory_space<vmem>>, vector<1x1x16xf32>,
        %get3A_1001 = vector.shape_cast %get3A_1000 : vector<1x1x16xf32> to vector<16xf32>
        %add3A_1002 = arith.addf %add3A_938, %get3A_1001 : vector<16xf32>
        %add3A_1003 = arith.constant 1 : i32
        %add3A_1004 = arith.addi %add3A_911, %add3A_1003 : i32
        %get3A_1005 = arith.constant 0 : i32
        %get3A_1006 = arith.index_cast %get3A_1005 : i32 to index
        %get3A_1007 = arith.index_cast %add3A_1004 : i32 to index
        %get3A_1008 = arith.constant 64 : index
        %get3A_1009 = tpu.vector_load %arg9[%get3A_1006, %get3A_1007, %get3A_1008] {strides = array<i32>} : memref<8x64x128xf32, #tpu.memory_space<vmem>>, vector<1x1x16xf32>,
        %get3A_1010 = vector.shape_cast %get3A_1009 : vector<1x1x16xf32> to vector<16xf32>
        %add3A_1011 = arith.addf %add3A_945, %get3A_1010 : vector<16xf32>
        %add3A_1012 = arith.constant 1 : i32
        %add3A_1013 = arith.addi %add3A_911, %add3A_1012 : i32
        %get3A_1014 = arith.constant 0 : i32
        %get3A_1015 = arith.index_cast %get3A_1014 : i32 to index
        %get3A_1016 = arith.index_cast %add3A_1013 : i32 to index
        %get3A_1017 = arith.constant 80 : index
        %get3A_1018 = tpu.vector_load %arg9[%get3A_1015, %get3A_1016, %get3A_1017] {strides = array<i32>} : memref<8x64x128xf32, #tpu.memory_space<vmem>>, vector<1x1x16xf32>,
        %get3A_1019 = vector.shape_cast %get3A_1018 : vector<1x1x16xf32> to vector<16xf32>
        %add3A_1020 = arith.addf %add3A_952, %get3A_1019 : vector<16xf32>
        %add3A_1021 = arith.constant 1 : i32
        %add3A_1022 = arith.addi %add3A_911, %add3A_1021 : i32
        %get3A_1023 = arith.constant 0 : i32
        %get3A_1024 = arith.index_cast %get3A_1023 : i32 to index
        %get3A_1025 = arith.index_cast %add3A_1022 : i32 to index
        %get3A_1026 = arith.constant 96 : index
        %get3A_1027 = tpu.vector_load %arg9[%get3A_1024, %get3A_1025, %get3A_1026] {strides = array<i32>} : memref<8x64x128xf32, #tpu.memory_space<vmem>>, vector<1x1x16xf32>,
        %get3A_1028 = vector.shape_cast %get3A_1027 : vector<1x1x16xf32> to vector<16xf32>
        %add3A_1029 = arith.addf %add3A_959, %get3A_1028 : vector<16xf32>
        %add3A_1030 = arith.constant 1 : i32
        %add3A_1031 = arith.addi %add3A_911, %add3A_1030 : i32
        %get3A_1032 = arith.constant 0 : i32
        %get3A_1033 = arith.index_cast %get3A_1032 : i32 to index
        %get3A_1034 = arith.index_cast %add3A_1031 : i32 to index
        %get3A_1035 = arith.constant 112 : index
        %get3A_1036 = tpu.vector_load %arg9[%get3A_1033, %get3A_1034, %get3A_1035] {strides = array<i32>} : memref<8x64x128xf32, #tpu.memory_space<vmem>>, vector<1x1x16xf32>,
        %get3A_1037 = vector.shape_cast %get3A_1036 : vector<1x1x16xf32> to vector<16xf32>
        %add3A_1038 = arith.addf %add3A_966, %get3A_1037 : vector<16xf32>
        scf.yield %add3A_975, %add3A_984, %add3A_993, %add3A_1002, %add3A_1011, %add3A_1020, %add3A_1029, %add3A_1038 : vector<16xf32>, vector<16xf32>, vector<16xf32>, vector<16xf32>, vector<16xf32>, vector<16xf32>, vector<16xf32>, vector<16xf32>
      }
      %scan3A_228 = arith.constant 25 : i32
      %mul3A_229 = arith.constant 1 : i32
      %mul3A_230 = arith.muli %add3A_196, %mul3A_229 : i32
      %add3A_231 = arith.constant 0 : i32
      %add3A_232 = arith.addi %mul3A_230, %add3A_231 : i32
      %swap3A = arith.index_cast %add3A_232 : i32 to index
      %swap3A_233 = arith.constant 0 : index
      %swap3A_234 = tpu.vector_load %arg10[%swap3A, %swap3A_233] {strides = array<i32>} : memref<128x128xf32, #tpu.memory_space<vmem>>, vector<1x16xf32>,
      %swap3A_235 = vector.shape_cast %swap3A_234 : vector<1x16xf32> to vector<16xf32>
      %swap3A_236 = vector.shape_cast %scan3A_227#0 : vector<16xf32> to vector<1x16xf32>
      tpu.vector_store %arg10[%swap3A, %swap3A_233], %swap3A_236 {strides = array<i32>} : memref<128x128xf32, #tpu.memory_space<vmem>>, vector<1x16xf32>,
      %swap3A_237 = arith.index_cast %add3A_232 : i32 to index
      %swap3A_238 = arith.constant 16 : index
      %swap3A_239 = tpu.vector_load %arg10[%swap3A_237, %swap3A_238] {strides = array<i32>} : memref<128x128xf32, #tpu.memory_space<vmem>>, vector<1x16xf32>,
      %swap3A_240 = vector.shape_cast %swap3A_239 : vector<1x16xf32> to vector<16xf32>
      %swap3A_241 = vector.shape_cast %scan3A_227#1 : vector<16xf32> to vector<1x16xf32>
      tpu.vector_store %arg10[%swap3A_237, %swap3A_238], %swap3A_241 {strides = array<i32>} : memref<128x128xf32, #tpu.memory_space<vmem>>, vector<1x16xf32>,
      %swap3A_242 = arith.index_cast %add3A_232 : i32 to index
      %swap3A_243 = arith.constant 32 : index
      %swap3A_244 = tpu.vector_load %arg10[%swap3A_242, %swap3A_243] {strides = array<i32>} : memref<128x128xf32, #tpu.memory_space<vmem>>, vector<1x16xf32>,
      %swap3A_245 = vector.shape_cast %swap3A_244 : vector<1x16xf32> to vector<16xf32>
      %swap3A_246 = vector.shape_cast %scan3A_227#2 : vector<16xf32> to vector<1x16xf32>
      tpu.vector_store %arg10[%swap3A_242, %swap3A_243], %swap3A_246 {strides = array<i32>} : memref<128x128xf32, #tpu.memory_space<vmem>>, vector<1x16xf32>,
      %swap3A_247 = arith.index_cast %add3A_232 : i32 to index
      %swap3A_248 = arith.constant 48 : index
      %swap3A_249 = tpu.vector_load %arg10[%swap3A_247, %swap3A_248] {strides = array<i32>} : memref<128x128xf32, #tpu.memory_space<vmem>>, vector<1x16xf32>,
      %swap3A_250 = vector.shape_cast %swap3A_249 : vector<1x16xf32> to vector<16xf32>
      %swap3A_251 = vector.shape_cast %scan3A_227#3 : vector<16xf32> to vector<1x16xf32>
      tpu.vector_store %arg10[%swap3A_247, %swap3A_248], %swap3A_251 {strides = array<i32>} : memref<128x128xf32, #tpu.memory_space<vmem>>, vector<1x16xf32>,
      %swap3A_252 = arith.index_cast %add3A_232 : i32 to index
      %swap3A_253 = arith.constant 64 : index
      %swap3A_254 = tpu.vector_load %arg10[%swap3A_252, %swap3A_253] {strides = array<i32>} : memref<128x128xf32, #tpu.memory_space<vmem>>, vector<1x16xf32>,
      %swap3A_255 = vector.shape_cast %swap3A_254 : vector<1x16xf32> to vector<16xf32>
      %swap3A_256 = vector.shape_cast %scan3A_227#4 : vector<16xf32> to vector<1x16xf32>
      tpu.vector_store %arg10[%swap3A_252, %swap3A_253], %swap3A_256 {strides = array<i32>} : memref<128x128xf32, #tpu.memory_space<vmem>>, vector<1x16xf32>,
      %swap3A_257 = arith.index_cast %add3A_232 : i32 to index
      %swap3A_258 = arith.constant 80 : index
      %swap3A_259 = tpu.vector_load %arg10[%swap3A_257, %swap3A_258] {strides = array<i32>} : memref<128x128xf32, #tpu.memory_space<vmem>>, vector<1x16xf32>,
      %swap3A_260 = vector.shape_cast %swap3A_259 : vector<1x16xf32> to vector<16xf32>
      %swap3A_261 = vector.shape_cast %scan3A_227#5 : vector<16xf32> to vector<1x16xf32>
      tpu.vector_store %arg10[%swap3A_257, %swap3A_258], %swap3A_261 {strides = array<i32>} : memref<128x128xf32, #tpu.memory_space<vmem>>, vector<1x16xf32>,
      %swap3A_262 = arith.index_cast %add3A_232 : i32 to index
      %swap3A_263 = arith.constant 96 : index
      %swap3A_264 = tpu.vector_load %arg10[%swap3A_262, %swap3A_263] {strides = array<i32>} : memref<128x128xf32, #tpu.memory_space<vmem>>, vector<1x16xf32>,
      %swap3A_265 = vector.shape_cast %swap3A_264 : vector<1x16xf32> to vector<16xf32>
      %swap3A_266 = vector.shape_cast %scan3A_227#6 : vector<16xf32> to vector<1x16xf32>
      tpu.vector_store %arg10[%swap3A_262, %swap3A_263], %swap3A_266 {strides = array<i32>} : memref<128x128xf32, #tpu.memory_space<vmem>>, vector<1x16xf32>,
      %swap3A_267 = arith.index_cast %add3A_232 : i32 to index
      %swap3A_268 = arith.constant 112 : index
      %swap3A_269 = tpu.vector_load %arg10[%swap3A_267, %swap3A_268] {strides = array<i32>} : memref<128x128xf32, #tpu.memory_space<vmem>>, vector<1x16xf32>,
      %swap3A_270 = vector.shape_cast %swap3A_269 : vector<1x16xf32> to vector<16xf32>
      %swap3A_271 = vector.shape_cast %scan3A_227#7 : vector<16xf32> to vector<1x16xf32>
      tpu.vector_store %arg10[%swap3A_267, %swap3A_268], %swap3A_271 {strides = array<i32>} : memref<128x128xf32, #tpu.memory_space<vmem>>, vector<1x16xf32>,
      %add3A_272 = arith.constant 8 : i32
      %add3A_273 = arith.addi %add3A_196, %add3A_272 : i32
      %lt3A = arith.constant 128 : i32
      %lt3A_274 = arith.cmpi slt, %add3A_273, %lt3A : i32
      %convert_element_type3A = arith.extui %lt3A_274 : i1 to i32
      %cond3A = arith.constant 0 : i32
      %cond3A_275 = arith.cmpi ne, %convert_element_type3A, %cond3A : i32
      scf.if %cond3A_275 {
        %add3A_899 = arith.constant 8 : i32
        %add3A_900 = arith.addi %add3A_196, %add3A_899 : i32
        %mul3A_901 = arith.constant 56 : i32
        %mul3A_902 = arith.muli %add3A_900, %mul3A_901 : i32
        %multiple_of3A_903 = tpu.assume_multiple %mul3A_902, 8 : i32
        %dma_start3A_904 = arith.constant 0 : i32
        %dma_start3A_905 = arith.constant 0 : i32
        %dma_start3A_906 = arith.constant 0 : i32
        %dma_start3A_907 = tpu.memref_slice %arg9[%dma_start3A_904, %dma_start3A_905, %dma_start3A_906] : memref<8x64x128xf32, #tpu.memory_space<vmem>> -> memref<1x56x128xf32, #tpu.memory_space<vmem>>
        %dma_start3A_908 = tpu.memref_squeeze %dma_start3A_907 : memref<1x56x128xf32, #tpu.memory_space<vmem>> -> memref<56x128xf32, #tpu.memory_space<vmem>>
        %dma_start3A_909 = tpu.memref_slice %arg8[%multiple_of3A_903] : memref<7168xi32, #tpu.memory_space<vmem>> -> memref<56xi32, #tpu.memory_space<vmem>>
        %dma_start3A_910 = arith.constant 0 : i32
        %dma_start3A_911 = arith.constant 0 : i32
        %dma_start3A_912 = tpu.memref_slice %arg2[%dma_start3A_910, %dma_start3A_911] : memref<100000x128xf32, #tpu.memory_space<hbm>> -> memref<100000x128xf32, #tpu.memory_space<hbm>>
        tpu.enqueue_indirect_dma source(%dma_start3A_912 : memref<100000x128xf32, #tpu.memory_space<hbm>>) target(%dma_start3A_908 : memref<56x128xf32, #tpu.memory_space<vmem>>) offsets(%dma_start3A_909 : memref<56xi32, #tpu.memory_space<vmem>>) semaphore(%arg12 : memref<!tpu.dma_semaphore, #tpu.memory_space<semaphore_mem>>)
      } else {
      }
      %mul3A_276 = arith.constant 8 : i32
      %mul3A_277 = arith.muli %scan3A_192, %mul3A_276 : i32
      %add3A_278 = arith.constant 1 : i32
      %add3A_279 = arith.addi %mul3A_277, %add3A_278 : i32
      %mul3A_280 = arith.constant 56 : i32
      %mul3A_281 = arith.muli %add3A_279, %mul3A_280 : i32
      %multiple_of3A_282 = tpu.assume_multiple %mul3A_281, 8 : i32
      %dma_wait3A_283 = arith.constant 1 : i32
      %dma_wait3A_284 = arith.constant 0 : i32
      %dma_wait3A_285 = arith.constant 0 : i32
      %dma_wait3A_286 = tpu.memref_slice %arg9[%dma_wait3A_283, %dma_wait3A_284, %dma_wait3A_285] : memref<8x64x128xf32, #tpu.memory_space<vmem>> -> memref<1x56x128xf32, #tpu.memory_space<vmem>>
      %dma_wait3A_287 = tpu.memref_squeeze %dma_wait3A_286 : memref<1x56x128xf32, #tpu.memory_space<vmem>> -> memref<56x128xf32, #tpu.memory_space<vmem>>
      %dma_wait3A_288 = tpu.memref_slice %arg8[%multiple_of3A_282] : memref<7168xi32, #tpu.memory_space<vmem>> -> memref<56xi32, #tpu.memory_space<vmem>>
      %dma_wait3A_289 = arith.constant 0 : i32
      %dma_wait3A_290 = arith.constant 0 : i32
      %dma_wait3A_291 = tpu.memref_slice %arg2[%dma_wait3A_289, %dma_wait3A_290] : memref<100000x128xf32, #tpu.memory_space<hbm>> -> memref<100000x128xf32, #tpu.memory_space<hbm>>
      tpu.wait_indirect_dma semaphore(%arg13 : memref<!tpu.dma_semaphore, #tpu.memory_space<semaphore_mem>>) src(%dma_wait3A_291 : memref<100000x128xf32, #tpu.memory_space<hbm>>) dst(%dma_wait3A_287 : memref<56x128xf32, #tpu.memory_space<vmem>>)
      %broadcast_in_dim3A_292 = arith.constant 0.000000e+00 : f32
      %broadcast_in_dim3A_293 = vector.broadcast %broadcast_in_dim3A_292 : f32 to vector<16xf32>
      %broadcast_in_dim3A_294 = arith.constant 0.000000e+00 : f32
      %broadcast_in_dim3A_295 = vector.broadcast %broadcast_in_dim3A_294 : f32 to vector<16xf32>
      %broadcast_in_dim3A_296 = arith.constant 0.000000e+00 : f32
      %broadcast_in_dim3A_297 = vector.broadcast %broadcast_in_dim3A_296 : f32 to vector<16xf32>
      %broadcast_in_dim3A_298 = arith.constant 0.000000e+00 : f32
      %broadcast_in_dim3A_299 = vector.broadcast %broadcast_in_dim3A_298 : f32 to vector<16xf32>
      %broadcast_in_dim3A_300 = arith.constant 0.000000e+00 : f32
      %broadcast_in_dim3A_301 = vector.broadcast %broadcast_in_dim3A_300 : f32 to vector<16xf32>
      %broadcast_in_dim3A_302 = arith.constant 0.000000e+00 : f32
      %broadcast_in_dim3A_303 = vector.broadcast %broadcast_in_dim3A_302 : f32 to vector<16xf32>
      %broadcast_in_dim3A_304 = arith.constant 0.000000e+00 : f32
      %broadcast_in_dim3A_305 = vector.broadcast %broadcast_in_dim3A_304 : f32 to vector<16xf32>
      %broadcast_in_dim3A_306 = arith.constant 0.000000e+00 : f32
      %broadcast_in_dim3A_307 = vector.broadcast %broadcast_in_dim3A_306 : f32 to vector<16xf32>
      %scan3A_308 = arith.constant 0 : i32
      %scan3A_309 = arith.constant 25 : i32
      %scan3A_310 = arith.addi %scan3A_308, %scan3A_309 : i32
      %scan3A_311 = arith.constant 1 : i32
      %scan3A_312:8 = scf.for %scan3A_899 = %scan3A_308 to %scan3A_310 step %scan3A_311 iter_args(%scan3A_900 = %broadcast_in_dim3A_293, %scan3A_901 = %broadcast_in_dim3A_295, %scan3A_902 = %broadcast_in_dim3A_297, %scan3A_903 = %broadcast_in_dim3A_299, %scan3A_904 = %broadcast_in_dim3A_301, %scan3A_905 = %broadcast_in_dim3A_303, %scan3A_906 = %broadcast_in_dim3A_305, %scan3A_907 = %broadcast_in_dim3A_307) -> (vector<16xf32>, vector<16xf32>, vector<16xf32>, vector<16xf32>, vector<16xf32>, vector<16xf32>, vector<16xf32>, vector<16xf32>)  : i32 {
        %mul3A_908 = arith.constant 2 : i32
        %mul3A_909 = arith.muli %scan3A_899, %mul3A_908 : i32
        %add3A_910 = arith.constant 0 : i32
        %add3A_911 = arith.addi %add3A_910, %mul3A_909 : i32
        %get3A = arith.constant 1 : i32
        %get3A_912 = arith.index_cast %get3A : i32 to index
        %get3A_913 = arith.index_cast %add3A_911 : i32 to index
        %get3A_914 = arith.constant 0 : index
        %get3A_915 = tpu.vector_load %arg9[%get3A_912, %get3A_913, %get3A_914] {strides = array<i32>} : memref<8x64x128xf32, #tpu.memory_space<vmem>>, vector<1x1x16xf32>,
        %get3A_916 = vector.shape_cast %get3A_915 : vector<1x1x16xf32> to vector<16xf32>
        %add3A_917 = arith.addf %scan3A_900, %get3A_916 : vector<16xf32>
        %get3A_918 = arith.constant 1 : i32
        %get3A_919 = arith.index_cast %get3A_918 : i32 to index
        %get3A_920 = arith.index_cast %add3A_911 : i32 to index
        %get3A_921 = arith.constant 16 : index
        %get3A_922 = tpu.vector_load %arg9[%get3A_919, %get3A_920, %get3A_921] {strides = array<i32>} : memref<8x64x128xf32, #tpu.memory_space<vmem>>, vector<1x1x16xf32>,
        %get3A_923 = vector.shape_cast %get3A_922 : vector<1x1x16xf32> to vector<16xf32>
        %add3A_924 = arith.addf %scan3A_901, %get3A_923 : vector<16xf32>
        %get3A_925 = arith.constant 1 : i32
        %get3A_926 = arith.index_cast %get3A_925 : i32 to index
        %get3A_927 = arith.index_cast %add3A_911 : i32 to index
        %get3A_928 = arith.constant 32 : index
        %get3A_929 = tpu.vector_load %arg9[%get3A_926, %get3A_927, %get3A_928] {strides = array<i32>} : memref<8x64x128xf32, #tpu.memory_space<vmem>>, vector<1x1x16xf32>,
        %get3A_930 = vector.shape_cast %get3A_929 : vector<1x1x16xf32> to vector<16xf32>
        %add3A_931 = arith.addf %scan3A_902, %get3A_930 : vector<16xf32>
        %get3A_932 = arith.constant 1 : i32
        %get3A_933 = arith.index_cast %get3A_932 : i32 to index
        %get3A_934 = arith.index_cast %add3A_911 : i32 to index
        %get3A_935 = arith.constant 48 : index
        %get3A_936 = tpu.vector_load %arg9[%get3A_933, %get3A_934, %get3A_935] {strides = array<i32>} : memref<8x64x128xf32, #tpu.memory_space<vmem>>, vector<1x1x16xf32>,
        %get3A_937 = vector.shape_cast %get3A_936 : vector<1x1x16xf32> to vector<16xf32>
        %add3A_938 = arith.addf %scan3A_903, %get3A_937 : vector<16xf32>
        %get3A_939 = arith.constant 1 : i32
        %get3A_940 = arith.index_cast %get3A_939 : i32 to index
        %get3A_941 = arith.index_cast %add3A_911 : i32 to index
        %get3A_942 = arith.constant 64 : index
        %get3A_943 = tpu.vector_load %arg9[%get3A_940, %get3A_941, %get3A_942] {strides = array<i32>} : memref<8x64x128xf32, #tpu.memory_space<vmem>>, vector<1x1x16xf32>,
        %get3A_944 = vector.shape_cast %get3A_943 : vector<1x1x16xf32> to vector<16xf32>
        %add3A_945 = arith.addf %scan3A_904, %get3A_944 : vector<16xf32>
        %get3A_946 = arith.constant 1 : i32
        %get3A_947 = arith.index_cast %get3A_946 : i32 to index
        %get3A_948 = arith.index_cast %add3A_911 : i32 to index
        %get3A_949 = arith.constant 80 : index
        %get3A_950 = tpu.vector_load %arg9[%get3A_947, %get3A_948, %get3A_949] {strides = array<i32>} : memref<8x64x128xf32, #tpu.memory_space<vmem>>, vector<1x1x16xf32>,
        %get3A_951 = vector.shape_cast %get3A_950 : vector<1x1x16xf32> to vector<16xf32>
        %add3A_952 = arith.addf %scan3A_905, %get3A_951 : vector<16xf32>
        %get3A_953 = arith.constant 1 : i32
        %get3A_954 = arith.index_cast %get3A_953 : i32 to index
        %get3A_955 = arith.index_cast %add3A_911 : i32 to index
        %get3A_956 = arith.constant 96 : index
        %get3A_957 = tpu.vector_load %arg9[%get3A_954, %get3A_955, %get3A_956] {strides = array<i32>} : memref<8x64x128xf32, #tpu.memory_space<vmem>>, vector<1x1x16xf32>,
        %get3A_958 = vector.shape_cast %get3A_957 : vector<1x1x16xf32> to vector<16xf32>
        %add3A_959 = arith.addf %scan3A_906, %get3A_958 : vector<16xf32>
        %get3A_960 = arith.constant 1 : i32
        %get3A_961 = arith.index_cast %get3A_960 : i32 to index
        %get3A_962 = arith.index_cast %add3A_911 : i32 to index
        %get3A_963 = arith.constant 112 : index
        %get3A_964 = tpu.vector_load %arg9[%get3A_961, %get3A_962, %get3A_963] {strides = array<i32>} : memref<8x64x128xf32, #tpu.memory_space<vmem>>, vector<1x1x16xf32>,
        %get3A_965 = vector.shape_cast %get3A_964 : vector<1x1x16xf32> to vector<16xf32>
        %add3A_966 = arith.addf %scan3A_907, %get3A_965 : vector<16xf32>
        %add3A_967 = arith.constant 1 : i32
        %add3A_968 = arith.addi %add3A_911, %add3A_967 : i32
        %get3A_969 = arith.constant 1 : i32
        %get3A_970 = arith.index_cast %get3A_969 : i32 to index
        %get3A_971 = arith.index_cast %add3A_968 : i32 to index
        %get3A_972 = arith.constant 0 : index
        %get3A_973 = tpu.vector_load %arg9[%get3A_970, %get3A_971, %get3A_972] {strides = array<i32>} : memref<8x64x128xf32, #tpu.memory_space<vmem>>, vector<1x1x16xf32>,
        %get3A_974 = vector.shape_cast %get3A_973 : vector<1x1x16xf32> to vector<16xf32>
        %add3A_975 = arith.addf %add3A_917, %get3A_974 : vector<16xf32>
        %add3A_976 = arith.constant 1 : i32
        %add3A_977 = arith.addi %add3A_911, %add3A_976 : i32
        %get3A_978 = arith.constant 1 : i32
        %get3A_979 = arith.index_cast %get3A_978 : i32 to index
        %get3A_980 = arith.index_cast %add3A_977 : i32 to index
        %get3A_981 = arith.constant 16 : index
        %get3A_982 = tpu.vector_load %arg9[%get3A_979, %get3A_980, %get3A_981] {strides = array<i32>} : memref<8x64x128xf32, #tpu.memory_space<vmem>>, vector<1x1x16xf32>,
        %get3A_983 = vector.shape_cast %get3A_982 : vector<1x1x16xf32> to vector<16xf32>
        %add3A_984 = arith.addf %add3A_924, %get3A_983 : vector<16xf32>
        %add3A_985 = arith.constant 1 : i32
        %add3A_986 = arith.addi %add3A_911, %add3A_985 : i32
        %get3A_987 = arith.constant 1 : i32
        %get3A_988 = arith.index_cast %get3A_987 : i32 to index
        %get3A_989 = arith.index_cast %add3A_986 : i32 to index
        %get3A_990 = arith.constant 32 : index
        %get3A_991 = tpu.vector_load %arg9[%get3A_988, %get3A_989, %get3A_990] {strides = array<i32>} : memref<8x64x128xf32, #tpu.memory_space<vmem>>, vector<1x1x16xf32>,
        %get3A_992 = vector.shape_cast %get3A_991 : vector<1x1x16xf32> to vector<16xf32>
        %add3A_993 = arith.addf %add3A_931, %get3A_992 : vector<16xf32>
        %add3A_994 = arith.constant 1 : i32
        %add3A_995 = arith.addi %add3A_911, %add3A_994 : i32
        %get3A_996 = arith.constant 1 : i32
        %get3A_997 = arith.index_cast %get3A_996 : i32 to index
        %get3A_998 = arith.index_cast %add3A_995 : i32 to index
        %get3A_999 = arith.constant 48 : index
        %get3A_1000 = tpu.vector_load %arg9[%get3A_997, %get3A_998, %get3A_999] {strides = array<i32>} : memref<8x64x128xf32, #tpu.memory_space<vmem>>, vector<1x1x16xf32>,
        %get3A_1001 = vector.shape_cast %get3A_1000 : vector<1x1x16xf32> to vector<16xf32>
        %add3A_1002 = arith.addf %add3A_938, %get3A_1001 : vector<16xf32>
        %add3A_1003 = arith.constant 1 : i32
        %add3A_1004 = arith.addi %add3A_911, %add3A_1003 : i32
        %get3A_1005 = arith.constant 1 : i32
        %get3A_1006 = arith.index_cast %get3A_1005 : i32 to index
        %get3A_1007 = arith.index_cast %add3A_1004 : i32 to index
        %get3A_1008 = arith.constant 64 : index
        %get3A_1009 = tpu.vector_load %arg9[%get3A_1006, %get3A_1007, %get3A_1008] {strides = array<i32>} : memref<8x64x128xf32, #tpu.memory_space<vmem>>, vector<1x1x16xf32>,
        %get3A_1010 = vector.shape_cast %get3A_1009 : vector<1x1x16xf32> to vector<16xf32>
        %add3A_1011 = arith.addf %add3A_945, %get3A_1010 : vector<16xf32>
        %add3A_1012 = arith.constant 1 : i32
        %add3A_1013 = arith.addi %add3A_911, %add3A_1012 : i32
        %get3A_1014 = arith.constant 1 : i32
        %get3A_1015 = arith.index_cast %get3A_1014 : i32 to index
        %get3A_1016 = arith.index_cast %add3A_1013 : i32 to index
        %get3A_1017 = arith.constant 80 : index
        %get3A_1018 = tpu.vector_load %arg9[%get3A_1015, %get3A_1016, %get3A_1017] {strides = array<i32>} : memref<8x64x128xf32, #tpu.memory_space<vmem>>, vector<1x1x16xf32>,
        %get3A_1019 = vector.shape_cast %get3A_1018 : vector<1x1x16xf32> to vector<16xf32>
        %add3A_1020 = arith.addf %add3A_952, %get3A_1019 : vector<16xf32>
        %add3A_1021 = arith.constant 1 : i32
        %add3A_1022 = arith.addi %add3A_911, %add3A_1021 : i32
        %get3A_1023 = arith.constant 1 : i32
        %get3A_1024 = arith.index_cast %get3A_1023 : i32 to index
        %get3A_1025 = arith.index_cast %add3A_1022 : i32 to index
        %get3A_1026 = arith.constant 96 : index
        %get3A_1027 = tpu.vector_load %arg9[%get3A_1024, %get3A_1025, %get3A_1026] {strides = array<i32>} : memref<8x64x128xf32, #tpu.memory_space<vmem>>, vector<1x1x16xf32>,
        %get3A_1028 = vector.shape_cast %get3A_1027 : vector<1x1x16xf32> to vector<16xf32>
        %add3A_1029 = arith.addf %add3A_959, %get3A_1028 : vector<16xf32>
        %add3A_1030 = arith.constant 1 : i32
        %add3A_1031 = arith.addi %add3A_911, %add3A_1030 : i32
        %get3A_1032 = arith.constant 1 : i32
        %get3A_1033 = arith.index_cast %get3A_1032 : i32 to index
        %get3A_1034 = arith.index_cast %add3A_1031 : i32 to index
        %get3A_1035 = arith.constant 112 : index
        %get3A_1036 = tpu.vector_load %arg9[%get3A_1033, %get3A_1034, %get3A_1035] {strides = array<i32>} : memref<8x64x128xf32, #tpu.memory_space<vmem>>, vector<1x1x16xf32>,
        %get3A_1037 = vector.shape_cast %get3A_1036 : vector<1x1x16xf32> to vector<16xf32>
        %add3A_1038 = arith.addf %add3A_966, %get3A_1037 : vector<16xf32>
        scf.yield %add3A_975, %add3A_984, %add3A_993, %add3A_1002, %add3A_1011, %add3A_1020, %add3A_1029, %add3A_1038 : vector<16xf32>, vector<16xf32>, vector<16xf32>, vector<16xf32>, vector<16xf32>, vector<16xf32>, vector<16xf32>, vector<16xf32>
      }
      %scan3A_313 = arith.constant 25 : i32
      %mul3A_314 = arith.constant 1 : i32
      %mul3A_315 = arith.muli %add3A_279, %mul3A_314 : i32
      %add3A_316 = arith.constant 0 : i32
      %add3A_317 = arith.addi %mul3A_315, %add3A_316 : i32
      %swap3A_318 = arith.index_cast %add3A_317 : i32 to index
      %swap3A_319 = arith.constant 0 : index
      %swap3A_320 = tpu.vector_load %arg10[%swap3A_318, %swap3A_319] {strides = array<i32>} : memref<128x128xf32, #tpu.memory_space<vmem>>, vector<1x16xf32>,
      %swap3A_321 = vector.shape_cast %swap3A_320 : vector<1x16xf32> to vector<16xf32>
      %swap3A_322 = vector.shape_cast %scan3A_312#0 : vector<16xf32> to vector<1x16xf32>
      tpu.vector_store %arg10[%swap3A_318, %swap3A_319], %swap3A_322 {strides = array<i32>} : memref<128x128xf32, #tpu.memory_space<vmem>>, vector<1x16xf32>,
      %swap3A_323 = arith.index_cast %add3A_317 : i32 to index
      %swap3A_324 = arith.constant 16 : index
      %swap3A_325 = tpu.vector_load %arg10[%swap3A_323, %swap3A_324] {strides = array<i32>} : memref<128x128xf32, #tpu.memory_space<vmem>>, vector<1x16xf32>,
      %swap3A_326 = vector.shape_cast %swap3A_325 : vector<1x16xf32> to vector<16xf32>
      %swap3A_327 = vector.shape_cast %scan3A_312#1 : vector<16xf32> to vector<1x16xf32>
      tpu.vector_store %arg10[%swap3A_323, %swap3A_324], %swap3A_327 {strides = array<i32>} : memref<128x128xf32, #tpu.memory_space<vmem>>, vector<1x16xf32>,
      %swap3A_328 = arith.index_cast %add3A_317 : i32 to index
      %swap3A_329 = arith.constant 32 : index
      %swap3A_330 = tpu.vector_load %arg10[%swap3A_328, %swap3A_329] {strides = array<i32>} : memref<128x128xf32, #tpu.memory_space<vmem>>, vector<1x16xf32>,
      %swap3A_331 = vector.shape_cast %swap3A_330 : vector<1x16xf32> to vector<16xf32>
      %swap3A_332 = vector.shape_cast %scan3A_312#2 : vector<16xf32> to vector<1x16xf32>
      tpu.vector_store %arg10[%swap3A_328, %swap3A_329], %swap3A_332 {strides = array<i32>} : memref<128x128xf32, #tpu.memory_space<vmem>>, vector<1x16xf32>,
      %swap3A_333 = arith.index_cast %add3A_317 : i32 to index
      %swap3A_334 = arith.constant 48 : index
      %swap3A_335 = tpu.vector_load %arg10[%swap3A_333, %swap3A_334] {strides = array<i32>} : memref<128x128xf32, #tpu.memory_space<vmem>>, vector<1x16xf32>,
      %swap3A_336 = vector.shape_cast %swap3A_335 : vector<1x16xf32> to vector<16xf32>
      %swap3A_337 = vector.shape_cast %scan3A_312#3 : vector<16xf32> to vector<1x16xf32>
      tpu.vector_store %arg10[%swap3A_333, %swap3A_334], %swap3A_337 {strides = array<i32>} : memref<128x128xf32, #tpu.memory_space<vmem>>, vector<1x16xf32>,
      %swap3A_338 = arith.index_cast %add3A_317 : i32 to index
      %swap3A_339 = arith.constant 64 : index
      %swap3A_340 = tpu.vector_load %arg10[%swap3A_338, %swap3A_339] {strides = array<i32>} : memref<128x128xf32, #tpu.memory_space<vmem>>, vector<1x16xf32>,
      %swap3A_341 = vector.shape_cast %swap3A_340 : vector<1x16xf32> to vector<16xf32>
      %swap3A_342 = vector.shape_cast %scan3A_312#4 : vector<16xf32> to vector<1x16xf32>
      tpu.vector_store %arg10[%swap3A_338, %swap3A_339], %swap3A_342 {strides = array<i32>} : memref<128x128xf32, #tpu.memory_space<vmem>>, vector<1x16xf32>,
      %swap3A_343 = arith.index_cast %add3A_317 : i32 to index
      %swap3A_344 = arith.constant 80 : index
      %swap3A_345 = tpu.vector_load %arg10[%swap3A_343, %swap3A_344] {strides = array<i32>} : memref<128x128xf32, #tpu.memory_space<vmem>>, vector<1x16xf32>,
      %swap3A_346 = vector.shape_cast %swap3A_345 : vector<1x16xf32> to vector<16xf32>
      %swap3A_347 = vector.shape_cast %scan3A_312#5 : vector<16xf32> to vector<1x16xf32>
      tpu.vector_store %arg10[%swap3A_343, %swap3A_344], %swap3A_347 {strides = array<i32>} : memref<128x128xf32, #tpu.memory_space<vmem>>, vector<1x16xf32>,
      %swap3A_348 = arith.index_cast %add3A_317 : i32 to index
      %swap3A_349 = arith.constant 96 : index
      %swap3A_350 = tpu.vector_load %arg10[%swap3A_348, %swap3A_349] {strides = array<i32>} : memref<128x128xf32, #tpu.memory_space<vmem>>, vector<1x16xf32>,
      %swap3A_351 = vector.shape_cast %swap3A_350 : vector<1x16xf32> to vector<16xf32>
      %swap3A_352 = vector.shape_cast %scan3A_312#6 : vector<16xf32> to vector<1x16xf32>
      tpu.vector_store %arg10[%swap3A_348, %swap3A_349], %swap3A_352 {strides = array<i32>} : memref<128x128xf32, #tpu.memory_space<vmem>>, vector<1x16xf32>,
      %swap3A_353 = arith.index_cast %add3A_317 : i32 to index
      %swap3A_354 = arith.constant 112 : index
      %swap3A_355 = tpu.vector_load %arg10[%swap3A_353, %swap3A_354] {strides = array<i32>} : memref<128x128xf32, #tpu.memory_space<vmem>>, vector<1x16xf32>,
      %swap3A_356 = vector.shape_cast %swap3A_355 : vector<1x16xf32> to vector<16xf32>
      %swap3A_357 = vector.shape_cast %scan3A_312#7 : vector<16xf32> to vector<1x16xf32>
      tpu.vector_store %arg10[%swap3A_353, %swap3A_354], %swap3A_357 {strides = array<i32>} : memref<128x128xf32, #tpu.memory_space<vmem>>, vector<1x16xf32>,
      %add3A_358 = arith.constant 8 : i32
      %add3A_359 = arith.addi %add3A_279, %add3A_358 : i32
      %lt3A_360 = arith.constant 128 : i32
      %lt3A_361 = arith.cmpi slt, %add3A_359, %lt3A_360 : i32
      %convert_element_type3A_362 = arith.extui %lt3A_361 : i1 to i32
      %cond3A_363 = arith.constant 0 : i32
      %cond3A_364 = arith.cmpi ne, %convert_element_type3A_362, %cond3A_363 : i32
      scf.if %cond3A_364 {
        %add3A_899 = arith.constant 8 : i32
        %add3A_900 = arith.addi %add3A_279, %add3A_899 : i32
        %mul3A_901 = arith.constant 56 : i32
        %mul3A_902 = arith.muli %add3A_900, %mul3A_901 : i32
        %multiple_of3A_903 = tpu.assume_multiple %mul3A_902, 8 : i32
        %dma_start3A_904 = arith.constant 1 : i32
        %dma_start3A_905 = arith.constant 0 : i32
        %dma_start3A_906 = arith.constant 0 : i32
        %dma_start3A_907 = tpu.memref_slice %arg9[%dma_start3A_904, %dma_start3A_905, %dma_start3A_906] : memref<8x64x128xf32, #tpu.memory_space<vmem>> -> memref<1x56x128xf32, #tpu.memory_space<vmem>>
        %dma_start3A_908 = tpu.memref_squeeze %dma_start3A_907 : memref<1x56x128xf32, #tpu.memory_space<vmem>> -> memref<56x128xf32, #tpu.memory_space<vmem>>
        %dma_start3A_909 = tpu.memref_slice %arg8[%multiple_of3A_903] : memref<7168xi32, #tpu.memory_space<vmem>> -> memref<56xi32, #tpu.memory_space<vmem>>
        %dma_start3A_910 = arith.constant 0 : i32
        %dma_start3A_911 = arith.constant 0 : i32
        %dma_start3A_912 = tpu.memref_slice %arg2[%dma_start3A_910, %dma_start3A_911] : memref<100000x128xf32, #tpu.memory_space<hbm>> -> memref<100000x128xf32, #tpu.memory_space<hbm>>
        tpu.enqueue_indirect_dma source(%dma_start3A_912 : memref<100000x128xf32, #tpu.memory_space<hbm>>) target(%dma_start3A_908 : memref<56x128xf32, #tpu.memory_space<vmem>>) offsets(%dma_start3A_909 : memref<56xi32, #tpu.memory_space<vmem>>) semaphore(%arg13 : memref<!tpu.dma_semaphore, #tpu.memory_space<semaphore_mem>>)
      } else {
      }
      %mul3A_365 = arith.constant 8 : i32
      %mul3A_366 = arith.muli %scan3A_192, %mul3A_365 : i32
      %add3A_367 = arith.constant 2 : i32
      %add3A_368 = arith.addi %mul3A_366, %add3A_367 : i32
      %mul3A_369 = arith.constant 56 : i32
      %mul3A_370 = arith.muli %add3A_368, %mul3A_369 : i32
      %multiple_of3A_371 = tpu.assume_multiple %mul3A_370, 8 : i32
      %dma_wait3A_372 = arith.constant 2 : i32
      %dma_wait3A_373 = arith.constant 0 : i32
      %dma_wait3A_374 = arith.constant 0 : i32
      %dma_wait3A_375 = tpu.memref_slice %arg9[%dma_wait3A_372, %dma_wait3A_373, %dma_wait3A_374] : memref<8x64x128xf32, #tpu.memory_space<vmem>> -> memref<1x56x128xf32, #tpu.memory_space<vmem>>
      %dma_wait3A_376 = tpu.memref_squeeze %dma_wait3A_375 : memref<1x56x128xf32, #tpu.memory_space<vmem>> -> memref<56x128xf32, #tpu.memory_space<vmem>>
      %dma_wait3A_377 = tpu.memref_slice %arg8[%multiple_of3A_371] : memref<7168xi32, #tpu.memory_space<vmem>> -> memref<56xi32, #tpu.memory_space<vmem>>
      %dma_wait3A_378 = arith.constant 0 : i32
      %dma_wait3A_379 = arith.constant 0 : i32
      %dma_wait3A_380 = tpu.memref_slice %arg2[%dma_wait3A_378, %dma_wait3A_379] : memref<100000x128xf32, #tpu.memory_space<hbm>> -> memref<100000x128xf32, #tpu.memory_space<hbm>>
      tpu.wait_indirect_dma semaphore(%arg14 : memref<!tpu.dma_semaphore, #tpu.memory_space<semaphore_mem>>) src(%dma_wait3A_380 : memref<100000x128xf32, #tpu.memory_space<hbm>>) dst(%dma_wait3A_376 : memref<56x128xf32, #tpu.memory_space<vmem>>)
      %broadcast_in_dim3A_381 = arith.constant 0.000000e+00 : f32
      %broadcast_in_dim3A_382 = vector.broadcast %broadcast_in_dim3A_381 : f32 to vector<16xf32>
      %broadcast_in_dim3A_383 = arith.constant 0.000000e+00 : f32
      %broadcast_in_dim3A_384 = vector.broadcast %broadcast_in_dim3A_383 : f32 to vector<16xf32>
      %broadcast_in_dim3A_385 = arith.constant 0.000000e+00 : f32
      %broadcast_in_dim3A_386 = vector.broadcast %broadcast_in_dim3A_385 : f32 to vector<16xf32>
      %broadcast_in_dim3A_387 = arith.constant 0.000000e+00 : f32
      %broadcast_in_dim3A_388 = vector.broadcast %broadcast_in_dim3A_387 : f32 to vector<16xf32>
      %broadcast_in_dim3A_389 = arith.constant 0.000000e+00 : f32
      %broadcast_in_dim3A_390 = vector.broadcast %broadcast_in_dim3A_389 : f32 to vector<16xf32>
      %broadcast_in_dim3A_391 = arith.constant 0.000000e+00 : f32
      %broadcast_in_dim3A_392 = vector.broadcast %broadcast_in_dim3A_391 : f32 to vector<16xf32>
      %broadcast_in_dim3A_393 = arith.constant 0.000000e+00 : f32
      %broadcast_in_dim3A_394 = vector.broadcast %broadcast_in_dim3A_393 : f32 to vector<16xf32>
      %broadcast_in_dim3A_395 = arith.constant 0.000000e+00 : f32
      %broadcast_in_dim3A_396 = vector.broadcast %broadcast_in_dim3A_395 : f32 to vector<16xf32>
      %scan3A_397 = arith.constant 0 : i32
      %scan3A_398 = arith.constant 25 : i32
      %scan3A_399 = arith.addi %scan3A_397, %scan3A_398 : i32
      %scan3A_400 = arith.constant 1 : i32
      %scan3A_401:8 = scf.for %scan3A_899 = %scan3A_397 to %scan3A_399 step %scan3A_400 iter_args(%scan3A_900 = %broadcast_in_dim3A_382, %scan3A_901 = %broadcast_in_dim3A_384, %scan3A_902 = %broadcast_in_dim3A_386, %scan3A_903 = %broadcast_in_dim3A_388, %scan3A_904 = %broadcast_in_dim3A_390, %scan3A_905 = %broadcast_in_dim3A_392, %scan3A_906 = %broadcast_in_dim3A_394, %scan3A_907 = %broadcast_in_dim3A_396) -> (vector<16xf32>, vector<16xf32>, vector<16xf32>, vector<16xf32>, vector<16xf32>, vector<16xf32>, vector<16xf32>, vector<16xf32>)  : i32 {
        %mul3A_908 = arith.constant 2 : i32
        %mul3A_909 = arith.muli %scan3A_899, %mul3A_908 : i32
        %add3A_910 = arith.constant 0 : i32
        %add3A_911 = arith.addi %add3A_910, %mul3A_909 : i32
        %get3A = arith.constant 2 : i32
        %get3A_912 = arith.index_cast %get3A : i32 to index
        %get3A_913 = arith.index_cast %add3A_911 : i32 to index
        %get3A_914 = arith.constant 0 : index
        %get3A_915 = tpu.vector_load %arg9[%get3A_912, %get3A_913, %get3A_914] {strides = array<i32>} : memref<8x64x128xf32, #tpu.memory_space<vmem>>, vector<1x1x16xf32>,
        %get3A_916 = vector.shape_cast %get3A_915 : vector<1x1x16xf32> to vector<16xf32>
        %add3A_917 = arith.addf %scan3A_900, %get3A_916 : vector<16xf32>
        %get3A_918 = arith.constant 2 : i32
        %get3A_919 = arith.index_cast %get3A_918 : i32 to index
        %get3A_920 = arith.index_cast %add3A_911 : i32 to index
        %get3A_921 = arith.constant 16 : index
        %get3A_922 = tpu.vector_load %arg9[%get3A_919, %get3A_920, %get3A_921] {strides = array<i32>} : memref<8x64x128xf32, #tpu.memory_space<vmem>>, vector<1x1x16xf32>,
        %get3A_923 = vector.shape_cast %get3A_922 : vector<1x1x16xf32> to vector<16xf32>
        %add3A_924 = arith.addf %scan3A_901, %get3A_923 : vector<16xf32>
        %get3A_925 = arith.constant 2 : i32
        %get3A_926 = arith.index_cast %get3A_925 : i32 to index
        %get3A_927 = arith.index_cast %add3A_911 : i32 to index
        %get3A_928 = arith.constant 32 : index
        %get3A_929 = tpu.vector_load %arg9[%get3A_926, %get3A_927, %get3A_928] {strides = array<i32>} : memref<8x64x128xf32, #tpu.memory_space<vmem>>, vector<1x1x16xf32>,
        %get3A_930 = vector.shape_cast %get3A_929 : vector<1x1x16xf32> to vector<16xf32>
        %add3A_931 = arith.addf %scan3A_902, %get3A_930 : vector<16xf32>
        %get3A_932 = arith.constant 2 : i32
        %get3A_933 = arith.index_cast %get3A_932 : i32 to index
        %get3A_934 = arith.index_cast %add3A_911 : i32 to index
        %get3A_935 = arith.constant 48 : index
        %get3A_936 = tpu.vector_load %arg9[%get3A_933, %get3A_934, %get3A_935] {strides = array<i32>} : memref<8x64x128xf32, #tpu.memory_space<vmem>>, vector<1x1x16xf32>,
        %get3A_937 = vector.shape_cast %get3A_936 : vector<1x1x16xf32> to vector<16xf32>
        %add3A_938 = arith.addf %scan3A_903, %get3A_937 : vector<16xf32>
        %get3A_939 = arith.constant 2 : i32
        %get3A_940 = arith.index_cast %get3A_939 : i32 to index
        %get3A_941 = arith.index_cast %add3A_911 : i32 to index
        %get3A_942 = arith.constant 64 : index
        %get3A_943 = tpu.vector_load %arg9[%get3A_940, %get3A_941, %get3A_942] {strides = array<i32>} : memref<8x64x128xf32, #tpu.memory_space<vmem>>, vector<1x1x16xf32>,
        %get3A_944 = vector.shape_cast %get3A_943 : vector<1x1x16xf32> to vector<16xf32>
        %add3A_945 = arith.addf %scan3A_904, %get3A_944 : vector<16xf32>
        %get3A_946 = arith.constant 2 : i32
        %get3A_947 = arith.index_cast %get3A_946 : i32 to index
        %get3A_948 = arith.index_cast %add3A_911 : i32 to index
        %get3A_949 = arith.constant 80 : index
        %get3A_950 = tpu.vector_load %arg9[%get3A_947, %get3A_948, %get3A_949] {strides = array<i32>} : memref<8x64x128xf32, #tpu.memory_space<vmem>>, vector<1x1x16xf32>,
        %get3A_951 = vector.shape_cast %get3A_950 : vector<1x1x16xf32> to vector<16xf32>
        %add3A_952 = arith.addf %scan3A_905, %get3A_951 : vector<16xf32>
        %get3A_953 = arith.constant 2 : i32
        %get3A_954 = arith.index_cast %get3A_953 : i32 to index
        %get3A_955 = arith.index_cast %add3A_911 : i32 to index
        %get3A_956 = arith.constant 96 : index
        %get3A_957 = tpu.vector_load %arg9[%get3A_954, %get3A_955, %get3A_956] {strides = array<i32>} : memref<8x64x128xf32, #tpu.memory_space<vmem>>, vector<1x1x16xf32>,
        %get3A_958 = vector.shape_cast %get3A_957 : vector<1x1x16xf32> to vector<16xf32>
        %add3A_959 = arith.addf %scan3A_906, %get3A_958 : vector<16xf32>
        %get3A_960 = arith.constant 2 : i32
        %get3A_961 = arith.index_cast %get3A_960 : i32 to index
        %get3A_962 = arith.index_cast %add3A_911 : i32 to index
        %get3A_963 = arith.constant 112 : index
        %get3A_964 = tpu.vector_load %arg9[%get3A_961, %get3A_962, %get3A_963] {strides = array<i32>} : memref<8x64x128xf32, #tpu.memory_space<vmem>>, vector<1x1x16xf32>,
        %get3A_965 = vector.shape_cast %get3A_964 : vector<1x1x16xf32> to vector<16xf32>
        %add3A_966 = arith.addf %scan3A_907, %get3A_965 : vector<16xf32>
        %add3A_967 = arith.constant 1 : i32
        %add3A_968 = arith.addi %add3A_911, %add3A_967 : i32
        %get3A_969 = arith.constant 2 : i32
        %get3A_970 = arith.index_cast %get3A_969 : i32 to index
        %get3A_971 = arith.index_cast %add3A_968 : i32 to index
        %get3A_972 = arith.constant 0 : index
        %get3A_973 = tpu.vector_load %arg9[%get3A_970, %get3A_971, %get3A_972] {strides = array<i32>} : memref<8x64x128xf32, #tpu.memory_space<vmem>>, vector<1x1x16xf32>,
        %get3A_974 = vector.shape_cast %get3A_973 : vector<1x1x16xf32> to vector<16xf32>
        %add3A_975 = arith.addf %add3A_917, %get3A_974 : vector<16xf32>
        %add3A_976 = arith.constant 1 : i32
        %add3A_977 = arith.addi %add3A_911, %add3A_976 : i32
        %get3A_978 = arith.constant 2 : i32
        %get3A_979 = arith.index_cast %get3A_978 : i32 to index
        %get3A_980 = arith.index_cast %add3A_977 : i32 to index
        %get3A_981 = arith.constant 16 : index
        %get3A_982 = tpu.vector_load %arg9[%get3A_979, %get3A_980, %get3A_981] {strides = array<i32>} : memref<8x64x128xf32, #tpu.memory_space<vmem>>, vector<1x1x16xf32>,
        %get3A_983 = vector.shape_cast %get3A_982 : vector<1x1x16xf32> to vector<16xf32>
        %add3A_984 = arith.addf %add3A_924, %get3A_983 : vector<16xf32>
        %add3A_985 = arith.constant 1 : i32
        %add3A_986 = arith.addi %add3A_911, %add3A_985 : i32
        %get3A_987 = arith.constant 2 : i32
        %get3A_988 = arith.index_cast %get3A_987 : i32 to index
        %get3A_989 = arith.index_cast %add3A_986 : i32 to index
        %get3A_990 = arith.constant 32 : index
        %get3A_991 = tpu.vector_load %arg9[%get3A_988, %get3A_989, %get3A_990] {strides = array<i32>} : memref<8x64x128xf32, #tpu.memory_space<vmem>>, vector<1x1x16xf32>,
        %get3A_992 = vector.shape_cast %get3A_991 : vector<1x1x16xf32> to vector<16xf32>
        %add3A_993 = arith.addf %add3A_931, %get3A_992 : vector<16xf32>
        %add3A_994 = arith.constant 1 : i32
        %add3A_995 = arith.addi %add3A_911, %add3A_994 : i32
        %get3A_996 = arith.constant 2 : i32
        %get3A_997 = arith.index_cast %get3A_996 : i32 to index
        %get3A_998 = arith.index_cast %add3A_995 : i32 to index
        %get3A_999 = arith.constant 48 : index
        %get3A_1000 = tpu.vector_load %arg9[%get3A_997, %get3A_998, %get3A_999] {strides = array<i32>} : memref<8x64x128xf32, #tpu.memory_space<vmem>>, vector<1x1x16xf32>,
        %get3A_1001 = vector.shape_cast %get3A_1000 : vector<1x1x16xf32> to vector<16xf32>
        %add3A_1002 = arith.addf %add3A_938, %get3A_1001 : vector<16xf32>
        %add3A_1003 = arith.constant 1 : i32
        %add3A_1004 = arith.addi %add3A_911, %add3A_1003 : i32
        %get3A_1005 = arith.constant 2 : i32
        %get3A_1006 = arith.index_cast %get3A_1005 : i32 to index
        %get3A_1007 = arith.index_cast %add3A_1004 : i32 to index
        %get3A_1008 = arith.constant 64 : index
        %get3A_1009 = tpu.vector_load %arg9[%get3A_1006, %get3A_1007, %get3A_1008] {strides = array<i32>} : memref<8x64x128xf32, #tpu.memory_space<vmem>>, vector<1x1x16xf32>,
        %get3A_1010 = vector.shape_cast %get3A_1009 : vector<1x1x16xf32> to vector<16xf32>
        %add3A_1011 = arith.addf %add3A_945, %get3A_1010 : vector<16xf32>
        %add3A_1012 = arith.constant 1 : i32
        %add3A_1013 = arith.addi %add3A_911, %add3A_1012 : i32
        %get3A_1014 = arith.constant 2 : i32
        %get3A_1015 = arith.index_cast %get3A_1014 : i32 to index
        %get3A_1016 = arith.index_cast %add3A_1013 : i32 to index
        %get3A_1017 = arith.constant 80 : index
        %get3A_1018 = tpu.vector_load %arg9[%get3A_1015, %get3A_1016, %get3A_1017] {strides = array<i32>} : memref<8x64x128xf32, #tpu.memory_space<vmem>>, vector<1x1x16xf32>,
        %get3A_1019 = vector.shape_cast %get3A_1018 : vector<1x1x16xf32> to vector<16xf32>
        %add3A_1020 = arith.addf %add3A_952, %get3A_1019 : vector<16xf32>
        %add3A_1021 = arith.constant 1 : i32
        %add3A_1022 = arith.addi %add3A_911, %add3A_1021 : i32
        %get3A_1023 = arith.constant 2 : i32
        %get3A_1024 = arith.index_cast %get3A_1023 : i32 to index
        %get3A_1025 = arith.index_cast %add3A_1022 : i32 to index
        %get3A_1026 = arith.constant 96 : index
        %get3A_1027 = tpu.vector_load %arg9[%get3A_1024, %get3A_1025, %get3A_1026] {strides = array<i32>} : memref<8x64x128xf32, #tpu.memory_space<vmem>>, vector<1x1x16xf32>,
        %get3A_1028 = vector.shape_cast %get3A_1027 : vector<1x1x16xf32> to vector<16xf32>
        %add3A_1029 = arith.addf %add3A_959, %get3A_1028 : vector<16xf32>
        %add3A_1030 = arith.constant 1 : i32
        %add3A_1031 = arith.addi %add3A_911, %add3A_1030 : i32
        %get3A_1032 = arith.constant 2 : i32
        %get3A_1033 = arith.index_cast %get3A_1032 : i32 to index
        %get3A_1034 = arith.index_cast %add3A_1031 : i32 to index
        %get3A_1035 = arith.constant 112 : index
        %get3A_1036 = tpu.vector_load %arg9[%get3A_1033, %get3A_1034, %get3A_1035] {strides = array<i32>} : memref<8x64x128xf32, #tpu.memory_space<vmem>>, vector<1x1x16xf32>,
        %get3A_1037 = vector.shape_cast %get3A_1036 : vector<1x1x16xf32> to vector<16xf32>
        %add3A_1038 = arith.addf %add3A_966, %get3A_1037 : vector<16xf32>
        scf.yield %add3A_975, %add3A_984, %add3A_993, %add3A_1002, %add3A_1011, %add3A_1020, %add3A_1029, %add3A_1038 : vector<16xf32>, vector<16xf32>, vector<16xf32>, vector<16xf32>, vector<16xf32>, vector<16xf32>, vector<16xf32>, vector<16xf32>
      }
      %scan3A_402 = arith.constant 25 : i32
      %mul3A_403 = arith.constant 1 : i32
      %mul3A_404 = arith.muli %add3A_368, %mul3A_403 : i32
      %add3A_405 = arith.constant 0 : i32
      %add3A_406 = arith.addi %mul3A_404, %add3A_405 : i32
      %swap3A_407 = arith.index_cast %add3A_406 : i32 to index
      %swap3A_408 = arith.constant 0 : index
      %swap3A_409 = tpu.vector_load %arg10[%swap3A_407, %swap3A_408] {strides = array<i32>} : memref<128x128xf32, #tpu.memory_space<vmem>>, vector<1x16xf32>,
      %swap3A_410 = vector.shape_cast %swap3A_409 : vector<1x16xf32> to vector<16xf32>
      %swap3A_411 = vector.shape_cast %scan3A_401#0 : vector<16xf32> to vector<1x16xf32>
      tpu.vector_store %arg10[%swap3A_407, %swap3A_408], %swap3A_411 {strides = array<i32>} : memref<128x128xf32, #tpu.memory_space<vmem>>, vector<1x16xf32>,
      %swap3A_412 = arith.index_cast %add3A_406 : i32 to index
      %swap3A_413 = arith.constant 16 : index
      %swap3A_414 = tpu.vector_load %arg10[%swap3A_412, %swap3A_413] {strides = array<i32>} : memref<128x128xf32, #tpu.memory_space<vmem>>, vector<1x16xf32>,
      %swap3A_415 = vector.shape_cast %swap3A_414 : vector<1x16xf32> to vector<16xf32>
      %swap3A_416 = vector.shape_cast %scan3A_401#1 : vector<16xf32> to vector<1x16xf32>
      tpu.vector_store %arg10[%swap3A_412, %swap3A_413], %swap3A_416 {strides = array<i32>} : memref<128x128xf32, #tpu.memory_space<vmem>>, vector<1x16xf32>,
      %swap3A_417 = arith.index_cast %add3A_406 : i32 to index
      %swap3A_418 = arith.constant 32 : index
      %swap3A_419 = tpu.vector_load %arg10[%swap3A_417, %swap3A_418] {strides = array<i32>} : memref<128x128xf32, #tpu.memory_space<vmem>>, vector<1x16xf32>,
      %swap3A_420 = vector.shape_cast %swap3A_419 : vector<1x16xf32> to vector<16xf32>
      %swap3A_421 = vector.shape_cast %scan3A_401#2 : vector<16xf32> to vector<1x16xf32>
      tpu.vector_store %arg10[%swap3A_417, %swap3A_418], %swap3A_421 {strides = array<i32>} : memref<128x128xf32, #tpu.memory_space<vmem>>, vector<1x16xf32>,
      %swap3A_422 = arith.index_cast %add3A_406 : i32 to index
      %swap3A_423 = arith.constant 48 : index
      %swap3A_424 = tpu.vector_load %arg10[%swap3A_422, %swap3A_423] {strides = array<i32>} : memref<128x128xf32, #tpu.memory_space<vmem>>, vector<1x16xf32>,
      %swap3A_425 = vector.shape_cast %swap3A_424 : vector<1x16xf32> to vector<16xf32>
      %swap3A_426 = vector.shape_cast %scan3A_401#3 : vector<16xf32> to vector<1x16xf32>
      tpu.vector_store %arg10[%swap3A_422, %swap3A_423], %swap3A_426 {strides = array<i32>} : memref<128x128xf32, #tpu.memory_space<vmem>>, vector<1x16xf32>,
      %swap3A_427 = arith.index_cast %add3A_406 : i32 to index
      %swap3A_428 = arith.constant 64 : index
      %swap3A_429 = tpu.vector_load %arg10[%swap3A_427, %swap3A_428] {strides = array<i32>} : memref<128x128xf32, #tpu.memory_space<vmem>>, vector<1x16xf32>,
      %swap3A_430 = vector.shape_cast %swap3A_429 : vector<1x16xf32> to vector<16xf32>
      %swap3A_431 = vector.shape_cast %scan3A_401#4 : vector<16xf32> to vector<1x16xf32>
      tpu.vector_store %arg10[%swap3A_427, %swap3A_428], %swap3A_431 {strides = array<i32>} : memref<128x128xf32, #tpu.memory_space<vmem>>, vector<1x16xf32>,
      %swap3A_432 = arith.index_cast %add3A_406 : i32 to index
      %swap3A_433 = arith.constant 80 : index
      %swap3A_434 = tpu.vector_load %arg10[%swap3A_432, %swap3A_433] {strides = array<i32>} : memref<128x128xf32, #tpu.memory_space<vmem>>, vector<1x16xf32>,
      %swap3A_435 = vector.shape_cast %swap3A_434 : vector<1x16xf32> to vector<16xf32>
      %swap3A_436 = vector.shape_cast %scan3A_401#5 : vector<16xf32> to vector<1x16xf32>
      tpu.vector_store %arg10[%swap3A_432, %swap3A_433], %swap3A_436 {strides = array<i32>} : memref<128x128xf32, #tpu.memory_space<vmem>>, vector<1x16xf32>,
      %swap3A_437 = arith.index_cast %add3A_406 : i32 to index
      %swap3A_438 = arith.constant 96 : index
      %swap3A_439 = tpu.vector_load %arg10[%swap3A_437, %swap3A_438] {strides = array<i32>} : memref<128x128xf32, #tpu.memory_space<vmem>>, vector<1x16xf32>,
      %swap3A_440 = vector.shape_cast %swap3A_439 : vector<1x16xf32> to vector<16xf32>
      %swap3A_441 = vector.shape_cast %scan3A_401#6 : vector<16xf32> to vector<1x16xf32>
      tpu.vector_store %arg10[%swap3A_437, %swap3A_438], %swap3A_441 {strides = array<i32>} : memref<128x128xf32, #tpu.memory_space<vmem>>, vector<1x16xf32>,
      %swap3A_442 = arith.index_cast %add3A_406 : i32 to index
      %swap3A_443 = arith.constant 112 : index
      %swap3A_444 = tpu.vector_load %arg10[%swap3A_442, %swap3A_443] {strides = array<i32>} : memref<128x128xf32, #tpu.memory_space<vmem>>, vector<1x16xf32>,
      %swap3A_445 = vector.shape_cast %swap3A_444 : vector<1x16xf32> to vector<16xf32>
      %swap3A_446 = vector.shape_cast %scan3A_401#7 : vector<16xf32> to vector<1x16xf32>
      tpu.vector_store %arg10[%swap3A_442, %swap3A_443], %swap3A_446 {strides = array<i32>} : memref<128x128xf32, #tpu.memory_space<vmem>>, vector<1x16xf32>,
      %add3A_447 = arith.constant 8 : i32
      %add3A_448 = arith.addi %add3A_368, %add3A_447 : i32
      %lt3A_449 = arith.constant 128 : i32
      %lt3A_450 = arith.cmpi slt, %add3A_448, %lt3A_449 : i32
      %convert_element_type3A_451 = arith.extui %lt3A_450 : i1 to i32
      %cond3A_452 = arith.constant 0 : i32
      %cond3A_453 = arith.cmpi ne, %convert_element_type3A_451, %cond3A_452 : i32
      scf.if %cond3A_453 {
        %add3A_899 = arith.constant 8 : i32
        %add3A_900 = arith.addi %add3A_368, %add3A_899 : i32
        %mul3A_901 = arith.constant 56 : i32
        %mul3A_902 = arith.muli %add3A_900, %mul3A_901 : i32
        %multiple_of3A_903 = tpu.assume_multiple %mul3A_902, 8 : i32
        %dma_start3A_904 = arith.constant 2 : i32
        %dma_start3A_905 = arith.constant 0 : i32
        %dma_start3A_906 = arith.constant 0 : i32
        %dma_start3A_907 = tpu.memref_slice %arg9[%dma_start3A_904, %dma_start3A_905, %dma_start3A_906] : memref<8x64x128xf32, #tpu.memory_space<vmem>> -> memref<1x56x128xf32, #tpu.memory_space<vmem>>
        %dma_start3A_908 = tpu.memref_squeeze %dma_start3A_907 : memref<1x56x128xf32, #tpu.memory_space<vmem>> -> memref<56x128xf32, #tpu.memory_space<vmem>>
        %dma_start3A_909 = tpu.memref_slice %arg8[%multiple_of3A_903] : memref<7168xi32, #tpu.memory_space<vmem>> -> memref<56xi32, #tpu.memory_space<vmem>>
        %dma_start3A_910 = arith.constant 0 : i32
        %dma_start3A_911 = arith.constant 0 : i32
        %dma_start3A_912 = tpu.memref_slice %arg2[%dma_start3A_910, %dma_start3A_911] : memref<100000x128xf32, #tpu.memory_space<hbm>> -> memref<100000x128xf32, #tpu.memory_space<hbm>>
        tpu.enqueue_indirect_dma source(%dma_start3A_912 : memref<100000x128xf32, #tpu.memory_space<hbm>>) target(%dma_start3A_908 : memref<56x128xf32, #tpu.memory_space<vmem>>) offsets(%dma_start3A_909 : memref<56xi32, #tpu.memory_space<vmem>>) semaphore(%arg14 : memref<!tpu.dma_semaphore, #tpu.memory_space<semaphore_mem>>)
      } else {
      }
      %mul3A_454 = arith.constant 8 : i32
      %mul3A_455 = arith.muli %scan3A_192, %mul3A_454 : i32
      %add3A_456 = arith.constant 3 : i32
      %add3A_457 = arith.addi %mul3A_455, %add3A_456 : i32
      %mul3A_458 = arith.constant 56 : i32
      %mul3A_459 = arith.muli %add3A_457, %mul3A_458 : i32
      %multiple_of3A_460 = tpu.assume_multiple %mul3A_459, 8 : i32
      %dma_wait3A_461 = arith.constant 3 : i32
      %dma_wait3A_462 = arith.constant 0 : i32
      %dma_wait3A_463 = arith.constant 0 : i32
      %dma_wait3A_464 = tpu.memref_slice %arg9[%dma_wait3A_461, %dma_wait3A_462, %dma_wait3A_463] : memref<8x64x128xf32, #tpu.memory_space<vmem>> -> memref<1x56x128xf32, #tpu.memory_space<vmem>>
      %dma_wait3A_465 = tpu.memref_squeeze %dma_wait3A_464 : memref<1x56x128xf32, #tpu.memory_space<vmem>> -> memref<56x128xf32, #tpu.memory_space<vmem>>
      %dma_wait3A_466 = tpu.memref_slice %arg8[%multiple_of3A_460] : memref<7168xi32, #tpu.memory_space<vmem>> -> memref<56xi32, #tpu.memory_space<vmem>>
      %dma_wait3A_467 = arith.constant 0 : i32
      %dma_wait3A_468 = arith.constant 0 : i32
      %dma_wait3A_469 = tpu.memref_slice %arg2[%dma_wait3A_467, %dma_wait3A_468] : memref<100000x128xf32, #tpu.memory_space<hbm>> -> memref<100000x128xf32, #tpu.memory_space<hbm>>
      tpu.wait_indirect_dma semaphore(%arg15 : memref<!tpu.dma_semaphore, #tpu.memory_space<semaphore_mem>>) src(%dma_wait3A_469 : memref<100000x128xf32, #tpu.memory_space<hbm>>) dst(%dma_wait3A_465 : memref<56x128xf32, #tpu.memory_space<vmem>>)
      %broadcast_in_dim3A_470 = arith.constant 0.000000e+00 : f32
      %broadcast_in_dim3A_471 = vector.broadcast %broadcast_in_dim3A_470 : f32 to vector<16xf32>
      %broadcast_in_dim3A_472 = arith.constant 0.000000e+00 : f32
      %broadcast_in_dim3A_473 = vector.broadcast %broadcast_in_dim3A_472 : f32 to vector<16xf32>
      %broadcast_in_dim3A_474 = arith.constant 0.000000e+00 : f32
      %broadcast_in_dim3A_475 = vector.broadcast %broadcast_in_dim3A_474 : f32 to vector<16xf32>
      %broadcast_in_dim3A_476 = arith.constant 0.000000e+00 : f32
      %broadcast_in_dim3A_477 = vector.broadcast %broadcast_in_dim3A_476 : f32 to vector<16xf32>
      %broadcast_in_dim3A_478 = arith.constant 0.000000e+00 : f32
      %broadcast_in_dim3A_479 = vector.broadcast %broadcast_in_dim3A_478 : f32 to vector<16xf32>
      %broadcast_in_dim3A_480 = arith.constant 0.000000e+00 : f32
      %broadcast_in_dim3A_481 = vector.broadcast %broadcast_in_dim3A_480 : f32 to vector<16xf32>
      %broadcast_in_dim3A_482 = arith.constant 0.000000e+00 : f32
      %broadcast_in_dim3A_483 = vector.broadcast %broadcast_in_dim3A_482 : f32 to vector<16xf32>
      %broadcast_in_dim3A_484 = arith.constant 0.000000e+00 : f32
      %broadcast_in_dim3A_485 = vector.broadcast %broadcast_in_dim3A_484 : f32 to vector<16xf32>
      %scan3A_486 = arith.constant 0 : i32
      %scan3A_487 = arith.constant 25 : i32
      %scan3A_488 = arith.addi %scan3A_486, %scan3A_487 : i32
      %scan3A_489 = arith.constant 1 : i32
      %scan3A_490:8 = scf.for %scan3A_899 = %scan3A_486 to %scan3A_488 step %scan3A_489 iter_args(%scan3A_900 = %broadcast_in_dim3A_471, %scan3A_901 = %broadcast_in_dim3A_473, %scan3A_902 = %broadcast_in_dim3A_475, %scan3A_903 = %broadcast_in_dim3A_477, %scan3A_904 = %broadcast_in_dim3A_479, %scan3A_905 = %broadcast_in_dim3A_481, %scan3A_906 = %broadcast_in_dim3A_483, %scan3A_907 = %broadcast_in_dim3A_485) -> (vector<16xf32>, vector<16xf32>, vector<16xf32>, vector<16xf32>, vector<16xf32>, vector<16xf32>, vector<16xf32>, vector<16xf32>)  : i32 {
        %mul3A_908 = arith.constant 2 : i32
        %mul3A_909 = arith.muli %scan3A_899, %mul3A_908 : i32
        %add3A_910 = arith.constant 0 : i32
        %add3A_911 = arith.addi %add3A_910, %mul3A_909 : i32
        %get3A = arith.constant 3 : i32
        %get3A_912 = arith.index_cast %get3A : i32 to index
        %get3A_913 = arith.index_cast %add3A_911 : i32 to index
        %get3A_914 = arith.constant 0 : index
        %get3A_915 = tpu.vector_load %arg9[%get3A_912, %get3A_913, %get3A_914] {strides = array<i32>} : memref<8x64x128xf32, #tpu.memory_space<vmem>>, vector<1x1x16xf32>,
        %get3A_916 = vector.shape_cast %get3A_915 : vector<1x1x16xf32> to vector<16xf32>
        %add3A_917 = arith.addf %scan3A_900, %get3A_916 : vector<16xf32>
        %get3A_918 = arith.constant 3 : i32
        %get3A_919 = arith.index_cast %get3A_918 : i32 to index
        %get3A_920 = arith.index_cast %add3A_911 : i32 to index
        %get3A_921 = arith.constant 16 : index
        %get3A_922 = tpu.vector_load %arg9[%get3A_919, %get3A_920, %get3A_921] {strides = array<i32>} : memref<8x64x128xf32, #tpu.memory_space<vmem>>, vector<1x1x16xf32>,
        %get3A_923 = vector.shape_cast %get3A_922 : vector<1x1x16xf32> to vector<16xf32>
        %add3A_924 = arith.addf %scan3A_901, %get3A_923 : vector<16xf32>
        %get3A_925 = arith.constant 3 : i32
        %get3A_926 = arith.index_cast %get3A_925 : i32 to index
        %get3A_927 = arith.index_cast %add3A_911 : i32 to index
        %get3A_928 = arith.constant 32 : index
        %get3A_929 = tpu.vector_load %arg9[%get3A_926, %get3A_927, %get3A_928] {strides = array<i32>} : memref<8x64x128xf32, #tpu.memory_space<vmem>>, vector<1x1x16xf32>,
        %get3A_930 = vector.shape_cast %get3A_929 : vector<1x1x16xf32> to vector<16xf32>
        %add3A_931 = arith.addf %scan3A_902, %get3A_930 : vector<16xf32>
        %get3A_932 = arith.constant 3 : i32
        %get3A_933 = arith.index_cast %get3A_932 : i32 to index
        %get3A_934 = arith.index_cast %add3A_911 : i32 to index
        %get3A_935 = arith.constant 48 : index
        %get3A_936 = tpu.vector_load %arg9[%get3A_933, %get3A_934, %get3A_935] {strides = array<i32>} : memref<8x64x128xf32, #tpu.memory_space<vmem>>, vector<1x1x16xf32>,
        %get3A_937 = vector.shape_cast %get3A_936 : vector<1x1x16xf32> to vector<16xf32>
        %add3A_938 = arith.addf %scan3A_903, %get3A_937 : vector<16xf32>
        %get3A_939 = arith.constant 3 : i32
        %get3A_940 = arith.index_cast %get3A_939 : i32 to index
        %get3A_941 = arith.index_cast %add3A_911 : i32 to index
        %get3A_942 = arith.constant 64 : index
        %get3A_943 = tpu.vector_load %arg9[%get3A_940, %get3A_941, %get3A_942] {strides = array<i32>} : memref<8x64x128xf32, #tpu.memory_space<vmem>>, vector<1x1x16xf32>,
        %get3A_944 = vector.shape_cast %get3A_943 : vector<1x1x16xf32> to vector<16xf32>
        %add3A_945 = arith.addf %scan3A_904, %get3A_944 : vector<16xf32>
        %get3A_946 = arith.constant 3 : i32
        %get3A_947 = arith.index_cast %get3A_946 : i32 to index
        %get3A_948 = arith.index_cast %add3A_911 : i32 to index
        %get3A_949 = arith.constant 80 : index
        %get3A_950 = tpu.vector_load %arg9[%get3A_947, %get3A_948, %get3A_949] {strides = array<i32>} : memref<8x64x128xf32, #tpu.memory_space<vmem>>, vector<1x1x16xf32>,
        %get3A_951 = vector.shape_cast %get3A_950 : vector<1x1x16xf32> to vector<16xf32>
        %add3A_952 = arith.addf %scan3A_905, %get3A_951 : vector<16xf32>
        %get3A_953 = arith.constant 3 : i32
        %get3A_954 = arith.index_cast %get3A_953 : i32 to index
        %get3A_955 = arith.index_cast %add3A_911 : i32 to index
        %get3A_956 = arith.constant 96 : index
        %get3A_957 = tpu.vector_load %arg9[%get3A_954, %get3A_955, %get3A_956] {strides = array<i32>} : memref<8x64x128xf32, #tpu.memory_space<vmem>>, vector<1x1x16xf32>,
        %get3A_958 = vector.shape_cast %get3A_957 : vector<1x1x16xf32> to vector<16xf32>
        %add3A_959 = arith.addf %scan3A_906, %get3A_958 : vector<16xf32>
        %get3A_960 = arith.constant 3 : i32
        %get3A_961 = arith.index_cast %get3A_960 : i32 to index
        %get3A_962 = arith.index_cast %add3A_911 : i32 to index
        %get3A_963 = arith.constant 112 : index
        %get3A_964 = tpu.vector_load %arg9[%get3A_961, %get3A_962, %get3A_963] {strides = array<i32>} : memref<8x64x128xf32, #tpu.memory_space<vmem>>, vector<1x1x16xf32>,
        %get3A_965 = vector.shape_cast %get3A_964 : vector<1x1x16xf32> to vector<16xf32>
        %add3A_966 = arith.addf %scan3A_907, %get3A_965 : vector<16xf32>
        %add3A_967 = arith.constant 1 : i32
        %add3A_968 = arith.addi %add3A_911, %add3A_967 : i32
        %get3A_969 = arith.constant 3 : i32
        %get3A_970 = arith.index_cast %get3A_969 : i32 to index
        %get3A_971 = arith.index_cast %add3A_968 : i32 to index
        %get3A_972 = arith.constant 0 : index
        %get3A_973 = tpu.vector_load %arg9[%get3A_970, %get3A_971, %get3A_972] {strides = array<i32>} : memref<8x64x128xf32, #tpu.memory_space<vmem>>, vector<1x1x16xf32>,
        %get3A_974 = vector.shape_cast %get3A_973 : vector<1x1x16xf32> to vector<16xf32>
        %add3A_975 = arith.addf %add3A_917, %get3A_974 : vector<16xf32>
        %add3A_976 = arith.constant 1 : i32
        %add3A_977 = arith.addi %add3A_911, %add3A_976 : i32
        %get3A_978 = arith.constant 3 : i32
        %get3A_979 = arith.index_cast %get3A_978 : i32 to index
        %get3A_980 = arith.index_cast %add3A_977 : i32 to index
        %get3A_981 = arith.constant 16 : index
        %get3A_982 = tpu.vector_load %arg9[%get3A_979, %get3A_980, %get3A_981] {strides = array<i32>} : memref<8x64x128xf32, #tpu.memory_space<vmem>>, vector<1x1x16xf32>,
        %get3A_983 = vector.shape_cast %get3A_982 : vector<1x1x16xf32> to vector<16xf32>
        %add3A_984 = arith.addf %add3A_924, %get3A_983 : vector<16xf32>
        %add3A_985 = arith.constant 1 : i32
        %add3A_986 = arith.addi %add3A_911, %add3A_985 : i32
        %get3A_987 = arith.constant 3 : i32
        %get3A_988 = arith.index_cast %get3A_987 : i32 to index
        %get3A_989 = arith.index_cast %add3A_986 : i32 to index
        %get3A_990 = arith.constant 32 : index
        %get3A_991 = tpu.vector_load %arg9[%get3A_988, %get3A_989, %get3A_990] {strides = array<i32>} : memref<8x64x128xf32, #tpu.memory_space<vmem>>, vector<1x1x16xf32>,
        %get3A_992 = vector.shape_cast %get3A_991 : vector<1x1x16xf32> to vector<16xf32>
        %add3A_993 = arith.addf %add3A_931, %get3A_992 : vector<16xf32>
        %add3A_994 = arith.constant 1 : i32
        %add3A_995 = arith.addi %add3A_911, %add3A_994 : i32
        %get3A_996 = arith.constant 3 : i32
        %get3A_997 = arith.index_cast %get3A_996 : i32 to index
        %get3A_998 = arith.index_cast %add3A_995 : i32 to index
        %get3A_999 = arith.constant 48 : index
        %get3A_1000 = tpu.vector_load %arg9[%get3A_997, %get3A_998, %get3A_999] {strides = array<i32>} : memref<8x64x128xf32, #tpu.memory_space<vmem>>, vector<1x1x16xf32>,
        %get3A_1001 = vector.shape_cast %get3A_1000 : vector<1x1x16xf32> to vector<16xf32>
        %add3A_1002 = arith.addf %add3A_938, %get3A_1001 : vector<16xf32>
        %add3A_1003 = arith.constant 1 : i32
        %add3A_1004 = arith.addi %add3A_911, %add3A_1003 : i32
        %get3A_1005 = arith.constant 3 : i32
        %get3A_1006 = arith.index_cast %get3A_1005 : i32 to index
        %get3A_1007 = arith.index_cast %add3A_1004 : i32 to index
        %get3A_1008 = arith.constant 64 : index
        %get3A_1009 = tpu.vector_load %arg9[%get3A_1006, %get3A_1007, %get3A_1008] {strides = array<i32>} : memref<8x64x128xf32, #tpu.memory_space<vmem>>, vector<1x1x16xf32>,
        %get3A_1010 = vector.shape_cast %get3A_1009 : vector<1x1x16xf32> to vector<16xf32>
        %add3A_1011 = arith.addf %add3A_945, %get3A_1010 : vector<16xf32>
        %add3A_1012 = arith.constant 1 : i32
        %add3A_1013 = arith.addi %add3A_911, %add3A_1012 : i32
        %get3A_1014 = arith.constant 3 : i32
        %get3A_1015 = arith.index_cast %get3A_1014 : i32 to index
        %get3A_1016 = arith.index_cast %add3A_1013 : i32 to index
        %get3A_1017 = arith.constant 80 : index
        %get3A_1018 = tpu.vector_load %arg9[%get3A_1015, %get3A_1016, %get3A_1017] {strides = array<i32>} : memref<8x64x128xf32, #tpu.memory_space<vmem>>, vector<1x1x16xf32>,
        %get3A_1019 = vector.shape_cast %get3A_1018 : vector<1x1x16xf32> to vector<16xf32>
        %add3A_1020 = arith.addf %add3A_952, %get3A_1019 : vector<16xf32>
        %add3A_1021 = arith.constant 1 : i32
        %add3A_1022 = arith.addi %add3A_911, %add3A_1021 : i32
        %get3A_1023 = arith.constant 3 : i32
        %get3A_1024 = arith.index_cast %get3A_1023 : i32 to index
        %get3A_1025 = arith.index_cast %add3A_1022 : i32 to index
        %get3A_1026 = arith.constant 96 : index
        %get3A_1027 = tpu.vector_load %arg9[%get3A_1024, %get3A_1025, %get3A_1026] {strides = array<i32>} : memref<8x64x128xf32, #tpu.memory_space<vmem>>, vector<1x1x16xf32>,
        %get3A_1028 = vector.shape_cast %get3A_1027 : vector<1x1x16xf32> to vector<16xf32>
        %add3A_1029 = arith.addf %add3A_959, %get3A_1028 : vector<16xf32>
        %add3A_1030 = arith.constant 1 : i32
        %add3A_1031 = arith.addi %add3A_911, %add3A_1030 : i32
        %get3A_1032 = arith.constant 3 : i32
        %get3A_1033 = arith.index_cast %get3A_1032 : i32 to index
        %get3A_1034 = arith.index_cast %add3A_1031 : i32 to index
        %get3A_1035 = arith.constant 112 : index
        %get3A_1036 = tpu.vector_load %arg9[%get3A_1033, %get3A_1034, %get3A_1035] {strides = array<i32>} : memref<8x64x128xf32, #tpu.memory_space<vmem>>, vector<1x1x16xf32>,
        %get3A_1037 = vector.shape_cast %get3A_1036 : vector<1x1x16xf32> to vector<16xf32>
        %add3A_1038 = arith.addf %add3A_966, %get3A_1037 : vector<16xf32>
        scf.yield %add3A_975, %add3A_984, %add3A_993, %add3A_1002, %add3A_1011, %add3A_1020, %add3A_1029, %add3A_1038 : vector<16xf32>, vector<16xf32>, vector<16xf32>, vector<16xf32>, vector<16xf32>, vector<16xf32>, vector<16xf32>, vector<16xf32>
      }
      %scan3A_491 = arith.constant 25 : i32
      %mul3A_492 = arith.constant 1 : i32
      %mul3A_493 = arith.muli %add3A_457, %mul3A_492 : i32
      %add3A_494 = arith.constant 0 : i32
      %add3A_495 = arith.addi %mul3A_493, %add3A_494 : i32
      %swap3A_496 = arith.index_cast %add3A_495 : i32 to index
      %swap3A_497 = arith.constant 0 : index
      %swap3A_498 = tpu.vector_load %arg10[%swap3A_496, %swap3A_497] {strides = array<i32>} : memref<128x128xf32, #tpu.memory_space<vmem>>, vector<1x16xf32>,
      %swap3A_499 = vector.shape_cast %swap3A_498 : vector<1x16xf32> to vector<16xf32>
      %swap3A_500 = vector.shape_cast %scan3A_490#0 : vector<16xf32> to vector<1x16xf32>
      tpu.vector_store %arg10[%swap3A_496, %swap3A_497], %swap3A_500 {strides = array<i32>} : memref<128x128xf32, #tpu.memory_space<vmem>>, vector<1x16xf32>,
      %swap3A_501 = arith.index_cast %add3A_495 : i32 to index
      %swap3A_502 = arith.constant 16 : index
      %swap3A_503 = tpu.vector_load %arg10[%swap3A_501, %swap3A_502] {strides = array<i32>} : memref<128x128xf32, #tpu.memory_space<vmem>>, vector<1x16xf32>,
      %swap3A_504 = vector.shape_cast %swap3A_503 : vector<1x16xf32> to vector<16xf32>
      %swap3A_505 = vector.shape_cast %scan3A_490#1 : vector<16xf32> to vector<1x16xf32>
      tpu.vector_store %arg10[%swap3A_501, %swap3A_502], %swap3A_505 {strides = array<i32>} : memref<128x128xf32, #tpu.memory_space<vmem>>, vector<1x16xf32>,
      %swap3A_506 = arith.index_cast %add3A_495 : i32 to index
      %swap3A_507 = arith.constant 32 : index
      %swap3A_508 = tpu.vector_load %arg10[%swap3A_506, %swap3A_507] {strides = array<i32>} : memref<128x128xf32, #tpu.memory_space<vmem>>, vector<1x16xf32>,
      %swap3A_509 = vector.shape_cast %swap3A_508 : vector<1x16xf32> to vector<16xf32>
      %swap3A_510 = vector.shape_cast %scan3A_490#2 : vector<16xf32> to vector<1x16xf32>
      tpu.vector_store %arg10[%swap3A_506, %swap3A_507], %swap3A_510 {strides = array<i32>} : memref<128x128xf32, #tpu.memory_space<vmem>>, vector<1x16xf32>,
      %swap3A_511 = arith.index_cast %add3A_495 : i32 to index
      %swap3A_512 = arith.constant 48 : index
      %swap3A_513 = tpu.vector_load %arg10[%swap3A_511, %swap3A_512] {strides = array<i32>} : memref<128x128xf32, #tpu.memory_space<vmem>>, vector<1x16xf32>,
      %swap3A_514 = vector.shape_cast %swap3A_513 : vector<1x16xf32> to vector<16xf32>
      %swap3A_515 = vector.shape_cast %scan3A_490#3 : vector<16xf32> to vector<1x16xf32>
      tpu.vector_store %arg10[%swap3A_511, %swap3A_512], %swap3A_515 {strides = array<i32>} : memref<128x128xf32, #tpu.memory_space<vmem>>, vector<1x16xf32>,
      %swap3A_516 = arith.index_cast %add3A_495 : i32 to index
      %swap3A_517 = arith.constant 64 : index
      %swap3A_518 = tpu.vector_load %arg10[%swap3A_516, %swap3A_517] {strides = array<i32>} : memref<128x128xf32, #tpu.memory_space<vmem>>, vector<1x16xf32>,
      %swap3A_519 = vector.shape_cast %swap3A_518 : vector<1x16xf32> to vector<16xf32>
      %swap3A_520 = vector.shape_cast %scan3A_490#4 : vector<16xf32> to vector<1x16xf32>
      tpu.vector_store %arg10[%swap3A_516, %swap3A_517], %swap3A_520 {strides = array<i32>} : memref<128x128xf32, #tpu.memory_space<vmem>>, vector<1x16xf32>,
      %swap3A_521 = arith.index_cast %add3A_495 : i32 to index
      %swap3A_522 = arith.constant 80 : index
      %swap3A_523 = tpu.vector_load %arg10[%swap3A_521, %swap3A_522] {strides = array<i32>} : memref<128x128xf32, #tpu.memory_space<vmem>>, vector<1x16xf32>,
      %swap3A_524 = vector.shape_cast %swap3A_523 : vector<1x16xf32> to vector<16xf32>
      %swap3A_525 = vector.shape_cast %scan3A_490#5 : vector<16xf32> to vector<1x16xf32>
      tpu.vector_store %arg10[%swap3A_521, %swap3A_522], %swap3A_525 {strides = array<i32>} : memref<128x128xf32, #tpu.memory_space<vmem>>, vector<1x16xf32>,
      %swap3A_526 = arith.index_cast %add3A_495 : i32 to index
      %swap3A_527 = arith.constant 96 : index
      %swap3A_528 = tpu.vector_load %arg10[%swap3A_526, %swap3A_527] {strides = array<i32>} : memref<128x128xf32, #tpu.memory_space<vmem>>, vector<1x16xf32>,
      %swap3A_529 = vector.shape_cast %swap3A_528 : vector<1x16xf32> to vector<16xf32>
      %swap3A_530 = vector.shape_cast %scan3A_490#6 : vector<16xf32> to vector<1x16xf32>
      tpu.vector_store %arg10[%swap3A_526, %swap3A_527], %swap3A_530 {strides = array<i32>} : memref<128x128xf32, #tpu.memory_space<vmem>>, vector<1x16xf32>,
      %swap3A_531 = arith.index_cast %add3A_495 : i32 to index
      %swap3A_532 = arith.constant 112 : index
      %swap3A_533 = tpu.vector_load %arg10[%swap3A_531, %swap3A_532] {strides = array<i32>} : memref<128x128xf32, #tpu.memory_space<vmem>>, vector<1x16xf32>,
      %swap3A_534 = vector.shape_cast %swap3A_533 : vector<1x16xf32> to vector<16xf32>
      %swap3A_535 = vector.shape_cast %scan3A_490#7 : vector<16xf32> to vector<1x16xf32>
      tpu.vector_store %arg10[%swap3A_531, %swap3A_532], %swap3A_535 {strides = array<i32>} : memref<128x128xf32, #tpu.memory_space<vmem>>, vector<1x16xf32>,
      %add3A_536 = arith.constant 8 : i32
      %add3A_537 = arith.addi %add3A_457, %add3A_536 : i32
      %lt3A_538 = arith.constant 128 : i32
      %lt3A_539 = arith.cmpi slt, %add3A_537, %lt3A_538 : i32
      %convert_element_type3A_540 = arith.extui %lt3A_539 : i1 to i32
      %cond3A_541 = arith.constant 0 : i32
      %cond3A_542 = arith.cmpi ne, %convert_element_type3A_540, %cond3A_541 : i32
      scf.if %cond3A_542 {
        %add3A_899 = arith.constant 8 : i32
        %add3A_900 = arith.addi %add3A_457, %add3A_899 : i32
        %mul3A_901 = arith.constant 56 : i32
        %mul3A_902 = arith.muli %add3A_900, %mul3A_901 : i32
        %multiple_of3A_903 = tpu.assume_multiple %mul3A_902, 8 : i32
        %dma_start3A_904 = arith.constant 3 : i32
        %dma_start3A_905 = arith.constant 0 : i32
        %dma_start3A_906 = arith.constant 0 : i32
        %dma_start3A_907 = tpu.memref_slice %arg9[%dma_start3A_904, %dma_start3A_905, %dma_start3A_906] : memref<8x64x128xf32, #tpu.memory_space<vmem>> -> memref<1x56x128xf32, #tpu.memory_space<vmem>>
        %dma_start3A_908 = tpu.memref_squeeze %dma_start3A_907 : memref<1x56x128xf32, #tpu.memory_space<vmem>> -> memref<56x128xf32, #tpu.memory_space<vmem>>
        %dma_start3A_909 = tpu.memref_slice %arg8[%multiple_of3A_903] : memref<7168xi32, #tpu.memory_space<vmem>> -> memref<56xi32, #tpu.memory_space<vmem>>
        %dma_start3A_910 = arith.constant 0 : i32
        %dma_start3A_911 = arith.constant 0 : i32
        %dma_start3A_912 = tpu.memref_slice %arg2[%dma_start3A_910, %dma_start3A_911] : memref<100000x128xf32, #tpu.memory_space<hbm>> -> memref<100000x128xf32, #tpu.memory_space<hbm>>
        tpu.enqueue_indirect_dma source(%dma_start3A_912 : memref<100000x128xf32, #tpu.memory_space<hbm>>) target(%dma_start3A_908 : memref<56x128xf32, #tpu.memory_space<vmem>>) offsets(%dma_start3A_909 : memref<56xi32, #tpu.memory_space<vmem>>) semaphore(%arg15 : memref<!tpu.dma_semaphore, #tpu.memory_space<semaphore_mem>>)
      } else {
      }
      %mul3A_543 = arith.constant 8 : i32
      %mul3A_544 = arith.muli %scan3A_192, %mul3A_543 : i32
      %add3A_545 = arith.constant 4 : i32
      %add3A_546 = arith.addi %mul3A_544, %add3A_545 : i32
      %mul3A_547 = arith.constant 56 : i32
      %mul3A_548 = arith.muli %add3A_546, %mul3A_547 : i32
      %multiple_of3A_549 = tpu.assume_multiple %mul3A_548, 8 : i32
      %dma_wait3A_550 = arith.constant 4 : i32
      %dma_wait3A_551 = arith.constant 0 : i32
      %dma_wait3A_552 = arith.constant 0 : i32
      %dma_wait3A_553 = tpu.memref_slice %arg9[%dma_wait3A_550, %dma_wait3A_551, %dma_wait3A_552] : memref<8x64x128xf32, #tpu.memory_space<vmem>> -> memref<1x56x128xf32, #tpu.memory_space<vmem>>
      %dma_wait3A_554 = tpu.memref_squeeze %dma_wait3A_553 : memref<1x56x128xf32, #tpu.memory_space<vmem>> -> memref<56x128xf32, #tpu.memory_space<vmem>>
      %dma_wait3A_555 = tpu.memref_slice %arg8[%multiple_of3A_549] : memref<7168xi32, #tpu.memory_space<vmem>> -> memref<56xi32, #tpu.memory_space<vmem>>
      %dma_wait3A_556 = arith.constant 0 : i32
      %dma_wait3A_557 = arith.constant 0 : i32
      %dma_wait3A_558 = tpu.memref_slice %arg2[%dma_wait3A_556, %dma_wait3A_557] : memref<100000x128xf32, #tpu.memory_space<hbm>> -> memref<100000x128xf32, #tpu.memory_space<hbm>>
      tpu.wait_indirect_dma semaphore(%arg16 : memref<!tpu.dma_semaphore, #tpu.memory_space<semaphore_mem>>) src(%dma_wait3A_558 : memref<100000x128xf32, #tpu.memory_space<hbm>>) dst(%dma_wait3A_554 : memref<56x128xf32, #tpu.memory_space<vmem>>)
      %broadcast_in_dim3A_559 = arith.constant 0.000000e+00 : f32
      %broadcast_in_dim3A_560 = vector.broadcast %broadcast_in_dim3A_559 : f32 to vector<16xf32>
      %broadcast_in_dim3A_561 = arith.constant 0.000000e+00 : f32
      %broadcast_in_dim3A_562 = vector.broadcast %broadcast_in_dim3A_561 : f32 to vector<16xf32>
      %broadcast_in_dim3A_563 = arith.constant 0.000000e+00 : f32
      %broadcast_in_dim3A_564 = vector.broadcast %broadcast_in_dim3A_563 : f32 to vector<16xf32>
      %broadcast_in_dim3A_565 = arith.constant 0.000000e+00 : f32
      %broadcast_in_dim3A_566 = vector.broadcast %broadcast_in_dim3A_565 : f32 to vector<16xf32>
      %broadcast_in_dim3A_567 = arith.constant 0.000000e+00 : f32
      %broadcast_in_dim3A_568 = vector.broadcast %broadcast_in_dim3A_567 : f32 to vector<16xf32>
      %broadcast_in_dim3A_569 = arith.constant 0.000000e+00 : f32
      %broadcast_in_dim3A_570 = vector.broadcast %broadcast_in_dim3A_569 : f32 to vector<16xf32>
      %broadcast_in_dim3A_571 = arith.constant 0.000000e+00 : f32
      %broadcast_in_dim3A_572 = vector.broadcast %broadcast_in_dim3A_571 : f32 to vector<16xf32>
      %broadcast_in_dim3A_573 = arith.constant 0.000000e+00 : f32
      %broadcast_in_dim3A_574 = vector.broadcast %broadcast_in_dim3A_573 : f32 to vector<16xf32>
      %scan3A_575 = arith.constant 0 : i32
      %scan3A_576 = arith.constant 25 : i32
      %scan3A_577 = arith.addi %scan3A_575, %scan3A_576 : i32
      %scan3A_578 = arith.constant 1 : i32
      %scan3A_579:8 = scf.for %scan3A_899 = %scan3A_575 to %scan3A_577 step %scan3A_578 iter_args(%scan3A_900 = %broadcast_in_dim3A_560, %scan3A_901 = %broadcast_in_dim3A_562, %scan3A_902 = %broadcast_in_dim3A_564, %scan3A_903 = %broadcast_in_dim3A_566, %scan3A_904 = %broadcast_in_dim3A_568, %scan3A_905 = %broadcast_in_dim3A_570, %scan3A_906 = %broadcast_in_dim3A_572, %scan3A_907 = %broadcast_in_dim3A_574) -> (vector<16xf32>, vector<16xf32>, vector<16xf32>, vector<16xf32>, vector<16xf32>, vector<16xf32>, vector<16xf32>, vector<16xf32>)  : i32 {
        %mul3A_908 = arith.constant 2 : i32
        %mul3A_909 = arith.muli %scan3A_899, %mul3A_908 : i32
        %add3A_910 = arith.constant 0 : i32
        %add3A_911 = arith.addi %add3A_910, %mul3A_909 : i32
        %get3A = arith.constant 4 : i32
        %get3A_912 = arith.index_cast %get3A : i32 to index
        %get3A_913 = arith.index_cast %add3A_911 : i32 to index
        %get3A_914 = arith.constant 0 : index
        %get3A_915 = tpu.vector_load %arg9[%get3A_912, %get3A_913, %get3A_914] {strides = array<i32>} : memref<8x64x128xf32, #tpu.memory_space<vmem>>, vector<1x1x16xf32>,
        %get3A_916 = vector.shape_cast %get3A_915 : vector<1x1x16xf32> to vector<16xf32>
        %add3A_917 = arith.addf %scan3A_900, %get3A_916 : vector<16xf32>
        %get3A_918 = arith.constant 4 : i32
        %get3A_919 = arith.index_cast %get3A_918 : i32 to index
        %get3A_920 = arith.index_cast %add3A_911 : i32 to index
        %get3A_921 = arith.constant 16 : index
        %get3A_922 = tpu.vector_load %arg9[%get3A_919, %get3A_920, %get3A_921] {strides = array<i32>} : memref<8x64x128xf32, #tpu.memory_space<vmem>>, vector<1x1x16xf32>,
        %get3A_923 = vector.shape_cast %get3A_922 : vector<1x1x16xf32> to vector<16xf32>
        %add3A_924 = arith.addf %scan3A_901, %get3A_923 : vector<16xf32>
        %get3A_925 = arith.constant 4 : i32
        %get3A_926 = arith.index_cast %get3A_925 : i32 to index
        %get3A_927 = arith.index_cast %add3A_911 : i32 to index
        %get3A_928 = arith.constant 32 : index
        %get3A_929 = tpu.vector_load %arg9[%get3A_926, %get3A_927, %get3A_928] {strides = array<i32>} : memref<8x64x128xf32, #tpu.memory_space<vmem>>, vector<1x1x16xf32>,
        %get3A_930 = vector.shape_cast %get3A_929 : vector<1x1x16xf32> to vector<16xf32>
        %add3A_931 = arith.addf %scan3A_902, %get3A_930 : vector<16xf32>
        %get3A_932 = arith.constant 4 : i32
        %get3A_933 = arith.index_cast %get3A_932 : i32 to index
        %get3A_934 = arith.index_cast %add3A_911 : i32 to index
        %get3A_935 = arith.constant 48 : index
        %get3A_936 = tpu.vector_load %arg9[%get3A_933, %get3A_934, %get3A_935] {strides = array<i32>} : memref<8x64x128xf32, #tpu.memory_space<vmem>>, vector<1x1x16xf32>,
        %get3A_937 = vector.shape_cast %get3A_936 : vector<1x1x16xf32> to vector<16xf32>
        %add3A_938 = arith.addf %scan3A_903, %get3A_937 : vector<16xf32>
        %get3A_939 = arith.constant 4 : i32
        %get3A_940 = arith.index_cast %get3A_939 : i32 to index
        %get3A_941 = arith.index_cast %add3A_911 : i32 to index
        %get3A_942 = arith.constant 64 : index
        %get3A_943 = tpu.vector_load %arg9[%get3A_940, %get3A_941, %get3A_942] {strides = array<i32>} : memref<8x64x128xf32, #tpu.memory_space<vmem>>, vector<1x1x16xf32>,
        %get3A_944 = vector.shape_cast %get3A_943 : vector<1x1x16xf32> to vector<16xf32>
        %add3A_945 = arith.addf %scan3A_904, %get3A_944 : vector<16xf32>
        %get3A_946 = arith.constant 4 : i32
        %get3A_947 = arith.index_cast %get3A_946 : i32 to index
        %get3A_948 = arith.index_cast %add3A_911 : i32 to index
        %get3A_949 = arith.constant 80 : index
        %get3A_950 = tpu.vector_load %arg9[%get3A_947, %get3A_948, %get3A_949] {strides = array<i32>} : memref<8x64x128xf32, #tpu.memory_space<vmem>>, vector<1x1x16xf32>,
        %get3A_951 = vector.shape_cast %get3A_950 : vector<1x1x16xf32> to vector<16xf32>
        %add3A_952 = arith.addf %scan3A_905, %get3A_951 : vector<16xf32>
        %get3A_953 = arith.constant 4 : i32
        %get3A_954 = arith.index_cast %get3A_953 : i32 to index
        %get3A_955 = arith.index_cast %add3A_911 : i32 to index
        %get3A_956 = arith.constant 96 : index
        %get3A_957 = tpu.vector_load %arg9[%get3A_954, %get3A_955, %get3A_956] {strides = array<i32>} : memref<8x64x128xf32, #tpu.memory_space<vmem>>, vector<1x1x16xf32>,
        %get3A_958 = vector.shape_cast %get3A_957 : vector<1x1x16xf32> to vector<16xf32>
        %add3A_959 = arith.addf %scan3A_906, %get3A_958 : vector<16xf32>
        %get3A_960 = arith.constant 4 : i32
        %get3A_961 = arith.index_cast %get3A_960 : i32 to index
        %get3A_962 = arith.index_cast %add3A_911 : i32 to index
        %get3A_963 = arith.constant 112 : index
        %get3A_964 = tpu.vector_load %arg9[%get3A_961, %get3A_962, %get3A_963] {strides = array<i32>} : memref<8x64x128xf32, #tpu.memory_space<vmem>>, vector<1x1x16xf32>,
        %get3A_965 = vector.shape_cast %get3A_964 : vector<1x1x16xf32> to vector<16xf32>
        %add3A_966 = arith.addf %scan3A_907, %get3A_965 : vector<16xf32>
        %add3A_967 = arith.constant 1 : i32
        %add3A_968 = arith.addi %add3A_911, %add3A_967 : i32
        %get3A_969 = arith.constant 4 : i32
        %get3A_970 = arith.index_cast %get3A_969 : i32 to index
        %get3A_971 = arith.index_cast %add3A_968 : i32 to index
        %get3A_972 = arith.constant 0 : index
        %get3A_973 = tpu.vector_load %arg9[%get3A_970, %get3A_971, %get3A_972] {strides = array<i32>} : memref<8x64x128xf32, #tpu.memory_space<vmem>>, vector<1x1x16xf32>,
        %get3A_974 = vector.shape_cast %get3A_973 : vector<1x1x16xf32> to vector<16xf32>
        %add3A_975 = arith.addf %add3A_917, %get3A_974 : vector<16xf32>
        %add3A_976 = arith.constant 1 : i32
        %add3A_977 = arith.addi %add3A_911, %add3A_976 : i32
        %get3A_978 = arith.constant 4 : i32
        %get3A_979 = arith.index_cast %get3A_978 : i32 to index
        %get3A_980 = arith.index_cast %add3A_977 : i32 to index
        %get3A_981 = arith.constant 16 : index
        %get3A_982 = tpu.vector_load %arg9[%get3A_979, %get3A_980, %get3A_981] {strides = array<i32>} : memref<8x64x128xf32, #tpu.memory_space<vmem>>, vector<1x1x16xf32>,
        %get3A_983 = vector.shape_cast %get3A_982 : vector<1x1x16xf32> to vector<16xf32>
        %add3A_984 = arith.addf %add3A_924, %get3A_983 : vector<16xf32>
        %add3A_985 = arith.constant 1 : i32
        %add3A_986 = arith.addi %add3A_911, %add3A_985 : i32
        %get3A_987 = arith.constant 4 : i32
        %get3A_988 = arith.index_cast %get3A_987 : i32 to index
        %get3A_989 = arith.index_cast %add3A_986 : i32 to index
        %get3A_990 = arith.constant 32 : index
        %get3A_991 = tpu.vector_load %arg9[%get3A_988, %get3A_989, %get3A_990] {strides = array<i32>} : memref<8x64x128xf32, #tpu.memory_space<vmem>>, vector<1x1x16xf32>,
        %get3A_992 = vector.shape_cast %get3A_991 : vector<1x1x16xf32> to vector<16xf32>
        %add3A_993 = arith.addf %add3A_931, %get3A_992 : vector<16xf32>
        %add3A_994 = arith.constant 1 : i32
        %add3A_995 = arith.addi %add3A_911, %add3A_994 : i32
        %get3A_996 = arith.constant 4 : i32
        %get3A_997 = arith.index_cast %get3A_996 : i32 to index
        %get3A_998 = arith.index_cast %add3A_995 : i32 to index
        %get3A_999 = arith.constant 48 : index
        %get3A_1000 = tpu.vector_load %arg9[%get3A_997, %get3A_998, %get3A_999] {strides = array<i32>} : memref<8x64x128xf32, #tpu.memory_space<vmem>>, vector<1x1x16xf32>,
        %get3A_1001 = vector.shape_cast %get3A_1000 : vector<1x1x16xf32> to vector<16xf32>
        %add3A_1002 = arith.addf %add3A_938, %get3A_1001 : vector<16xf32>
        %add3A_1003 = arith.constant 1 : i32
        %add3A_1004 = arith.addi %add3A_911, %add3A_1003 : i32
        %get3A_1005 = arith.constant 4 : i32
        %get3A_1006 = arith.index_cast %get3A_1005 : i32 to index
        %get3A_1007 = arith.index_cast %add3A_1004 : i32 to index
        %get3A_1008 = arith.constant 64 : index
        %get3A_1009 = tpu.vector_load %arg9[%get3A_1006, %get3A_1007, %get3A_1008] {strides = array<i32>} : memref<8x64x128xf32, #tpu.memory_space<vmem>>, vector<1x1x16xf32>,
        %get3A_1010 = vector.shape_cast %get3A_1009 : vector<1x1x16xf32> to vector<16xf32>
        %add3A_1011 = arith.addf %add3A_945, %get3A_1010 : vector<16xf32>
        %add3A_1012 = arith.constant 1 : i32
        %add3A_1013 = arith.addi %add3A_911, %add3A_1012 : i32
        %get3A_1014 = arith.constant 4 : i32
        %get3A_1015 = arith.index_cast %get3A_1014 : i32 to index
        %get3A_1016 = arith.index_cast %add3A_1013 : i32 to index
        %get3A_1017 = arith.constant 80 : index
        %get3A_1018 = tpu.vector_load %arg9[%get3A_1015, %get3A_1016, %get3A_1017] {strides = array<i32>} : memref<8x64x128xf32, #tpu.memory_space<vmem>>, vector<1x1x16xf32>,
        %get3A_1019 = vector.shape_cast %get3A_1018 : vector<1x1x16xf32> to vector<16xf32>
        %add3A_1020 = arith.addf %add3A_952, %get3A_1019 : vector<16xf32>
        %add3A_1021 = arith.constant 1 : i32
        %add3A_1022 = arith.addi %add3A_911, %add3A_1021 : i32
        %get3A_1023 = arith.constant 4 : i32
        %get3A_1024 = arith.index_cast %get3A_1023 : i32 to index
        %get3A_1025 = arith.index_cast %add3A_1022 : i32 to index
        %get3A_1026 = arith.constant 96 : index
        %get3A_1027 = tpu.vector_load %arg9[%get3A_1024, %get3A_1025, %get3A_1026] {strides = array<i32>} : memref<8x64x128xf32, #tpu.memory_space<vmem>>, vector<1x1x16xf32>,
        %get3A_1028 = vector.shape_cast %get3A_1027 : vector<1x1x16xf32> to vector<16xf32>
        %add3A_1029 = arith.addf %add3A_959, %get3A_1028 : vector<16xf32>
        %add3A_1030 = arith.constant 1 : i32
        %add3A_1031 = arith.addi %add3A_911, %add3A_1030 : i32
        %get3A_1032 = arith.constant 4 : i32
        %get3A_1033 = arith.index_cast %get3A_1032 : i32 to index
        %get3A_1034 = arith.index_cast %add3A_1031 : i32 to index
        %get3A_1035 = arith.constant 112 : index
        %get3A_1036 = tpu.vector_load %arg9[%get3A_1033, %get3A_1034, %get3A_1035] {strides = array<i32>} : memref<8x64x128xf32, #tpu.memory_space<vmem>>, vector<1x1x16xf32>,
        %get3A_1037 = vector.shape_cast %get3A_1036 : vector<1x1x16xf32> to vector<16xf32>
        %add3A_1038 = arith.addf %add3A_966, %get3A_1037 : vector<16xf32>
        scf.yield %add3A_975, %add3A_984, %add3A_993, %add3A_1002, %add3A_1011, %add3A_1020, %add3A_1029, %add3A_1038 : vector<16xf32>, vector<16xf32>, vector<16xf32>, vector<16xf32>, vector<16xf32>, vector<16xf32>, vector<16xf32>, vector<16xf32>
      }
      %scan3A_580 = arith.constant 25 : i32
      %mul3A_581 = arith.constant 1 : i32
      %mul3A_582 = arith.muli %add3A_546, %mul3A_581 : i32
      %add3A_583 = arith.constant 0 : i32
      %add3A_584 = arith.addi %mul3A_582, %add3A_583 : i32
      %swap3A_585 = arith.index_cast %add3A_584 : i32 to index
      %swap3A_586 = arith.constant 0 : index
      %swap3A_587 = tpu.vector_load %arg10[%swap3A_585, %swap3A_586] {strides = array<i32>} : memref<128x128xf32, #tpu.memory_space<vmem>>, vector<1x16xf32>,
      %swap3A_588 = vector.shape_cast %swap3A_587 : vector<1x16xf32> to vector<16xf32>
      %swap3A_589 = vector.shape_cast %scan3A_579#0 : vector<16xf32> to vector<1x16xf32>
      tpu.vector_store %arg10[%swap3A_585, %swap3A_586], %swap3A_589 {strides = array<i32>} : memref<128x128xf32, #tpu.memory_space<vmem>>, vector<1x16xf32>,
      %swap3A_590 = arith.index_cast %add3A_584 : i32 to index
      %swap3A_591 = arith.constant 16 : index
      %swap3A_592 = tpu.vector_load %arg10[%swap3A_590, %swap3A_591] {strides = array<i32>} : memref<128x128xf32, #tpu.memory_space<vmem>>, vector<1x16xf32>,
      %swap3A_593 = vector.shape_cast %swap3A_592 : vector<1x16xf32> to vector<16xf32>
      %swap3A_594 = vector.shape_cast %scan3A_579#1 : vector<16xf32> to vector<1x16xf32>
      tpu.vector_store %arg10[%swap3A_590, %swap3A_591], %swap3A_594 {strides = array<i32>} : memref<128x128xf32, #tpu.memory_space<vmem>>, vector<1x16xf32>,
      %swap3A_595 = arith.index_cast %add3A_584 : i32 to index
      %swap3A_596 = arith.constant 32 : index
      %swap3A_597 = tpu.vector_load %arg10[%swap3A_595, %swap3A_596] {strides = array<i32>} : memref<128x128xf32, #tpu.memory_space<vmem>>, vector<1x16xf32>,
      %swap3A_598 = vector.shape_cast %swap3A_597 : vector<1x16xf32> to vector<16xf32>
      %swap3A_599 = vector.shape_cast %scan3A_579#2 : vector<16xf32> to vector<1x16xf32>
      tpu.vector_store %arg10[%swap3A_595, %swap3A_596], %swap3A_599 {strides = array<i32>} : memref<128x128xf32, #tpu.memory_space<vmem>>, vector<1x16xf32>,
      %swap3A_600 = arith.index_cast %add3A_584 : i32 to index
      %swap3A_601 = arith.constant 48 : index
      %swap3A_602 = tpu.vector_load %arg10[%swap3A_600, %swap3A_601] {strides = array<i32>} : memref<128x128xf32, #tpu.memory_space<vmem>>, vector<1x16xf32>,
      %swap3A_603 = vector.shape_cast %swap3A_602 : vector<1x16xf32> to vector<16xf32>
      %swap3A_604 = vector.shape_cast %scan3A_579#3 : vector<16xf32> to vector<1x16xf32>
      tpu.vector_store %arg10[%swap3A_600, %swap3A_601], %swap3A_604 {strides = array<i32>} : memref<128x128xf32, #tpu.memory_space<vmem>>, vector<1x16xf32>,
      %swap3A_605 = arith.index_cast %add3A_584 : i32 to index
      %swap3A_606 = arith.constant 64 : index
      %swap3A_607 = tpu.vector_load %arg10[%swap3A_605, %swap3A_606] {strides = array<i32>} : memref<128x128xf32, #tpu.memory_space<vmem>>, vector<1x16xf32>,
      %swap3A_608 = vector.shape_cast %swap3A_607 : vector<1x16xf32> to vector<16xf32>
      %swap3A_609 = vector.shape_cast %scan3A_579#4 : vector<16xf32> to vector<1x16xf32>
      tpu.vector_store %arg10[%swap3A_605, %swap3A_606], %swap3A_609 {strides = array<i32>} : memref<128x128xf32, #tpu.memory_space<vmem>>, vector<1x16xf32>,
      %swap3A_610 = arith.index_cast %add3A_584 : i32 to index
      %swap3A_611 = arith.constant 80 : index
      %swap3A_612 = tpu.vector_load %arg10[%swap3A_610, %swap3A_611] {strides = array<i32>} : memref<128x128xf32, #tpu.memory_space<vmem>>, vector<1x16xf32>,
      %swap3A_613 = vector.shape_cast %swap3A_612 : vector<1x16xf32> to vector<16xf32>
      %swap3A_614 = vector.shape_cast %scan3A_579#5 : vector<16xf32> to vector<1x16xf32>
      tpu.vector_store %arg10[%swap3A_610, %swap3A_611], %swap3A_614 {strides = array<i32>} : memref<128x128xf32, #tpu.memory_space<vmem>>, vector<1x16xf32>,
      %swap3A_615 = arith.index_cast %add3A_584 : i32 to index
      %swap3A_616 = arith.constant 96 : index
      %swap3A_617 = tpu.vector_load %arg10[%swap3A_615, %swap3A_616] {strides = array<i32>} : memref<128x128xf32, #tpu.memory_space<vmem>>, vector<1x16xf32>,
      %swap3A_618 = vector.shape_cast %swap3A_617 : vector<1x16xf32> to vector<16xf32>
      %swap3A_619 = vector.shape_cast %scan3A_579#6 : vector<16xf32> to vector<1x16xf32>
      tpu.vector_store %arg10[%swap3A_615, %swap3A_616], %swap3A_619 {strides = array<i32>} : memref<128x128xf32, #tpu.memory_space<vmem>>, vector<1x16xf32>,
      %swap3A_620 = arith.index_cast %add3A_584 : i32 to index
      %swap3A_621 = arith.constant 112 : index
      %swap3A_622 = tpu.vector_load %arg10[%swap3A_620, %swap3A_621] {strides = array<i32>} : memref<128x128xf32, #tpu.memory_space<vmem>>, vector<1x16xf32>,
      %swap3A_623 = vector.shape_cast %swap3A_622 : vector<1x16xf32> to vector<16xf32>
      %swap3A_624 = vector.shape_cast %scan3A_579#7 : vector<16xf32> to vector<1x16xf32>
      tpu.vector_store %arg10[%swap3A_620, %swap3A_621], %swap3A_624 {strides = array<i32>} : memref<128x128xf32, #tpu.memory_space<vmem>>, vector<1x16xf32>,
      %add3A_625 = arith.constant 8 : i32
      %add3A_626 = arith.addi %add3A_546, %add3A_625 : i32
      %lt3A_627 = arith.constant 128 : i32
      %lt3A_628 = arith.cmpi slt, %add3A_626, %lt3A_627 : i32
      %convert_element_type3A_629 = arith.extui %lt3A_628 : i1 to i32
      %cond3A_630 = arith.constant 0 : i32
      %cond3A_631 = arith.cmpi ne, %convert_element_type3A_629, %cond3A_630 : i32
      scf.if %cond3A_631 {
        %add3A_899 = arith.constant 8 : i32
        %add3A_900 = arith.addi %add3A_546, %add3A_899 : i32
        %mul3A_901 = arith.constant 56 : i32
        %mul3A_902 = arith.muli %add3A_900, %mul3A_901 : i32
        %multiple_of3A_903 = tpu.assume_multiple %mul3A_902, 8 : i32
        %dma_start3A_904 = arith.constant 4 : i32
        %dma_start3A_905 = arith.constant 0 : i32
        %dma_start3A_906 = arith.constant 0 : i32
        %dma_start3A_907 = tpu.memref_slice %arg9[%dma_start3A_904, %dma_start3A_905, %dma_start3A_906] : memref<8x64x128xf32, #tpu.memory_space<vmem>> -> memref<1x56x128xf32, #tpu.memory_space<vmem>>
        %dma_start3A_908 = tpu.memref_squeeze %dma_start3A_907 : memref<1x56x128xf32, #tpu.memory_space<vmem>> -> memref<56x128xf32, #tpu.memory_space<vmem>>
        %dma_start3A_909 = tpu.memref_slice %arg8[%multiple_of3A_903] : memref<7168xi32, #tpu.memory_space<vmem>> -> memref<56xi32, #tpu.memory_space<vmem>>
        %dma_start3A_910 = arith.constant 0 : i32
        %dma_start3A_911 = arith.constant 0 : i32
        %dma_start3A_912 = tpu.memref_slice %arg2[%dma_start3A_910, %dma_start3A_911] : memref<100000x128xf32, #tpu.memory_space<hbm>> -> memref<100000x128xf32, #tpu.memory_space<hbm>>
        tpu.enqueue_indirect_dma source(%dma_start3A_912 : memref<100000x128xf32, #tpu.memory_space<hbm>>) target(%dma_start3A_908 : memref<56x128xf32, #tpu.memory_space<vmem>>) offsets(%dma_start3A_909 : memref<56xi32, #tpu.memory_space<vmem>>) semaphore(%arg16 : memref<!tpu.dma_semaphore, #tpu.memory_space<semaphore_mem>>)
      } else {
      }
      %mul3A_632 = arith.constant 8 : i32
      %mul3A_633 = arith.muli %scan3A_192, %mul3A_632 : i32
      %add3A_634 = arith.constant 5 : i32
      %add3A_635 = arith.addi %mul3A_633, %add3A_634 : i32
      %mul3A_636 = arith.constant 56 : i32
      %mul3A_637 = arith.muli %add3A_635, %mul3A_636 : i32
      %multiple_of3A_638 = tpu.assume_multiple %mul3A_637, 8 : i32
      %dma_wait3A_639 = arith.constant 5 : i32
      %dma_wait3A_640 = arith.constant 0 : i32
      %dma_wait3A_641 = arith.constant 0 : i32
      %dma_wait3A_642 = tpu.memref_slice %arg9[%dma_wait3A_639, %dma_wait3A_640, %dma_wait3A_641] : memref<8x64x128xf32, #tpu.memory_space<vmem>> -> memref<1x56x128xf32, #tpu.memory_space<vmem>>
      %dma_wait3A_643 = tpu.memref_squeeze %dma_wait3A_642 : memref<1x56x128xf32, #tpu.memory_space<vmem>> -> memref<56x128xf32, #tpu.memory_space<vmem>>
      %dma_wait3A_644 = tpu.memref_slice %arg8[%multiple_of3A_638] : memref<7168xi32, #tpu.memory_space<vmem>> -> memref<56xi32, #tpu.memory_space<vmem>>
      %dma_wait3A_645 = arith.constant 0 : i32
      %dma_wait3A_646 = arith.constant 0 : i32
      %dma_wait3A_647 = tpu.memref_slice %arg2[%dma_wait3A_645, %dma_wait3A_646] : memref<100000x128xf32, #tpu.memory_space<hbm>> -> memref<100000x128xf32, #tpu.memory_space<hbm>>
      tpu.wait_indirect_dma semaphore(%arg17 : memref<!tpu.dma_semaphore, #tpu.memory_space<semaphore_mem>>) src(%dma_wait3A_647 : memref<100000x128xf32, #tpu.memory_space<hbm>>) dst(%dma_wait3A_643 : memref<56x128xf32, #tpu.memory_space<vmem>>)
      %broadcast_in_dim3A_648 = arith.constant 0.000000e+00 : f32
      %broadcast_in_dim3A_649 = vector.broadcast %broadcast_in_dim3A_648 : f32 to vector<16xf32>
      %broadcast_in_dim3A_650 = arith.constant 0.000000e+00 : f32
      %broadcast_in_dim3A_651 = vector.broadcast %broadcast_in_dim3A_650 : f32 to vector<16xf32>
      %broadcast_in_dim3A_652 = arith.constant 0.000000e+00 : f32
      %broadcast_in_dim3A_653 = vector.broadcast %broadcast_in_dim3A_652 : f32 to vector<16xf32>
      %broadcast_in_dim3A_654 = arith.constant 0.000000e+00 : f32
      %broadcast_in_dim3A_655 = vector.broadcast %broadcast_in_dim3A_654 : f32 to vector<16xf32>
      %broadcast_in_dim3A_656 = arith.constant 0.000000e+00 : f32
      %broadcast_in_dim3A_657 = vector.broadcast %broadcast_in_dim3A_656 : f32 to vector<16xf32>
      %broadcast_in_dim3A_658 = arith.constant 0.000000e+00 : f32
      %broadcast_in_dim3A_659 = vector.broadcast %broadcast_in_dim3A_658 : f32 to vector<16xf32>
      %broadcast_in_dim3A_660 = arith.constant 0.000000e+00 : f32
      %broadcast_in_dim3A_661 = vector.broadcast %broadcast_in_dim3A_660 : f32 to vector<16xf32>
      %broadcast_in_dim3A_662 = arith.constant 0.000000e+00 : f32
      %broadcast_in_dim3A_663 = vector.broadcast %broadcast_in_dim3A_662 : f32 to vector<16xf32>
      %scan3A_664 = arith.constant 0 : i32
      %scan3A_665 = arith.constant 25 : i32
      %scan3A_666 = arith.addi %scan3A_664, %scan3A_665 : i32
      %scan3A_667 = arith.constant 1 : i32
      %scan3A_668:8 = scf.for %scan3A_899 = %scan3A_664 to %scan3A_666 step %scan3A_667 iter_args(%scan3A_900 = %broadcast_in_dim3A_649, %scan3A_901 = %broadcast_in_dim3A_651, %scan3A_902 = %broadcast_in_dim3A_653, %scan3A_903 = %broadcast_in_dim3A_655, %scan3A_904 = %broadcast_in_dim3A_657, %scan3A_905 = %broadcast_in_dim3A_659, %scan3A_906 = %broadcast_in_dim3A_661, %scan3A_907 = %broadcast_in_dim3A_663) -> (vector<16xf32>, vector<16xf32>, vector<16xf32>, vector<16xf32>, vector<16xf32>, vector<16xf32>, vector<16xf32>, vector<16xf32>)  : i32 {
        %mul3A_908 = arith.constant 2 : i32
        %mul3A_909 = arith.muli %scan3A_899, %mul3A_908 : i32
        %add3A_910 = arith.constant 0 : i32
        %add3A_911 = arith.addi %add3A_910, %mul3A_909 : i32
        %get3A = arith.constant 5 : i32
        %get3A_912 = arith.index_cast %get3A : i32 to index
        %get3A_913 = arith.index_cast %add3A_911 : i32 to index
        %get3A_914 = arith.constant 0 : index
        %get3A_915 = tpu.vector_load %arg9[%get3A_912, %get3A_913, %get3A_914] {strides = array<i32>} : memref<8x64x128xf32, #tpu.memory_space<vmem>>, vector<1x1x16xf32>,
        %get3A_916 = vector.shape_cast %get3A_915 : vector<1x1x16xf32> to vector<16xf32>
        %add3A_917 = arith.addf %scan3A_900, %get3A_916 : vector<16xf32>
        %get3A_918 = arith.constant 5 : i32
        %get3A_919 = arith.index_cast %get3A_918 : i32 to index
        %get3A_920 = arith.index_cast %add3A_911 : i32 to index
        %get3A_921 = arith.constant 16 : index
        %get3A_922 = tpu.vector_load %arg9[%get3A_919, %get3A_920, %get3A_921] {strides = array<i32>} : memref<8x64x128xf32, #tpu.memory_space<vmem>>, vector<1x1x16xf32>,
        %get3A_923 = vector.shape_cast %get3A_922 : vector<1x1x16xf32> to vector<16xf32>
        %add3A_924 = arith.addf %scan3A_901, %get3A_923 : vector<16xf32>
        %get3A_925 = arith.constant 5 : i32
        %get3A_926 = arith.index_cast %get3A_925 : i32 to index
        %get3A_927 = arith.index_cast %add3A_911 : i32 to index
        %get3A_928 = arith.constant 32 : index
        %get3A_929 = tpu.vector_load %arg9[%get3A_926, %get3A_927, %get3A_928] {strides = array<i32>} : memref<8x64x128xf32, #tpu.memory_space<vmem>>, vector<1x1x16xf32>,
        %get3A_930 = vector.shape_cast %get3A_929 : vector<1x1x16xf32> to vector<16xf32>
        %add3A_931 = arith.addf %scan3A_902, %get3A_930 : vector<16xf32>
        %get3A_932 = arith.constant 5 : i32
        %get3A_933 = arith.index_cast %get3A_932 : i32 to index
        %get3A_934 = arith.index_cast %add3A_911 : i32 to index
        %get3A_935 = arith.constant 48 : index
        %get3A_936 = tpu.vector_load %arg9[%get3A_933, %get3A_934, %get3A_935] {strides = array<i32>} : memref<8x64x128xf32, #tpu.memory_space<vmem>>, vector<1x1x16xf32>,
        %get3A_937 = vector.shape_cast %get3A_936 : vector<1x1x16xf32> to vector<16xf32>
        %add3A_938 = arith.addf %scan3A_903, %get3A_937 : vector<16xf32>
        %get3A_939 = arith.constant 5 : i32
        %get3A_940 = arith.index_cast %get3A_939 : i32 to index
        %get3A_941 = arith.index_cast %add3A_911 : i32 to index
        %get3A_942 = arith.constant 64 : index
        %get3A_943 = tpu.vector_load %arg9[%get3A_940, %get3A_941, %get3A_942] {strides = array<i32>} : memref<8x64x128xf32, #tpu.memory_space<vmem>>, vector<1x1x16xf32>,
        %get3A_944 = vector.shape_cast %get3A_943 : vector<1x1x16xf32> to vector<16xf32>
        %add3A_945 = arith.addf %scan3A_904, %get3A_944 : vector<16xf32>
        %get3A_946 = arith.constant 5 : i32
        %get3A_947 = arith.index_cast %get3A_946 : i32 to index
        %get3A_948 = arith.index_cast %add3A_911 : i32 to index
        %get3A_949 = arith.constant 80 : index
        %get3A_950 = tpu.vector_load %arg9[%get3A_947, %get3A_948, %get3A_949] {strides = array<i32>} : memref<8x64x128xf32, #tpu.memory_space<vmem>>, vector<1x1x16xf32>,
        %get3A_951 = vector.shape_cast %get3A_950 : vector<1x1x16xf32> to vector<16xf32>
        %add3A_952 = arith.addf %scan3A_905, %get3A_951 : vector<16xf32>
        %get3A_953 = arith.constant 5 : i32
        %get3A_954 = arith.index_cast %get3A_953 : i32 to index
        %get3A_955 = arith.index_cast %add3A_911 : i32 to index
        %get3A_956 = arith.constant 96 : index
        %get3A_957 = tpu.vector_load %arg9[%get3A_954, %get3A_955, %get3A_956] {strides = array<i32>} : memref<8x64x128xf32, #tpu.memory_space<vmem>>, vector<1x1x16xf32>,
        %get3A_958 = vector.shape_cast %get3A_957 : vector<1x1x16xf32> to vector<16xf32>
        %add3A_959 = arith.addf %scan3A_906, %get3A_958 : vector<16xf32>
        %get3A_960 = arith.constant 5 : i32
        %get3A_961 = arith.index_cast %get3A_960 : i32 to index
        %get3A_962 = arith.index_cast %add3A_911 : i32 to index
        %get3A_963 = arith.constant 112 : index
        %get3A_964 = tpu.vector_load %arg9[%get3A_961, %get3A_962, %get3A_963] {strides = array<i32>} : memref<8x64x128xf32, #tpu.memory_space<vmem>>, vector<1x1x16xf32>,
        %get3A_965 = vector.shape_cast %get3A_964 : vector<1x1x16xf32> to vector<16xf32>
        %add3A_966 = arith.addf %scan3A_907, %get3A_965 : vector<16xf32>
        %add3A_967 = arith.constant 1 : i32
        %add3A_968 = arith.addi %add3A_911, %add3A_967 : i32
        %get3A_969 = arith.constant 5 : i32
        %get3A_970 = arith.index_cast %get3A_969 : i32 to index
        %get3A_971 = arith.index_cast %add3A_968 : i32 to index
        %get3A_972 = arith.constant 0 : index
        %get3A_973 = tpu.vector_load %arg9[%get3A_970, %get3A_971, %get3A_972] {strides = array<i32>} : memref<8x64x128xf32, #tpu.memory_space<vmem>>, vector<1x1x16xf32>,
        %get3A_974 = vector.shape_cast %get3A_973 : vector<1x1x16xf32> to vector<16xf32>
        %add3A_975 = arith.addf %add3A_917, %get3A_974 : vector<16xf32>
        %add3A_976 = arith.constant 1 : i32
        %add3A_977 = arith.addi %add3A_911, %add3A_976 : i32
        %get3A_978 = arith.constant 5 : i32
        %get3A_979 = arith.index_cast %get3A_978 : i32 to index
        %get3A_980 = arith.index_cast %add3A_977 : i32 to index
        %get3A_981 = arith.constant 16 : index
        %get3A_982 = tpu.vector_load %arg9[%get3A_979, %get3A_980, %get3A_981] {strides = array<i32>} : memref<8x64x128xf32, #tpu.memory_space<vmem>>, vector<1x1x16xf32>,
        %get3A_983 = vector.shape_cast %get3A_982 : vector<1x1x16xf32> to vector<16xf32>
        %add3A_984 = arith.addf %add3A_924, %get3A_983 : vector<16xf32>
        %add3A_985 = arith.constant 1 : i32
        %add3A_986 = arith.addi %add3A_911, %add3A_985 : i32
        %get3A_987 = arith.constant 5 : i32
        %get3A_988 = arith.index_cast %get3A_987 : i32 to index
        %get3A_989 = arith.index_cast %add3A_986 : i32 to index
        %get3A_990 = arith.constant 32 : index
        %get3A_991 = tpu.vector_load %arg9[%get3A_988, %get3A_989, %get3A_990] {strides = array<i32>} : memref<8x64x128xf32, #tpu.memory_space<vmem>>, vector<1x1x16xf32>,
        %get3A_992 = vector.shape_cast %get3A_991 : vector<1x1x16xf32> to vector<16xf32>
        %add3A_993 = arith.addf %add3A_931, %get3A_992 : vector<16xf32>
        %add3A_994 = arith.constant 1 : i32
        %add3A_995 = arith.addi %add3A_911, %add3A_994 : i32
        %get3A_996 = arith.constant 5 : i32
        %get3A_997 = arith.index_cast %get3A_996 : i32 to index
        %get3A_998 = arith.index_cast %add3A_995 : i32 to index
        %get3A_999 = arith.constant 48 : index
        %get3A_1000 = tpu.vector_load %arg9[%get3A_997, %get3A_998, %get3A_999] {strides = array<i32>} : memref<8x64x128xf32, #tpu.memory_space<vmem>>, vector<1x1x16xf32>,
        %get3A_1001 = vector.shape_cast %get3A_1000 : vector<1x1x16xf32> to vector<16xf32>
        %add3A_1002 = arith.addf %add3A_938, %get3A_1001 : vector<16xf32>
        %add3A_1003 = arith.constant 1 : i32
        %add3A_1004 = arith.addi %add3A_911, %add3A_1003 : i32
        %get3A_1005 = arith.constant 5 : i32
        %get3A_1006 = arith.index_cast %get3A_1005 : i32 to index
        %get3A_1007 = arith.index_cast %add3A_1004 : i32 to index
        %get3A_1008 = arith.constant 64 : index
        %get3A_1009 = tpu.vector_load %arg9[%get3A_1006, %get3A_1007, %get3A_1008] {strides = array<i32>} : memref<8x64x128xf32, #tpu.memory_space<vmem>>, vector<1x1x16xf32>,
        %get3A_1010 = vector.shape_cast %get3A_1009 : vector<1x1x16xf32> to vector<16xf32>
        %add3A_1011 = arith.addf %add3A_945, %get3A_1010 : vector<16xf32>
        %add3A_1012 = arith.constant 1 : i32
        %add3A_1013 = arith.addi %add3A_911, %add3A_1012 : i32
        %get3A_1014 = arith.constant 5 : i32
        %get3A_1015 = arith.index_cast %get3A_1014 : i32 to index
        %get3A_1016 = arith.index_cast %add3A_1013 : i32 to index
        %get3A_1017 = arith.constant 80 : index
        %get3A_1018 = tpu.vector_load %arg9[%get3A_1015, %get3A_1016, %get3A_1017] {strides = array<i32>} : memref<8x64x128xf32, #tpu.memory_space<vmem>>, vector<1x1x16xf32>,
        %get3A_1019 = vector.shape_cast %get3A_1018 : vector<1x1x16xf32> to vector<16xf32>
        %add3A_1020 = arith.addf %add3A_952, %get3A_1019 : vector<16xf32>
        %add3A_1021 = arith.constant 1 : i32
        %add3A_1022 = arith.addi %add3A_911, %add3A_1021 : i32
        %get3A_1023 = arith.constant 5 : i32
        %get3A_1024 = arith.index_cast %get3A_1023 : i32 to index
        %get3A_1025 = arith.index_cast %add3A_1022 : i32 to index
        %get3A_1026 = arith.constant 96 : index
        %get3A_1027 = tpu.vector_load %arg9[%get3A_1024, %get3A_1025, %get3A_1026] {strides = array<i32>} : memref<8x64x128xf32, #tpu.memory_space<vmem>>, vector<1x1x16xf32>,
        %get3A_1028 = vector.shape_cast %get3A_1027 : vector<1x1x16xf32> to vector<16xf32>
        %add3A_1029 = arith.addf %add3A_959, %get3A_1028 : vector<16xf32>
        %add3A_1030 = arith.constant 1 : i32
        %add3A_1031 = arith.addi %add3A_911, %add3A_1030 : i32
        %get3A_1032 = arith.constant 5 : i32
        %get3A_1033 = arith.index_cast %get3A_1032 : i32 to index
        %get3A_1034 = arith.index_cast %add3A_1031 : i32 to index
        %get3A_1035 = arith.constant 112 : index
        %get3A_1036 = tpu.vector_load %arg9[%get3A_1033, %get3A_1034, %get3A_1035] {strides = array<i32>} : memref<8x64x128xf32, #tpu.memory_space<vmem>>, vector<1x1x16xf32>,
        %get3A_1037 = vector.shape_cast %get3A_1036 : vector<1x1x16xf32> to vector<16xf32>
        %add3A_1038 = arith.addf %add3A_966, %get3A_1037 : vector<16xf32>
        scf.yield %add3A_975, %add3A_984, %add3A_993, %add3A_1002, %add3A_1011, %add3A_1020, %add3A_1029, %add3A_1038 : vector<16xf32>, vector<16xf32>, vector<16xf32>, vector<16xf32>, vector<16xf32>, vector<16xf32>, vector<16xf32>, vector<16xf32>
      }
      %scan3A_669 = arith.constant 25 : i32
      %mul3A_670 = arith.constant 1 : i32
      %mul3A_671 = arith.muli %add3A_635, %mul3A_670 : i32
      %add3A_672 = arith.constant 0 : i32
      %add3A_673 = arith.addi %mul3A_671, %add3A_672 : i32
      %swap3A_674 = arith.index_cast %add3A_673 : i32 to index
      %swap3A_675 = arith.constant 0 : index
      %swap3A_676 = tpu.vector_load %arg10[%swap3A_674, %swap3A_675] {strides = array<i32>} : memref<128x128xf32, #tpu.memory_space<vmem>>, vector<1x16xf32>,
      %swap3A_677 = vector.shape_cast %swap3A_676 : vector<1x16xf32> to vector<16xf32>
      %swap3A_678 = vector.shape_cast %scan3A_668#0 : vector<16xf32> to vector<1x16xf32>
      tpu.vector_store %arg10[%swap3A_674, %swap3A_675], %swap3A_678 {strides = array<i32>} : memref<128x128xf32, #tpu.memory_space<vmem>>, vector<1x16xf32>,
      %swap3A_679 = arith.index_cast %add3A_673 : i32 to index
      %swap3A_680 = arith.constant 16 : index
      %swap3A_681 = tpu.vector_load %arg10[%swap3A_679, %swap3A_680] {strides = array<i32>} : memref<128x128xf32, #tpu.memory_space<vmem>>, vector<1x16xf32>,
      %swap3A_682 = vector.shape_cast %swap3A_681 : vector<1x16xf32> to vector<16xf32>
      %swap3A_683 = vector.shape_cast %scan3A_668#1 : vector<16xf32> to vector<1x16xf32>
      tpu.vector_store %arg10[%swap3A_679, %swap3A_680], %swap3A_683 {strides = array<i32>} : memref<128x128xf32, #tpu.memory_space<vmem>>, vector<1x16xf32>,
      %swap3A_684 = arith.index_cast %add3A_673 : i32 to index
      %swap3A_685 = arith.constant 32 : index
      %swap3A_686 = tpu.vector_load %arg10[%swap3A_684, %swap3A_685] {strides = array<i32>} : memref<128x128xf32, #tpu.memory_space<vmem>>, vector<1x16xf32>,
      %swap3A_687 = vector.shape_cast %swap3A_686 : vector<1x16xf32> to vector<16xf32>
      %swap3A_688 = vector.shape_cast %scan3A_668#2 : vector<16xf32> to vector<1x16xf32>
      tpu.vector_store %arg10[%swap3A_684, %swap3A_685], %swap3A_688 {strides = array<i32>} : memref<128x128xf32, #tpu.memory_space<vmem>>, vector<1x16xf32>,
      %swap3A_689 = arith.index_cast %add3A_673 : i32 to index
      %swap3A_690 = arith.constant 48 : index
      %swap3A_691 = tpu.vector_load %arg10[%swap3A_689, %swap3A_690] {strides = array<i32>} : memref<128x128xf32, #tpu.memory_space<vmem>>, vector<1x16xf32>,
      %swap3A_692 = vector.shape_cast %swap3A_691 : vector<1x16xf32> to vector<16xf32>
      %swap3A_693 = vector.shape_cast %scan3A_668#3 : vector<16xf32> to vector<1x16xf32>
      tpu.vector_store %arg10[%swap3A_689, %swap3A_690], %swap3A_693 {strides = array<i32>} : memref<128x128xf32, #tpu.memory_space<vmem>>, vector<1x16xf32>,
      %swap3A_694 = arith.index_cast %add3A_673 : i32 to index
      %swap3A_695 = arith.constant 64 : index
      %swap3A_696 = tpu.vector_load %arg10[%swap3A_694, %swap3A_695] {strides = array<i32>} : memref<128x128xf32, #tpu.memory_space<vmem>>, vector<1x16xf32>,
      %swap3A_697 = vector.shape_cast %swap3A_696 : vector<1x16xf32> to vector<16xf32>
      %swap3A_698 = vector.shape_cast %scan3A_668#4 : vector<16xf32> to vector<1x16xf32>
      tpu.vector_store %arg10[%swap3A_694, %swap3A_695], %swap3A_698 {strides = array<i32>} : memref<128x128xf32, #tpu.memory_space<vmem>>, vector<1x16xf32>,
      %swap3A_699 = arith.index_cast %add3A_673 : i32 to index
      %swap3A_700 = arith.constant 80 : index
      %swap3A_701 = tpu.vector_load %arg10[%swap3A_699, %swap3A_700] {strides = array<i32>} : memref<128x128xf32, #tpu.memory_space<vmem>>, vector<1x16xf32>,
      %swap3A_702 = vector.shape_cast %swap3A_701 : vector<1x16xf32> to vector<16xf32>
      %swap3A_703 = vector.shape_cast %scan3A_668#5 : vector<16xf32> to vector<1x16xf32>
      tpu.vector_store %arg10[%swap3A_699, %swap3A_700], %swap3A_703 {strides = array<i32>} : memref<128x128xf32, #tpu.memory_space<vmem>>, vector<1x16xf32>,
      %swap3A_704 = arith.index_cast %add3A_673 : i32 to index
      %swap3A_705 = arith.constant 96 : index
      %swap3A_706 = tpu.vector_load %arg10[%swap3A_704, %swap3A_705] {strides = array<i32>} : memref<128x128xf32, #tpu.memory_space<vmem>>, vector<1x16xf32>,
      %swap3A_707 = vector.shape_cast %swap3A_706 : vector<1x16xf32> to vector<16xf32>
      %swap3A_708 = vector.shape_cast %scan3A_668#6 : vector<16xf32> to vector<1x16xf32>
      tpu.vector_store %arg10[%swap3A_704, %swap3A_705], %swap3A_708 {strides = array<i32>} : memref<128x128xf32, #tpu.memory_space<vmem>>, vector<1x16xf32>,
      %swap3A_709 = arith.index_cast %add3A_673 : i32 to index
      %swap3A_710 = arith.constant 112 : index
      %swap3A_711 = tpu.vector_load %arg10[%swap3A_709, %swap3A_710] {strides = array<i32>} : memref<128x128xf32, #tpu.memory_space<vmem>>, vector<1x16xf32>,
      %swap3A_712 = vector.shape_cast %swap3A_711 : vector<1x16xf32> to vector<16xf32>
      %swap3A_713 = vector.shape_cast %scan3A_668#7 : vector<16xf32> to vector<1x16xf32>
      tpu.vector_store %arg10[%swap3A_709, %swap3A_710], %swap3A_713 {strides = array<i32>} : memref<128x128xf32, #tpu.memory_space<vmem>>, vector<1x16xf32>,
      %add3A_714 = arith.constant 8 : i32
      %add3A_715 = arith.addi %add3A_635, %add3A_714 : i32
      %lt3A_716 = arith.constant 128 : i32
      %lt3A_717 = arith.cmpi slt, %add3A_715, %lt3A_716 : i32
      %convert_element_type3A_718 = arith.extui %lt3A_717 : i1 to i32
      %cond3A_719 = arith.constant 0 : i32
      %cond3A_720 = arith.cmpi ne, %convert_element_type3A_718, %cond3A_719 : i32
      scf.if %cond3A_720 {
        %add3A_899 = arith.constant 8 : i32
        %add3A_900 = arith.addi %add3A_635, %add3A_899 : i32
        %mul3A_901 = arith.constant 56 : i32
        %mul3A_902 = arith.muli %add3A_900, %mul3A_901 : i32
        %multiple_of3A_903 = tpu.assume_multiple %mul3A_902, 8 : i32
        %dma_start3A_904 = arith.constant 5 : i32
        %dma_start3A_905 = arith.constant 0 : i32
        %dma_start3A_906 = arith.constant 0 : i32
        %dma_start3A_907 = tpu.memref_slice %arg9[%dma_start3A_904, %dma_start3A_905, %dma_start3A_906] : memref<8x64x128xf32, #tpu.memory_space<vmem>> -> memref<1x56x128xf32, #tpu.memory_space<vmem>>
        %dma_start3A_908 = tpu.memref_squeeze %dma_start3A_907 : memref<1x56x128xf32, #tpu.memory_space<vmem>> -> memref<56x128xf32, #tpu.memory_space<vmem>>
        %dma_start3A_909 = tpu.memref_slice %arg8[%multiple_of3A_903] : memref<7168xi32, #tpu.memory_space<vmem>> -> memref<56xi32, #tpu.memory_space<vmem>>
        %dma_start3A_910 = arith.constant 0 : i32
        %dma_start3A_911 = arith.constant 0 : i32
        %dma_start3A_912 = tpu.memref_slice %arg2[%dma_start3A_910, %dma_start3A_911] : memref<100000x128xf32, #tpu.memory_space<hbm>> -> memref<100000x128xf32, #tpu.memory_space<hbm>>
        tpu.enqueue_indirect_dma source(%dma_start3A_912 : memref<100000x128xf32, #tpu.memory_space<hbm>>) target(%dma_start3A_908 : memref<56x128xf32, #tpu.memory_space<vmem>>) offsets(%dma_start3A_909 : memref<56xi32, #tpu.memory_space<vmem>>) semaphore(%arg17 : memref<!tpu.dma_semaphore, #tpu.memory_space<semaphore_mem>>)
      } else {
      }
      %mul3A_721 = arith.constant 8 : i32
      %mul3A_722 = arith.muli %scan3A_192, %mul3A_721 : i32
      %add3A_723 = arith.constant 6 : i32
      %add3A_724 = arith.addi %mul3A_722, %add3A_723 : i32
      %mul3A_725 = arith.constant 56 : i32
      %mul3A_726 = arith.muli %add3A_724, %mul3A_725 : i32
      %multiple_of3A_727 = tpu.assume_multiple %mul3A_726, 8 : i32
      %dma_wait3A_728 = arith.constant 6 : i32
      %dma_wait3A_729 = arith.constant 0 : i32
      %dma_wait3A_730 = arith.constant 0 : i32
      %dma_wait3A_731 = tpu.memref_slice %arg9[%dma_wait3A_728, %dma_wait3A_729, %dma_wait3A_730] : memref<8x64x128xf32, #tpu.memory_space<vmem>> -> memref<1x56x128xf32, #tpu.memory_space<vmem>>
      %dma_wait3A_732 = tpu.memref_squeeze %dma_wait3A_731 : memref<1x56x128xf32, #tpu.memory_space<vmem>> -> memref<56x128xf32, #tpu.memory_space<vmem>>
      %dma_wait3A_733 = tpu.memref_slice %arg8[%multiple_of3A_727] : memref<7168xi32, #tpu.memory_space<vmem>> -> memref<56xi32, #tpu.memory_space<vmem>>
      %dma_wait3A_734 = arith.constant 0 : i32
      %dma_wait3A_735 = arith.constant 0 : i32
      %dma_wait3A_736 = tpu.memref_slice %arg2[%dma_wait3A_734, %dma_wait3A_735] : memref<100000x128xf32, #tpu.memory_space<hbm>> -> memref<100000x128xf32, #tpu.memory_space<hbm>>
      tpu.wait_indirect_dma semaphore(%arg18 : memref<!tpu.dma_semaphore, #tpu.memory_space<semaphore_mem>>) src(%dma_wait3A_736 : memref<100000x128xf32, #tpu.memory_space<hbm>>) dst(%dma_wait3A_732 : memref<56x128xf32, #tpu.memory_space<vmem>>)
      %broadcast_in_dim3A_737 = arith.constant 0.000000e+00 : f32
      %broadcast_in_dim3A_738 = vector.broadcast %broadcast_in_dim3A_737 : f32 to vector<16xf32>
      %broadcast_in_dim3A_739 = arith.constant 0.000000e+00 : f32
      %broadcast_in_dim3A_740 = vector.broadcast %broadcast_in_dim3A_739 : f32 to vector<16xf32>
      %broadcast_in_dim3A_741 = arith.constant 0.000000e+00 : f32
      %broadcast_in_dim3A_742 = vector.broadcast %broadcast_in_dim3A_741 : f32 to vector<16xf32>
      %broadcast_in_dim3A_743 = arith.constant 0.000000e+00 : f32
      %broadcast_in_dim3A_744 = vector.broadcast %broadcast_in_dim3A_743 : f32 to vector<16xf32>
      %broadcast_in_dim3A_745 = arith.constant 0.000000e+00 : f32
      %broadcast_in_dim3A_746 = vector.broadcast %broadcast_in_dim3A_745 : f32 to vector<16xf32>
      %broadcast_in_dim3A_747 = arith.constant 0.000000e+00 : f32
      %broadcast_in_dim3A_748 = vector.broadcast %broadcast_in_dim3A_747 : f32 to vector<16xf32>
      %broadcast_in_dim3A_749 = arith.constant 0.000000e+00 : f32
      %broadcast_in_dim3A_750 = vector.broadcast %broadcast_in_dim3A_749 : f32 to vector<16xf32>
      %broadcast_in_dim3A_751 = arith.constant 0.000000e+00 : f32
      %broadcast_in_dim3A_752 = vector.broadcast %broadcast_in_dim3A_751 : f32 to vector<16xf32>
      %scan3A_753 = arith.constant 0 : i32
      %scan3A_754 = arith.constant 25 : i32
      %scan3A_755 = arith.addi %scan3A_753, %scan3A_754 : i32
      %scan3A_756 = arith.constant 1 : i32
      %scan3A_757:8 = scf.for %scan3A_899 = %scan3A_753 to %scan3A_755 step %scan3A_756 iter_args(%scan3A_900 = %broadcast_in_dim3A_738, %scan3A_901 = %broadcast_in_dim3A_740, %scan3A_902 = %broadcast_in_dim3A_742, %scan3A_903 = %broadcast_in_dim3A_744, %scan3A_904 = %broadcast_in_dim3A_746, %scan3A_905 = %broadcast_in_dim3A_748, %scan3A_906 = %broadcast_in_dim3A_750, %scan3A_907 = %broadcast_in_dim3A_752) -> (vector<16xf32>, vector<16xf32>, vector<16xf32>, vector<16xf32>, vector<16xf32>, vector<16xf32>, vector<16xf32>, vector<16xf32>)  : i32 {
        %mul3A_908 = arith.constant 2 : i32
        %mul3A_909 = arith.muli %scan3A_899, %mul3A_908 : i32
        %add3A_910 = arith.constant 0 : i32
        %add3A_911 = arith.addi %add3A_910, %mul3A_909 : i32
        %get3A = arith.constant 6 : i32
        %get3A_912 = arith.index_cast %get3A : i32 to index
        %get3A_913 = arith.index_cast %add3A_911 : i32 to index
        %get3A_914 = arith.constant 0 : index
        %get3A_915 = tpu.vector_load %arg9[%get3A_912, %get3A_913, %get3A_914] {strides = array<i32>} : memref<8x64x128xf32, #tpu.memory_space<vmem>>, vector<1x1x16xf32>,
        %get3A_916 = vector.shape_cast %get3A_915 : vector<1x1x16xf32> to vector<16xf32>
        %add3A_917 = arith.addf %scan3A_900, %get3A_916 : vector<16xf32>
        %get3A_918 = arith.constant 6 : i32
        %get3A_919 = arith.index_cast %get3A_918 : i32 to index
        %get3A_920 = arith.index_cast %add3A_911 : i32 to index
        %get3A_921 = arith.constant 16 : index
        %get3A_922 = tpu.vector_load %arg9[%get3A_919, %get3A_920, %get3A_921] {strides = array<i32>} : memref<8x64x128xf32, #tpu.memory_space<vmem>>, vector<1x1x16xf32>,
        %get3A_923 = vector.shape_cast %get3A_922 : vector<1x1x16xf32> to vector<16xf32>
        %add3A_924 = arith.addf %scan3A_901, %get3A_923 : vector<16xf32>
        %get3A_925 = arith.constant 6 : i32
        %get3A_926 = arith.index_cast %get3A_925 : i32 to index
        %get3A_927 = arith.index_cast %add3A_911 : i32 to index
        %get3A_928 = arith.constant 32 : index
        %get3A_929 = tpu.vector_load %arg9[%get3A_926, %get3A_927, %get3A_928] {strides = array<i32>} : memref<8x64x128xf32, #tpu.memory_space<vmem>>, vector<1x1x16xf32>,
        %get3A_930 = vector.shape_cast %get3A_929 : vector<1x1x16xf32> to vector<16xf32>
        %add3A_931 = arith.addf %scan3A_902, %get3A_930 : vector<16xf32>
        %get3A_932 = arith.constant 6 : i32
        %get3A_933 = arith.index_cast %get3A_932 : i32 to index
        %get3A_934 = arith.index_cast %add3A_911 : i32 to index
        %get3A_935 = arith.constant 48 : index
        %get3A_936 = tpu.vector_load %arg9[%get3A_933, %get3A_934, %get3A_935] {strides = array<i32>} : memref<8x64x128xf32, #tpu.memory_space<vmem>>, vector<1x1x16xf32>,
        %get3A_937 = vector.shape_cast %get3A_936 : vector<1x1x16xf32> to vector<16xf32>
        %add3A_938 = arith.addf %scan3A_903, %get3A_937 : vector<16xf32>
        %get3A_939 = arith.constant 6 : i32
        %get3A_940 = arith.index_cast %get3A_939 : i32 to index
        %get3A_941 = arith.index_cast %add3A_911 : i32 to index
        %get3A_942 = arith.constant 64 : index
        %get3A_943 = tpu.vector_load %arg9[%get3A_940, %get3A_941, %get3A_942] {strides = array<i32>} : memref<8x64x128xf32, #tpu.memory_space<vmem>>, vector<1x1x16xf32>,
        %get3A_944 = vector.shape_cast %get3A_943 : vector<1x1x16xf32> to vector<16xf32>
        %add3A_945 = arith.addf %scan3A_904, %get3A_944 : vector<16xf32>
        %get3A_946 = arith.constant 6 : i32
        %get3A_947 = arith.index_cast %get3A_946 : i32 to index
        %get3A_948 = arith.index_cast %add3A_911 : i32 to index
        %get3A_949 = arith.constant 80 : index
        %get3A_950 = tpu.vector_load %arg9[%get3A_947, %get3A_948, %get3A_949] {strides = array<i32>} : memref<8x64x128xf32, #tpu.memory_space<vmem>>, vector<1x1x16xf32>,
        %get3A_951 = vector.shape_cast %get3A_950 : vector<1x1x16xf32> to vector<16xf32>
        %add3A_952 = arith.addf %scan3A_905, %get3A_951 : vector<16xf32>
        %get3A_953 = arith.constant 6 : i32
        %get3A_954 = arith.index_cast %get3A_953 : i32 to index
        %get3A_955 = arith.index_cast %add3A_911 : i32 to index
        %get3A_956 = arith.constant 96 : index
        %get3A_957 = tpu.vector_load %arg9[%get3A_954, %get3A_955, %get3A_956] {strides = array<i32>} : memref<8x64x128xf32, #tpu.memory_space<vmem>>, vector<1x1x16xf32>,
        %get3A_958 = vector.shape_cast %get3A_957 : vector<1x1x16xf32> to vector<16xf32>
        %add3A_959 = arith.addf %scan3A_906, %get3A_958 : vector<16xf32>
        %get3A_960 = arith.constant 6 : i32
        %get3A_961 = arith.index_cast %get3A_960 : i32 to index
        %get3A_962 = arith.index_cast %add3A_911 : i32 to index
        %get3A_963 = arith.constant 112 : index
        %get3A_964 = tpu.vector_load %arg9[%get3A_961, %get3A_962, %get3A_963] {strides = array<i32>} : memref<8x64x128xf32, #tpu.memory_space<vmem>>, vector<1x1x16xf32>,
        %get3A_965 = vector.shape_cast %get3A_964 : vector<1x1x16xf32> to vector<16xf32>
        %add3A_966 = arith.addf %scan3A_907, %get3A_965 : vector<16xf32>
        %add3A_967 = arith.constant 1 : i32
        %add3A_968 = arith.addi %add3A_911, %add3A_967 : i32
        %get3A_969 = arith.constant 6 : i32
        %get3A_970 = arith.index_cast %get3A_969 : i32 to index
        %get3A_971 = arith.index_cast %add3A_968 : i32 to index
        %get3A_972 = arith.constant 0 : index
        %get3A_973 = tpu.vector_load %arg9[%get3A_970, %get3A_971, %get3A_972] {strides = array<i32>} : memref<8x64x128xf32, #tpu.memory_space<vmem>>, vector<1x1x16xf32>,
        %get3A_974 = vector.shape_cast %get3A_973 : vector<1x1x16xf32> to vector<16xf32>
        %add3A_975 = arith.addf %add3A_917, %get3A_974 : vector<16xf32>
        %add3A_976 = arith.constant 1 : i32
        %add3A_977 = arith.addi %add3A_911, %add3A_976 : i32
        %get3A_978 = arith.constant 6 : i32
        %get3A_979 = arith.index_cast %get3A_978 : i32 to index
        %get3A_980 = arith.index_cast %add3A_977 : i32 to index
        %get3A_981 = arith.constant 16 : index
        %get3A_982 = tpu.vector_load %arg9[%get3A_979, %get3A_980, %get3A_981] {strides = array<i32>} : memref<8x64x128xf32, #tpu.memory_space<vmem>>, vector<1x1x16xf32>,
        %get3A_983 = vector.shape_cast %get3A_982 : vector<1x1x16xf32> to vector<16xf32>
        %add3A_984 = arith.addf %add3A_924, %get3A_983 : vector<16xf32>
        %add3A_985 = arith.constant 1 : i32
        %add3A_986 = arith.addi %add3A_911, %add3A_985 : i32
        %get3A_987 = arith.constant 6 : i32
        %get3A_988 = arith.index_cast %get3A_987 : i32 to index
        %get3A_989 = arith.index_cast %add3A_986 : i32 to index
        %get3A_990 = arith.constant 32 : index
        %get3A_991 = tpu.vector_load %arg9[%get3A_988, %get3A_989, %get3A_990] {strides = array<i32>} : memref<8x64x128xf32, #tpu.memory_space<vmem>>, vector<1x1x16xf32>,
        %get3A_992 = vector.shape_cast %get3A_991 : vector<1x1x16xf32> to vector<16xf32>
        %add3A_993 = arith.addf %add3A_931, %get3A_992 : vector<16xf32>
        %add3A_994 = arith.constant 1 : i32
        %add3A_995 = arith.addi %add3A_911, %add3A_994 : i32
        %get3A_996 = arith.constant 6 : i32
        %get3A_997 = arith.index_cast %get3A_996 : i32 to index
        %get3A_998 = arith.index_cast %add3A_995 : i32 to index
        %get3A_999 = arith.constant 48 : index
        %get3A_1000 = tpu.vector_load %arg9[%get3A_997, %get3A_998, %get3A_999] {strides = array<i32>} : memref<8x64x128xf32, #tpu.memory_space<vmem>>, vector<1x1x16xf32>,
        %get3A_1001 = vector.shape_cast %get3A_1000 : vector<1x1x16xf32> to vector<16xf32>
        %add3A_1002 = arith.addf %add3A_938, %get3A_1001 : vector<16xf32>
        %add3A_1003 = arith.constant 1 : i32
        %add3A_1004 = arith.addi %add3A_911, %add3A_1003 : i32
        %get3A_1005 = arith.constant 6 : i32
        %get3A_1006 = arith.index_cast %get3A_1005 : i32 to index
        %get3A_1007 = arith.index_cast %add3A_1004 : i32 to index
        %get3A_1008 = arith.constant 64 : index
        %get3A_1009 = tpu.vector_load %arg9[%get3A_1006, %get3A_1007, %get3A_1008] {strides = array<i32>} : memref<8x64x128xf32, #tpu.memory_space<vmem>>, vector<1x1x16xf32>,
        %get3A_1010 = vector.shape_cast %get3A_1009 : vector<1x1x16xf32> to vector<16xf32>
        %add3A_1011 = arith.addf %add3A_945, %get3A_1010 : vector<16xf32>
        %add3A_1012 = arith.constant 1 : i32
        %add3A_1013 = arith.addi %add3A_911, %add3A_1012 : i32
        %get3A_1014 = arith.constant 6 : i32
        %get3A_1015 = arith.index_cast %get3A_1014 : i32 to index
        %get3A_1016 = arith.index_cast %add3A_1013 : i32 to index
        %get3A_1017 = arith.constant 80 : index
        %get3A_1018 = tpu.vector_load %arg9[%get3A_1015, %get3A_1016, %get3A_1017] {strides = array<i32>} : memref<8x64x128xf32, #tpu.memory_space<vmem>>, vector<1x1x16xf32>,
        %get3A_1019 = vector.shape_cast %get3A_1018 : vector<1x1x16xf32> to vector<16xf32>
        %add3A_1020 = arith.addf %add3A_952, %get3A_1019 : vector<16xf32>
        %add3A_1021 = arith.constant 1 : i32
        %add3A_1022 = arith.addi %add3A_911, %add3A_1021 : i32
        %get3A_1023 = arith.constant 6 : i32
        %get3A_1024 = arith.index_cast %get3A_1023 : i32 to index
        %get3A_1025 = arith.index_cast %add3A_1022 : i32 to index
        %get3A_1026 = arith.constant 96 : index
        %get3A_1027 = tpu.vector_load %arg9[%get3A_1024, %get3A_1025, %get3A_1026] {strides = array<i32>} : memref<8x64x128xf32, #tpu.memory_space<vmem>>, vector<1x1x16xf32>,
        %get3A_1028 = vector.shape_cast %get3A_1027 : vector<1x1x16xf32> to vector<16xf32>
        %add3A_1029 = arith.addf %add3A_959, %get3A_1028 : vector<16xf32>
        %add3A_1030 = arith.constant 1 : i32
        %add3A_1031 = arith.addi %add3A_911, %add3A_1030 : i32
        %get3A_1032 = arith.constant 6 : i32
        %get3A_1033 = arith.index_cast %get3A_1032 : i32 to index
        %get3A_1034 = arith.index_cast %add3A_1031 : i32 to index
        %get3A_1035 = arith.constant 112 : index
        %get3A_1036 = tpu.vector_load %arg9[%get3A_1033, %get3A_1034, %get3A_1035] {strides = array<i32>} : memref<8x64x128xf32, #tpu.memory_space<vmem>>, vector<1x1x16xf32>,
        %get3A_1037 = vector.shape_cast %get3A_1036 : vector<1x1x16xf32> to vector<16xf32>
        %add3A_1038 = arith.addf %add3A_966, %get3A_1037 : vector<16xf32>
        scf.yield %add3A_975, %add3A_984, %add3A_993, %add3A_1002, %add3A_1011, %add3A_1020, %add3A_1029, %add3A_1038 : vector<16xf32>, vector<16xf32>, vector<16xf32>, vector<16xf32>, vector<16xf32>, vector<16xf32>, vector<16xf32>, vector<16xf32>
      }
      %scan3A_758 = arith.constant 25 : i32
      %mul3A_759 = arith.constant 1 : i32
      %mul3A_760 = arith.muli %add3A_724, %mul3A_759 : i32
      %add3A_761 = arith.constant 0 : i32
      %add3A_762 = arith.addi %mul3A_760, %add3A_761 : i32
      %swap3A_763 = arith.index_cast %add3A_762 : i32 to index
      %swap3A_764 = arith.constant 0 : index
      %swap3A_765 = tpu.vector_load %arg10[%swap3A_763, %swap3A_764] {strides = array<i32>} : memref<128x128xf32, #tpu.memory_space<vmem>>, vector<1x16xf32>,
      %swap3A_766 = vector.shape_cast %swap3A_765 : vector<1x16xf32> to vector<16xf32>
      %swap3A_767 = vector.shape_cast %scan3A_757#0 : vector<16xf32> to vector<1x16xf32>
      tpu.vector_store %arg10[%swap3A_763, %swap3A_764], %swap3A_767 {strides = array<i32>} : memref<128x128xf32, #tpu.memory_space<vmem>>, vector<1x16xf32>,
      %swap3A_768 = arith.index_cast %add3A_762 : i32 to index
      %swap3A_769 = arith.constant 16 : index
      %swap3A_770 = tpu.vector_load %arg10[%swap3A_768, %swap3A_769] {strides = array<i32>} : memref<128x128xf32, #tpu.memory_space<vmem>>, vector<1x16xf32>,
      %swap3A_771 = vector.shape_cast %swap3A_770 : vector<1x16xf32> to vector<16xf32>
      %swap3A_772 = vector.shape_cast %scan3A_757#1 : vector<16xf32> to vector<1x16xf32>
      tpu.vector_store %arg10[%swap3A_768, %swap3A_769], %swap3A_772 {strides = array<i32>} : memref<128x128xf32, #tpu.memory_space<vmem>>, vector<1x16xf32>,
      %swap3A_773 = arith.index_cast %add3A_762 : i32 to index
      %swap3A_774 = arith.constant 32 : index
      %swap3A_775 = tpu.vector_load %arg10[%swap3A_773, %swap3A_774] {strides = array<i32>} : memref<128x128xf32, #tpu.memory_space<vmem>>, vector<1x16xf32>,
      %swap3A_776 = vector.shape_cast %swap3A_775 : vector<1x16xf32> to vector<16xf32>
      %swap3A_777 = vector.shape_cast %scan3A_757#2 : vector<16xf32> to vector<1x16xf32>
      tpu.vector_store %arg10[%swap3A_773, %swap3A_774], %swap3A_777 {strides = array<i32>} : memref<128x128xf32, #tpu.memory_space<vmem>>, vector<1x16xf32>,
      %swap3A_778 = arith.index_cast %add3A_762 : i32 to index
      %swap3A_779 = arith.constant 48 : index
      %swap3A_780 = tpu.vector_load %arg10[%swap3A_778, %swap3A_779] {strides = array<i32>} : memref<128x128xf32, #tpu.memory_space<vmem>>, vector<1x16xf32>,
      %swap3A_781 = vector.shape_cast %swap3A_780 : vector<1x16xf32> to vector<16xf32>
      %swap3A_782 = vector.shape_cast %scan3A_757#3 : vector<16xf32> to vector<1x16xf32>
      tpu.vector_store %arg10[%swap3A_778, %swap3A_779], %swap3A_782 {strides = array<i32>} : memref<128x128xf32, #tpu.memory_space<vmem>>, vector<1x16xf32>,
      %swap3A_783 = arith.index_cast %add3A_762 : i32 to index
      %swap3A_784 = arith.constant 64 : index
      %swap3A_785 = tpu.vector_load %arg10[%swap3A_783, %swap3A_784] {strides = array<i32>} : memref<128x128xf32, #tpu.memory_space<vmem>>, vector<1x16xf32>,
      %swap3A_786 = vector.shape_cast %swap3A_785 : vector<1x16xf32> to vector<16xf32>
      %swap3A_787 = vector.shape_cast %scan3A_757#4 : vector<16xf32> to vector<1x16xf32>
      tpu.vector_store %arg10[%swap3A_783, %swap3A_784], %swap3A_787 {strides = array<i32>} : memref<128x128xf32, #tpu.memory_space<vmem>>, vector<1x16xf32>,
      %swap3A_788 = arith.index_cast %add3A_762 : i32 to index
      %swap3A_789 = arith.constant 80 : index
      %swap3A_790 = tpu.vector_load %arg10[%swap3A_788, %swap3A_789] {strides = array<i32>} : memref<128x128xf32, #tpu.memory_space<vmem>>, vector<1x16xf32>,
      %swap3A_791 = vector.shape_cast %swap3A_790 : vector<1x16xf32> to vector<16xf32>
      %swap3A_792 = vector.shape_cast %scan3A_757#5 : vector<16xf32> to vector<1x16xf32>
      tpu.vector_store %arg10[%swap3A_788, %swap3A_789], %swap3A_792 {strides = array<i32>} : memref<128x128xf32, #tpu.memory_space<vmem>>, vector<1x16xf32>,
      %swap3A_793 = arith.index_cast %add3A_762 : i32 to index
      %swap3A_794 = arith.constant 96 : index
      %swap3A_795 = tpu.vector_load %arg10[%swap3A_793, %swap3A_794] {strides = array<i32>} : memref<128x128xf32, #tpu.memory_space<vmem>>, vector<1x16xf32>,
      %swap3A_796 = vector.shape_cast %swap3A_795 : vector<1x16xf32> to vector<16xf32>
      %swap3A_797 = vector.shape_cast %scan3A_757#6 : vector<16xf32> to vector<1x16xf32>
      tpu.vector_store %arg10[%swap3A_793, %swap3A_794], %swap3A_797 {strides = array<i32>} : memref<128x128xf32, #tpu.memory_space<vmem>>, vector<1x16xf32>,
      %swap3A_798 = arith.index_cast %add3A_762 : i32 to index
      %swap3A_799 = arith.constant 112 : index
      %swap3A_800 = tpu.vector_load %arg10[%swap3A_798, %swap3A_799] {strides = array<i32>} : memref<128x128xf32, #tpu.memory_space<vmem>>, vector<1x16xf32>,
      %swap3A_801 = vector.shape_cast %swap3A_800 : vector<1x16xf32> to vector<16xf32>
      %swap3A_802 = vector.shape_cast %scan3A_757#7 : vector<16xf32> to vector<1x16xf32>
      tpu.vector_store %arg10[%swap3A_798, %swap3A_799], %swap3A_802 {strides = array<i32>} : memref<128x128xf32, #tpu.memory_space<vmem>>, vector<1x16xf32>,
      %add3A_803 = arith.constant 8 : i32
      %add3A_804 = arith.addi %add3A_724, %add3A_803 : i32
      %lt3A_805 = arith.constant 128 : i32
      %lt3A_806 = arith.cmpi slt, %add3A_804, %lt3A_805 : i32
      %convert_element_type3A_807 = arith.extui %lt3A_806 : i1 to i32
      %cond3A_808 = arith.constant 0 : i32
      %cond3A_809 = arith.cmpi ne, %convert_element_type3A_807, %cond3A_808 : i32
      scf.if %cond3A_809 {
        %add3A_899 = arith.constant 8 : i32
        %add3A_900 = arith.addi %add3A_724, %add3A_899 : i32
        %mul3A_901 = arith.constant 56 : i32
        %mul3A_902 = arith.muli %add3A_900, %mul3A_901 : i32
        %multiple_of3A_903 = tpu.assume_multiple %mul3A_902, 8 : i32
        %dma_start3A_904 = arith.constant 6 : i32
        %dma_start3A_905 = arith.constant 0 : i32
        %dma_start3A_906 = arith.constant 0 : i32
        %dma_start3A_907 = tpu.memref_slice %arg9[%dma_start3A_904, %dma_start3A_905, %dma_start3A_906] : memref<8x64x128xf32, #tpu.memory_space<vmem>> -> memref<1x56x128xf32, #tpu.memory_space<vmem>>
        %dma_start3A_908 = tpu.memref_squeeze %dma_start3A_907 : memref<1x56x128xf32, #tpu.memory_space<vmem>> -> memref<56x128xf32, #tpu.memory_space<vmem>>
        %dma_start3A_909 = tpu.memref_slice %arg8[%multiple_of3A_903] : memref<7168xi32, #tpu.memory_space<vmem>> -> memref<56xi32, #tpu.memory_space<vmem>>
        %dma_start3A_910 = arith.constant 0 : i32
        %dma_start3A_911 = arith.constant 0 : i32
        %dma_start3A_912 = tpu.memref_slice %arg2[%dma_start3A_910, %dma_start3A_911] : memref<100000x128xf32, #tpu.memory_space<hbm>> -> memref<100000x128xf32, #tpu.memory_space<hbm>>
        tpu.enqueue_indirect_dma source(%dma_start3A_912 : memref<100000x128xf32, #tpu.memory_space<hbm>>) target(%dma_start3A_908 : memref<56x128xf32, #tpu.memory_space<vmem>>) offsets(%dma_start3A_909 : memref<56xi32, #tpu.memory_space<vmem>>) semaphore(%arg18 : memref<!tpu.dma_semaphore, #tpu.memory_space<semaphore_mem>>)
      } else {
      }
      %mul3A_810 = arith.constant 8 : i32
      %mul3A_811 = arith.muli %scan3A_192, %mul3A_810 : i32
      %add3A_812 = arith.constant 7 : i32
      %add3A_813 = arith.addi %mul3A_811, %add3A_812 : i32
      %mul3A_814 = arith.constant 56 : i32
      %mul3A_815 = arith.muli %add3A_813, %mul3A_814 : i32
      %multiple_of3A_816 = tpu.assume_multiple %mul3A_815, 8 : i32
      %dma_wait3A_817 = arith.constant 7 : i32
      %dma_wait3A_818 = arith.constant 0 : i32
      %dma_wait3A_819 = arith.constant 0 : i32
      %dma_wait3A_820 = tpu.memref_slice %arg9[%dma_wait3A_817, %dma_wait3A_818, %dma_wait3A_819] : memref<8x64x128xf32, #tpu.memory_space<vmem>> -> memref<1x56x128xf32, #tpu.memory_space<vmem>>
      %dma_wait3A_821 = tpu.memref_squeeze %dma_wait3A_820 : memref<1x56x128xf32, #tpu.memory_space<vmem>> -> memref<56x128xf32, #tpu.memory_space<vmem>>
      %dma_wait3A_822 = tpu.memref_slice %arg8[%multiple_of3A_816] : memref<7168xi32, #tpu.memory_space<vmem>> -> memref<56xi32, #tpu.memory_space<vmem>>
      %dma_wait3A_823 = arith.constant 0 : i32
      %dma_wait3A_824 = arith.constant 0 : i32
      %dma_wait3A_825 = tpu.memref_slice %arg2[%dma_wait3A_823, %dma_wait3A_824] : memref<100000x128xf32, #tpu.memory_space<hbm>> -> memref<100000x128xf32, #tpu.memory_space<hbm>>
      tpu.wait_indirect_dma semaphore(%arg19 : memref<!tpu.dma_semaphore, #tpu.memory_space<semaphore_mem>>) src(%dma_wait3A_825 : memref<100000x128xf32, #tpu.memory_space<hbm>>) dst(%dma_wait3A_821 : memref<56x128xf32, #tpu.memory_space<vmem>>)
      %broadcast_in_dim3A_826 = arith.constant 0.000000e+00 : f32
      %broadcast_in_dim3A_827 = vector.broadcast %broadcast_in_dim3A_826 : f32 to vector<16xf32>
      %broadcast_in_dim3A_828 = arith.constant 0.000000e+00 : f32
      %broadcast_in_dim3A_829 = vector.broadcast %broadcast_in_dim3A_828 : f32 to vector<16xf32>
      %broadcast_in_dim3A_830 = arith.constant 0.000000e+00 : f32
      %broadcast_in_dim3A_831 = vector.broadcast %broadcast_in_dim3A_830 : f32 to vector<16xf32>
      %broadcast_in_dim3A_832 = arith.constant 0.000000e+00 : f32
      %broadcast_in_dim3A_833 = vector.broadcast %broadcast_in_dim3A_832 : f32 to vector<16xf32>
      %broadcast_in_dim3A_834 = arith.constant 0.000000e+00 : f32
      %broadcast_in_dim3A_835 = vector.broadcast %broadcast_in_dim3A_834 : f32 to vector<16xf32>
      %broadcast_in_dim3A_836 = arith.constant 0.000000e+00 : f32
      %broadcast_in_dim3A_837 = vector.broadcast %broadcast_in_dim3A_836 : f32 to vector<16xf32>
      %broadcast_in_dim3A_838 = arith.constant 0.000000e+00 : f32
      %broadcast_in_dim3A_839 = vector.broadcast %broadcast_in_dim3A_838 : f32 to vector<16xf32>
      %broadcast_in_dim3A_840 = arith.constant 0.000000e+00 : f32
      %broadcast_in_dim3A_841 = vector.broadcast %broadcast_in_dim3A_840 : f32 to vector<16xf32>
      %scan3A_842 = arith.constant 0 : i32
      %scan3A_843 = arith.constant 25 : i32
      %scan3A_844 = arith.addi %scan3A_842, %scan3A_843 : i32
      %scan3A_845 = arith.constant 1 : i32
      %scan3A_846:8 = scf.for %scan3A_899 = %scan3A_842 to %scan3A_844 step %scan3A_845 iter_args(%scan3A_900 = %broadcast_in_dim3A_827, %scan3A_901 = %broadcast_in_dim3A_829, %scan3A_902 = %broadcast_in_dim3A_831, %scan3A_903 = %broadcast_in_dim3A_833, %scan3A_904 = %broadcast_in_dim3A_835, %scan3A_905 = %broadcast_in_dim3A_837, %scan3A_906 = %broadcast_in_dim3A_839, %scan3A_907 = %broadcast_in_dim3A_841) -> (vector<16xf32>, vector<16xf32>, vector<16xf32>, vector<16xf32>, vector<16xf32>, vector<16xf32>, vector<16xf32>, vector<16xf32>)  : i32 {
        %mul3A_908 = arith.constant 2 : i32
        %mul3A_909 = arith.muli %scan3A_899, %mul3A_908 : i32
        %add3A_910 = arith.constant 0 : i32
        %add3A_911 = arith.addi %add3A_910, %mul3A_909 : i32
        %get3A = arith.constant 7 : i32
        %get3A_912 = arith.index_cast %get3A : i32 to index
        %get3A_913 = arith.index_cast %add3A_911 : i32 to index
        %get3A_914 = arith.constant 0 : index
        %get3A_915 = tpu.vector_load %arg9[%get3A_912, %get3A_913, %get3A_914] {strides = array<i32>} : memref<8x64x128xf32, #tpu.memory_space<vmem>>, vector<1x1x16xf32>,
        %get3A_916 = vector.shape_cast %get3A_915 : vector<1x1x16xf32> to vector<16xf32>
        %add3A_917 = arith.addf %scan3A_900, %get3A_916 : vector<16xf32>
        %get3A_918 = arith.constant 7 : i32
        %get3A_919 = arith.index_cast %get3A_918 : i32 to index
        %get3A_920 = arith.index_cast %add3A_911 : i32 to index
        %get3A_921 = arith.constant 16 : index
        %get3A_922 = tpu.vector_load %arg9[%get3A_919, %get3A_920, %get3A_921] {strides = array<i32>} : memref<8x64x128xf32, #tpu.memory_space<vmem>>, vector<1x1x16xf32>,
        %get3A_923 = vector.shape_cast %get3A_922 : vector<1x1x16xf32> to vector<16xf32>
        %add3A_924 = arith.addf %scan3A_901, %get3A_923 : vector<16xf32>
        %get3A_925 = arith.constant 7 : i32
        %get3A_926 = arith.index_cast %get3A_925 : i32 to index
        %get3A_927 = arith.index_cast %add3A_911 : i32 to index
        %get3A_928 = arith.constant 32 : index
        %get3A_929 = tpu.vector_load %arg9[%get3A_926, %get3A_927, %get3A_928] {strides = array<i32>} : memref<8x64x128xf32, #tpu.memory_space<vmem>>, vector<1x1x16xf32>,
        %get3A_930 = vector.shape_cast %get3A_929 : vector<1x1x16xf32> to vector<16xf32>
        %add3A_931 = arith.addf %scan3A_902, %get3A_930 : vector<16xf32>
        %get3A_932 = arith.constant 7 : i32
        %get3A_933 = arith.index_cast %get3A_932 : i32 to index
        %get3A_934 = arith.index_cast %add3A_911 : i32 to index
        %get3A_935 = arith.constant 48 : index
        %get3A_936 = tpu.vector_load %arg9[%get3A_933, %get3A_934, %get3A_935] {strides = array<i32>} : memref<8x64x128xf32, #tpu.memory_space<vmem>>, vector<1x1x16xf32>,
        %get3A_937 = vector.shape_cast %get3A_936 : vector<1x1x16xf32> to vector<16xf32>
        %add3A_938 = arith.addf %scan3A_903, %get3A_937 : vector<16xf32>
        %get3A_939 = arith.constant 7 : i32
        %get3A_940 = arith.index_cast %get3A_939 : i32 to index
        %get3A_941 = arith.index_cast %add3A_911 : i32 to index
        %get3A_942 = arith.constant 64 : index
        %get3A_943 = tpu.vector_load %arg9[%get3A_940, %get3A_941, %get3A_942] {strides = array<i32>} : memref<8x64x128xf32, #tpu.memory_space<vmem>>, vector<1x1x16xf32>,
        %get3A_944 = vector.shape_cast %get3A_943 : vector<1x1x16xf32> to vector<16xf32>
        %add3A_945 = arith.addf %scan3A_904, %get3A_944 : vector<16xf32>
        %get3A_946 = arith.constant 7 : i32
        %get3A_947 = arith.index_cast %get3A_946 : i32 to index
        %get3A_948 = arith.index_cast %add3A_911 : i32 to index
        %get3A_949 = arith.constant 80 : index
        %get3A_950 = tpu.vector_load %arg9[%get3A_947, %get3A_948, %get3A_949] {strides = array<i32>} : memref<8x64x128xf32, #tpu.memory_space<vmem>>, vector<1x1x16xf32>,
        %get3A_951 = vector.shape_cast %get3A_950 : vector<1x1x16xf32> to vector<16xf32>
        %add3A_952 = arith.addf %scan3A_905, %get3A_951 : vector<16xf32>
        %get3A_953 = arith.constant 7 : i32
        %get3A_954 = arith.index_cast %get3A_953 : i32 to index
        %get3A_955 = arith.index_cast %add3A_911 : i32 to index
        %get3A_956 = arith.constant 96 : index
        %get3A_957 = tpu.vector_load %arg9[%get3A_954, %get3A_955, %get3A_956] {strides = array<i32>} : memref<8x64x128xf32, #tpu.memory_space<vmem>>, vector<1x1x16xf32>,
        %get3A_958 = vector.shape_cast %get3A_957 : vector<1x1x16xf32> to vector<16xf32>
        %add3A_959 = arith.addf %scan3A_906, %get3A_958 : vector<16xf32>
        %get3A_960 = arith.constant 7 : i32
        %get3A_961 = arith.index_cast %get3A_960 : i32 to index
        %get3A_962 = arith.index_cast %add3A_911 : i32 to index
        %get3A_963 = arith.constant 112 : index
        %get3A_964 = tpu.vector_load %arg9[%get3A_961, %get3A_962, %get3A_963] {strides = array<i32>} : memref<8x64x128xf32, #tpu.memory_space<vmem>>, vector<1x1x16xf32>,
        %get3A_965 = vector.shape_cast %get3A_964 : vector<1x1x16xf32> to vector<16xf32>
        %add3A_966 = arith.addf %scan3A_907, %get3A_965 : vector<16xf32>
        %add3A_967 = arith.constant 1 : i32
        %add3A_968 = arith.addi %add3A_911, %add3A_967 : i32
        %get3A_969 = arith.constant 7 : i32
        %get3A_970 = arith.index_cast %get3A_969 : i32 to index
        %get3A_971 = arith.index_cast %add3A_968 : i32 to index
        %get3A_972 = arith.constant 0 : index
        %get3A_973 = tpu.vector_load %arg9[%get3A_970, %get3A_971, %get3A_972] {strides = array<i32>} : memref<8x64x128xf32, #tpu.memory_space<vmem>>, vector<1x1x16xf32>,
        %get3A_974 = vector.shape_cast %get3A_973 : vector<1x1x16xf32> to vector<16xf32>
        %add3A_975 = arith.addf %add3A_917, %get3A_974 : vector<16xf32>
        %add3A_976 = arith.constant 1 : i32
        %add3A_977 = arith.addi %add3A_911, %add3A_976 : i32
        %get3A_978 = arith.constant 7 : i32
        %get3A_979 = arith.index_cast %get3A_978 : i32 to index
        %get3A_980 = arith.index_cast %add3A_977 : i32 to index
        %get3A_981 = arith.constant 16 : index
        %get3A_982 = tpu.vector_load %arg9[%get3A_979, %get3A_980, %get3A_981] {strides = array<i32>} : memref<8x64x128xf32, #tpu.memory_space<vmem>>, vector<1x1x16xf32>,
        %get3A_983 = vector.shape_cast %get3A_982 : vector<1x1x16xf32> to vector<16xf32>
        %add3A_984 = arith.addf %add3A_924, %get3A_983 : vector<16xf32>
        %add3A_985 = arith.constant 1 : i32
        %add3A_986 = arith.addi %add3A_911, %add3A_985 : i32
        %get3A_987 = arith.constant 7 : i32
        %get3A_988 = arith.index_cast %get3A_987 : i32 to index
        %get3A_989 = arith.index_cast %add3A_986 : i32 to index
        %get3A_990 = arith.constant 32 : index
        %get3A_991 = tpu.vector_load %arg9[%get3A_988, %get3A_989, %get3A_990] {strides = array<i32>} : memref<8x64x128xf32, #tpu.memory_space<vmem>>, vector<1x1x16xf32>,
        %get3A_992 = vector.shape_cast %get3A_991 : vector<1x1x16xf32> to vector<16xf32>
        %add3A_993 = arith.addf %add3A_931, %get3A_992 : vector<16xf32>
        %add3A_994 = arith.constant 1 : i32
        %add3A_995 = arith.addi %add3A_911, %add3A_994 : i32
        %get3A_996 = arith.constant 7 : i32
        %get3A_997 = arith.index_cast %get3A_996 : i32 to index
        %get3A_998 = arith.index_cast %add3A_995 : i32 to index
        %get3A_999 = arith.constant 48 : index
        %get3A_1000 = tpu.vector_load %arg9[%get3A_997, %get3A_998, %get3A_999] {strides = array<i32>} : memref<8x64x128xf32, #tpu.memory_space<vmem>>, vector<1x1x16xf32>,
        %get3A_1001 = vector.shape_cast %get3A_1000 : vector<1x1x16xf32> to vector<16xf32>
        %add3A_1002 = arith.addf %add3A_938, %get3A_1001 : vector<16xf32>
        %add3A_1003 = arith.constant 1 : i32
        %add3A_1004 = arith.addi %add3A_911, %add3A_1003 : i32
        %get3A_1005 = arith.constant 7 : i32
        %get3A_1006 = arith.index_cast %get3A_1005 : i32 to index
        %get3A_1007 = arith.index_cast %add3A_1004 : i32 to index
        %get3A_1008 = arith.constant 64 : index
        %get3A_1009 = tpu.vector_load %arg9[%get3A_1006, %get3A_1007, %get3A_1008] {strides = array<i32>} : memref<8x64x128xf32, #tpu.memory_space<vmem>>, vector<1x1x16xf32>,
        %get3A_1010 = vector.shape_cast %get3A_1009 : vector<1x1x16xf32> to vector<16xf32>
        %add3A_1011 = arith.addf %add3A_945, %get3A_1010 : vector<16xf32>
        %add3A_1012 = arith.constant 1 : i32
        %add3A_1013 = arith.addi %add3A_911, %add3A_1012 : i32
        %get3A_1014 = arith.constant 7 : i32
        %get3A_1015 = arith.index_cast %get3A_1014 : i32 to index
        %get3A_1016 = arith.index_cast %add3A_1013 : i32 to index
        %get3A_1017 = arith.constant 80 : index
        %get3A_1018 = tpu.vector_load %arg9[%get3A_1015, %get3A_1016, %get3A_1017] {strides = array<i32>} : memref<8x64x128xf32, #tpu.memory_space<vmem>>, vector<1x1x16xf32>,
        %get3A_1019 = vector.shape_cast %get3A_1018 : vector<1x1x16xf32> to vector<16xf32>
        %add3A_1020 = arith.addf %add3A_952, %get3A_1019 : vector<16xf32>
        %add3A_1021 = arith.constant 1 : i32
        %add3A_1022 = arith.addi %add3A_911, %add3A_1021 : i32
        %get3A_1023 = arith.constant 7 : i32
        %get3A_1024 = arith.index_cast %get3A_1023 : i32 to index
        %get3A_1025 = arith.index_cast %add3A_1022 : i32 to index
        %get3A_1026 = arith.constant 96 : index
        %get3A_1027 = tpu.vector_load %arg9[%get3A_1024, %get3A_1025, %get3A_1026] {strides = array<i32>} : memref<8x64x128xf32, #tpu.memory_space<vmem>>, vector<1x1x16xf32>,
        %get3A_1028 = vector.shape_cast %get3A_1027 : vector<1x1x16xf32> to vector<16xf32>
        %add3A_1029 = arith.addf %add3A_959, %get3A_1028 : vector<16xf32>
        %add3A_1030 = arith.constant 1 : i32
        %add3A_1031 = arith.addi %add3A_911, %add3A_1030 : i32
        %get3A_1032 = arith.constant 7 : i32
        %get3A_1033 = arith.index_cast %get3A_1032 : i32 to index
        %get3A_1034 = arith.index_cast %add3A_1031 : i32 to index
        %get3A_1035 = arith.constant 112 : index
        %get3A_1036 = tpu.vector_load %arg9[%get3A_1033, %get3A_1034, %get3A_1035] {strides = array<i32>} : memref<8x64x128xf32, #tpu.memory_space<vmem>>, vector<1x1x16xf32>,
        %get3A_1037 = vector.shape_cast %get3A_1036 : vector<1x1x16xf32> to vector<16xf32>
        %add3A_1038 = arith.addf %add3A_966, %get3A_1037 : vector<16xf32>
        scf.yield %add3A_975, %add3A_984, %add3A_993, %add3A_1002, %add3A_1011, %add3A_1020, %add3A_1029, %add3A_1038 : vector<16xf32>, vector<16xf32>, vector<16xf32>, vector<16xf32>, vector<16xf32>, vector<16xf32>, vector<16xf32>, vector<16xf32>
      }
      %scan3A_847 = arith.constant 25 : i32
      %mul3A_848 = arith.constant 1 : i32
      %mul3A_849 = arith.muli %add3A_813, %mul3A_848 : i32
      %add3A_850 = arith.constant 0 : i32
      %add3A_851 = arith.addi %mul3A_849, %add3A_850 : i32
      %swap3A_852 = arith.index_cast %add3A_851 : i32 to index
      %swap3A_853 = arith.constant 0 : index
      %swap3A_854 = tpu.vector_load %arg10[%swap3A_852, %swap3A_853] {strides = array<i32>} : memref<128x128xf32, #tpu.memory_space<vmem>>, vector<1x16xf32>,
      %swap3A_855 = vector.shape_cast %swap3A_854 : vector<1x16xf32> to vector<16xf32>
      %swap3A_856 = vector.shape_cast %scan3A_846#0 : vector<16xf32> to vector<1x16xf32>
      tpu.vector_store %arg10[%swap3A_852, %swap3A_853], %swap3A_856 {strides = array<i32>} : memref<128x128xf32, #tpu.memory_space<vmem>>, vector<1x16xf32>,
      %swap3A_857 = arith.index_cast %add3A_851 : i32 to index
      %swap3A_858 = arith.constant 16 : index
      %swap3A_859 = tpu.vector_load %arg10[%swap3A_857, %swap3A_858] {strides = array<i32>} : memref<128x128xf32, #tpu.memory_space<vmem>>, vector<1x16xf32>,
      %swap3A_860 = vector.shape_cast %swap3A_859 : vector<1x16xf32> to vector<16xf32>
      %swap3A_861 = vector.shape_cast %scan3A_846#1 : vector<16xf32> to vector<1x16xf32>
      tpu.vector_store %arg10[%swap3A_857, %swap3A_858], %swap3A_861 {strides = array<i32>} : memref<128x128xf32, #tpu.memory_space<vmem>>, vector<1x16xf32>,
      %swap3A_862 = arith.index_cast %add3A_851 : i32 to index
      %swap3A_863 = arith.constant 32 : index
      %swap3A_864 = tpu.vector_load %arg10[%swap3A_862, %swap3A_863] {strides = array<i32>} : memref<128x128xf32, #tpu.memory_space<vmem>>, vector<1x16xf32>,
      %swap3A_865 = vector.shape_cast %swap3A_864 : vector<1x16xf32> to vector<16xf32>
      %swap3A_866 = vector.shape_cast %scan3A_846#2 : vector<16xf32> to vector<1x16xf32>
      tpu.vector_store %arg10[%swap3A_862, %swap3A_863], %swap3A_866 {strides = array<i32>} : memref<128x128xf32, #tpu.memory_space<vmem>>, vector<1x16xf32>,
      %swap3A_867 = arith.index_cast %add3A_851 : i32 to index
      %swap3A_868 = arith.constant 48 : index
      %swap3A_869 = tpu.vector_load %arg10[%swap3A_867, %swap3A_868] {strides = array<i32>} : memref<128x128xf32, #tpu.memory_space<vmem>>, vector<1x16xf32>,
      %swap3A_870 = vector.shape_cast %swap3A_869 : vector<1x16xf32> to vector<16xf32>
      %swap3A_871 = vector.shape_cast %scan3A_846#3 : vector<16xf32> to vector<1x16xf32>
      tpu.vector_store %arg10[%swap3A_867, %swap3A_868], %swap3A_871 {strides = array<i32>} : memref<128x128xf32, #tpu.memory_space<vmem>>, vector<1x16xf32>,
      %swap3A_872 = arith.index_cast %add3A_851 : i32 to index
      %swap3A_873 = arith.constant 64 : index
      %swap3A_874 = tpu.vector_load %arg10[%swap3A_872, %swap3A_873] {strides = array<i32>} : memref<128x128xf32, #tpu.memory_space<vmem>>, vector<1x16xf32>,
      %swap3A_875 = vector.shape_cast %swap3A_874 : vector<1x16xf32> to vector<16xf32>
      %swap3A_876 = vector.shape_cast %scan3A_846#4 : vector<16xf32> to vector<1x16xf32>
      tpu.vector_store %arg10[%swap3A_872, %swap3A_873], %swap3A_876 {strides = array<i32>} : memref<128x128xf32, #tpu.memory_space<vmem>>, vector<1x16xf32>,
      %swap3A_877 = arith.index_cast %add3A_851 : i32 to index
      %swap3A_878 = arith.constant 80 : index
      %swap3A_879 = tpu.vector_load %arg10[%swap3A_877, %swap3A_878] {strides = array<i32>} : memref<128x128xf32, #tpu.memory_space<vmem>>, vector<1x16xf32>,
      %swap3A_880 = vector.shape_cast %swap3A_879 : vector<1x16xf32> to vector<16xf32>
      %swap3A_881 = vector.shape_cast %scan3A_846#5 : vector<16xf32> to vector<1x16xf32>
      tpu.vector_store %arg10[%swap3A_877, %swap3A_878], %swap3A_881 {strides = array<i32>} : memref<128x128xf32, #tpu.memory_space<vmem>>, vector<1x16xf32>,
      %swap3A_882 = arith.index_cast %add3A_851 : i32 to index
      %swap3A_883 = arith.constant 96 : index
      %swap3A_884 = tpu.vector_load %arg10[%swap3A_882, %swap3A_883] {strides = array<i32>} : memref<128x128xf32, #tpu.memory_space<vmem>>, vector<1x16xf32>,
      %swap3A_885 = vector.shape_cast %swap3A_884 : vector<1x16xf32> to vector<16xf32>
      %swap3A_886 = vector.shape_cast %scan3A_846#6 : vector<16xf32> to vector<1x16xf32>
      tpu.vector_store %arg10[%swap3A_882, %swap3A_883], %swap3A_886 {strides = array<i32>} : memref<128x128xf32, #tpu.memory_space<vmem>>, vector<1x16xf32>,
      %swap3A_887 = arith.index_cast %add3A_851 : i32 to index
      %swap3A_888 = arith.constant 112 : index
      %swap3A_889 = tpu.vector_load %arg10[%swap3A_887, %swap3A_888] {strides = array<i32>} : memref<128x128xf32, #tpu.memory_space<vmem>>, vector<1x16xf32>,
      %swap3A_890 = vector.shape_cast %swap3A_889 : vector<1x16xf32> to vector<16xf32>
      %swap3A_891 = vector.shape_cast %scan3A_846#7 : vector<16xf32> to vector<1x16xf32>
      tpu.vector_store %arg10[%swap3A_887, %swap3A_888], %swap3A_891 {strides = array<i32>} : memref<128x128xf32, #tpu.memory_space<vmem>>, vector<1x16xf32>,
      %add3A_892 = arith.constant 8 : i32
      %add3A_893 = arith.addi %add3A_813, %add3A_892 : i32
      %lt3A_894 = arith.constant 128 : i32
      %lt3A_895 = arith.cmpi slt, %add3A_893, %lt3A_894 : i32
      %convert_element_type3A_896 = arith.extui %lt3A_895 : i1 to i32
      %cond3A_897 = arith.constant 0 : i32
      %cond3A_898 = arith.cmpi ne, %convert_element_type3A_896, %cond3A_897 : i32
      scf.if %cond3A_898 {
        %add3A_899 = arith.constant 8 : i32
        %add3A_900 = arith.addi %add3A_813, %add3A_899 : i32
        %mul3A_901 = arith.constant 56 : i32
        %mul3A_902 = arith.muli %add3A_900, %mul3A_901 : i32
        %multiple_of3A_903 = tpu.assume_multiple %mul3A_902, 8 : i32
        %dma_start3A_904 = arith.constant 7 : i32
        %dma_start3A_905 = arith.constant 0 : i32
        %dma_start3A_906 = arith.constant 0 : i32
        %dma_start3A_907 = tpu.memref_slice %arg9[%dma_start3A_904, %dma_start3A_905, %dma_start3A_906] : memref<8x64x128xf32, #tpu.memory_space<vmem>> -> memref<1x56x128xf32, #tpu.memory_space<vmem>>
        %dma_start3A_908 = tpu.memref_squeeze %dma_start3A_907 : memref<1x56x128xf32, #tpu.memory_space<vmem>> -> memref<56x128xf32, #tpu.memory_space<vmem>>
        %dma_start3A_909 = tpu.memref_slice %arg8[%multiple_of3A_903] : memref<7168xi32, #tpu.memory_space<vmem>> -> memref<56xi32, #tpu.memory_space<vmem>>
        %dma_start3A_910 = arith.constant 0 : i32
        %dma_start3A_911 = arith.constant 0 : i32
        %dma_start3A_912 = tpu.memref_slice %arg2[%dma_start3A_910, %dma_start3A_911] : memref<100000x128xf32, #tpu.memory_space<hbm>> -> memref<100000x128xf32, #tpu.memory_space<hbm>>
        tpu.enqueue_indirect_dma source(%dma_start3A_912 : memref<100000x128xf32, #tpu.memory_space<hbm>>) target(%dma_start3A_908 : memref<56x128xf32, #tpu.memory_space<vmem>>) offsets(%dma_start3A_909 : memref<56xi32, #tpu.memory_space<vmem>>) semaphore(%arg19 : memref<!tpu.dma_semaphore, #tpu.memory_space<semaphore_mem>>)
      } else {
      }
    }
    %scan3A_97 = arith.constant 16 : i32
    "tpu.region"() ({
      %run_scoped3A = tpu.sem_alloc : memref<!tpu.dma_semaphore, #tpu.memory_space<semaphore_mem>>
      %dma_start3A_192 = arith.constant 0 : i32
      %dma_start3A_193 = tpu.memref_slice %arg6[%mul3A_2, %dma_start3A_192] : memref<4096x128xf32, #tpu.memory_space<hbm>> -> memref<128x128xf32, #tpu.memory_space<hbm>>
      %dma_start3A_194 = arith.constant 0 : i32
      %dma_start3A_195 = tpu.memref_slice %arg6[%mul3A_2, %dma_start3A_194] : memref<4096x128xf32, #tpu.memory_space<hbm>> -> memref<128x128xf32, #tpu.memory_space<hbm>>
      tpu.enqueue_dma source(%arg10 : memref<128x128xf32, #tpu.memory_space<vmem>>) target(%dma_start3A_195 : memref<128x128xf32, #tpu.memory_space<hbm>>) target_semaphore(%run_scoped3A : memref<!tpu.dma_semaphore, #tpu.memory_space<semaphore_mem>>)
      %dma_wait3A = arith.constant 0 : i32
      %dma_wait3A_196 = tpu.memref_slice %arg6[%mul3A_2, %dma_wait3A] : memref<4096x128xf32, #tpu.memory_space<hbm>> -> memref<128x128xf32, #tpu.memory_space<hbm>>
      %dma_wait3A_197 = arith.constant 0 : i32
      %dma_wait3A_198 = tpu.memref_slice %arg6[%mul3A_2, %dma_wait3A_197] : memref<4096x128xf32, #tpu.memory_space<hbm>> -> memref<128x128xf32, #tpu.memory_space<hbm>>
      tpu.wait_dma2 semaphore(%run_scoped3A : memref<!tpu.dma_semaphore, #tpu.memory_space<semaphore_mem>>) src(%arg10 : memref<128x128xf32, #tpu.memory_space<vmem>>) dst(%dma_wait3A_198 : memref<128x128xf32, #tpu.memory_space<hbm>>)
      tpu.yield
    }) : () -> ()
    %multiple_of3A_98 = arith.constant 0 : i32
    %multiple_of3A_99 = tpu.assume_multiple %multiple_of3A_98, 8 : i32
    %dma_start3A_100 = arith.constant 0 : i32
    %dma_start3A_101 = arith.constant 0 : i32
    %dma_start3A_102 = arith.constant 0 : i32
    %dma_start3A_103 = tpu.memref_slice %arg9[%dma_start3A_100, %dma_start3A_101, %dma_start3A_102] : memref<8x64x128xf32, #tpu.memory_space<vmem>> -> memref<1x64x128xf32, #tpu.memory_space<vmem>>
    %dma_start3A_104 = tpu.memref_squeeze %dma_start3A_103 : memref<1x64x128xf32, #tpu.memory_space<vmem>> -> memref<64x128xf32, #tpu.memory_space<vmem>>
    %dma_start3A_105 = tpu.memref_slice %arg11[%multiple_of3A_99] : memref<2048xi32, #tpu.memory_space<vmem>> -> memref<64xi32, #tpu.memory_space<vmem>>
    %dma_start3A_106 = arith.constant 0 : i32
    %dma_start3A_107 = arith.constant 0 : i32
    %dma_start3A_108 = tpu.memref_slice %arg3[%dma_start3A_106, %dma_start3A_107] : memref<100000x128xf32, #tpu.memory_space<hbm>> -> memref<100000x128xf32, #tpu.memory_space<hbm>>
    tpu.enqueue_indirect_dma source(%dma_start3A_108 : memref<100000x128xf32, #tpu.memory_space<hbm>>) target(%dma_start3A_104 : memref<64x128xf32, #tpu.memory_space<vmem>>) offsets(%dma_start3A_105 : memref<64xi32, #tpu.memory_space<vmem>>) semaphore(%arg12 : memref<!tpu.dma_semaphore, #tpu.memory_space<semaphore_mem>>)
    %multiple_of3A_109 = arith.constant 64 : i32
    %multiple_of3A_110 = tpu.assume_multiple %multiple_of3A_109, 8 : i32
    %dma_start3A_111 = arith.constant 1 : i32
    %dma_start3A_112 = arith.constant 0 : i32
    %dma_start3A_113 = arith.constant 0 : i32
    %dma_start3A_114 = tpu.memref_slice %arg9[%dma_start3A_111, %dma_start3A_112, %dma_start3A_113] : memref<8x64x128xf32, #tpu.memory_space<vmem>> -> memref<1x64x128xf32, #tpu.memory_space<vmem>>
    %dma_start3A_115 = tpu.memref_squeeze %dma_start3A_114 : memref<1x64x128xf32, #tpu.memory_space<vmem>> -> memref<64x128xf32, #tpu.memory_space<vmem>>
    %dma_start3A_116 = tpu.memref_slice %arg11[%multiple_of3A_110] : memref<2048xi32, #tpu.memory_space<vmem>> -> memref<64xi32, #tpu.memory_space<vmem>>
    %dma_start3A_117 = arith.constant 0 : i32
    %dma_start3A_118 = arith.constant 0 : i32
    %dma_start3A_119 = tpu.memref_slice %arg3[%dma_start3A_117, %dma_start3A_118] : memref<100000x128xf32, #tpu.memory_space<hbm>> -> memref<100000x128xf32, #tpu.memory_space<hbm>>
    tpu.enqueue_indirect_dma source(%dma_start3A_119 : memref<100000x128xf32, #tpu.memory_space<hbm>>) target(%dma_start3A_115 : memref<64x128xf32, #tpu.memory_space<vmem>>) offsets(%dma_start3A_116 : memref<64xi32, #tpu.memory_space<vmem>>) semaphore(%arg13 : memref<!tpu.dma_semaphore, #tpu.memory_space<semaphore_mem>>)
    %multiple_of3A_120 = arith.constant 128 : i32
    %multiple_of3A_121 = tpu.assume_multiple %multiple_of3A_120, 8 : i32
    %dma_start3A_122 = arith.constant 2 : i32
    %dma_start3A_123 = arith.constant 0 : i32
    %dma_start3A_124 = arith.constant 0 : i32
    %dma_start3A_125 = tpu.memref_slice %arg9[%dma_start3A_122, %dma_start3A_123, %dma_start3A_124] : memref<8x64x128xf32, #tpu.memory_space<vmem>> -> memref<1x64x128xf32, #tpu.memory_space<vmem>>
    %dma_start3A_126 = tpu.memref_squeeze %dma_start3A_125 : memref<1x64x128xf32, #tpu.memory_space<vmem>> -> memref<64x128xf32, #tpu.memory_space<vmem>>
    %dma_start3A_127 = tpu.memref_slice %arg11[%multiple_of3A_121] : memref<2048xi32, #tpu.memory_space<vmem>> -> memref<64xi32, #tpu.memory_space<vmem>>
    %dma_start3A_128 = arith.constant 0 : i32
    %dma_start3A_129 = arith.constant 0 : i32
    %dma_start3A_130 = tpu.memref_slice %arg3[%dma_start3A_128, %dma_start3A_129] : memref<100000x128xf32, #tpu.memory_space<hbm>> -> memref<100000x128xf32, #tpu.memory_space<hbm>>
    tpu.enqueue_indirect_dma source(%dma_start3A_130 : memref<100000x128xf32, #tpu.memory_space<hbm>>) target(%dma_start3A_126 : memref<64x128xf32, #tpu.memory_space<vmem>>) offsets(%dma_start3A_127 : memref<64xi32, #tpu.memory_space<vmem>>) semaphore(%arg14 : memref<!tpu.dma_semaphore, #tpu.memory_space<semaphore_mem>>)
    %multiple_of3A_131 = arith.constant 192 : i32
    %multiple_of3A_132 = tpu.assume_multiple %multiple_of3A_131, 8 : i32
    %dma_start3A_133 = arith.constant 3 : i32
    %dma_start3A_134 = arith.constant 0 : i32
    %dma_start3A_135 = arith.constant 0 : i32
    %dma_start3A_136 = tpu.memref_slice %arg9[%dma_start3A_133, %dma_start3A_134, %dma_start3A_135] : memref<8x64x128xf32, #tpu.memory_space<vmem>> -> memref<1x64x128xf32, #tpu.memory_space<vmem>>
    %dma_start3A_137 = tpu.memref_squeeze %dma_start3A_136 : memref<1x64x128xf32, #tpu.memory_space<vmem>> -> memref<64x128xf32, #tpu.memory_space<vmem>>
    %dma_start3A_138 = tpu.memref_slice %arg11[%multiple_of3A_132] : memref<2048xi32, #tpu.memory_space<vmem>> -> memref<64xi32, #tpu.memory_space<vmem>>
    %dma_start3A_139 = arith.constant 0 : i32
    %dma_start3A_140 = arith.constant 0 : i32
    %dma_start3A_141 = tpu.memref_slice %arg3[%dma_start3A_139, %dma_start3A_140] : memref<100000x128xf32, #tpu.memory_space<hbm>> -> memref<100000x128xf32, #tpu.memory_space<hbm>>
    tpu.enqueue_indirect_dma source(%dma_start3A_141 : memref<100000x128xf32, #tpu.memory_space<hbm>>) target(%dma_start3A_137 : memref<64x128xf32, #tpu.memory_space<vmem>>) offsets(%dma_start3A_138 : memref<64xi32, #tpu.memory_space<vmem>>) semaphore(%arg15 : memref<!tpu.dma_semaphore, #tpu.memory_space<semaphore_mem>>)
    %multiple_of3A_142 = arith.constant 256 : i32
    %multiple_of3A_143 = tpu.assume_multiple %multiple_of3A_142, 8 : i32
    %dma_start3A_144 = arith.constant 4 : i32
    %dma_start3A_145 = arith.constant 0 : i32
    %dma_start3A_146 = arith.constant 0 : i32
    %dma_start3A_147 = tpu.memref_slice %arg9[%dma_start3A_144, %dma_start3A_145, %dma_start3A_146] : memref<8x64x128xf32, #tpu.memory_space<vmem>> -> memref<1x64x128xf32, #tpu.memory_space<vmem>>
    %dma_start3A_148 = tpu.memref_squeeze %dma_start3A_147 : memref<1x64x128xf32, #tpu.memory_space<vmem>> -> memref<64x128xf32, #tpu.memory_space<vmem>>
    %dma_start3A_149 = tpu.memref_slice %arg11[%multiple_of3A_143] : memref<2048xi32, #tpu.memory_space<vmem>> -> memref<64xi32, #tpu.memory_space<vmem>>
    %dma_start3A_150 = arith.constant 0 : i32
    %dma_start3A_151 = arith.constant 0 : i32
    %dma_start3A_152 = tpu.memref_slice %arg3[%dma_start3A_150, %dma_start3A_151] : memref<100000x128xf32, #tpu.memory_space<hbm>> -> memref<100000x128xf32, #tpu.memory_space<hbm>>
    tpu.enqueue_indirect_dma source(%dma_start3A_152 : memref<100000x128xf32, #tpu.memory_space<hbm>>) target(%dma_start3A_148 : memref<64x128xf32, #tpu.memory_space<vmem>>) offsets(%dma_start3A_149 : memref<64xi32, #tpu.memory_space<vmem>>) semaphore(%arg16 : memref<!tpu.dma_semaphore, #tpu.memory_space<semaphore_mem>>)
    %multiple_of3A_153 = arith.constant 320 : i32
    %multiple_of3A_154 = tpu.assume_multiple %multiple_of3A_153, 8 : i32
    %dma_start3A_155 = arith.constant 5 : i32
    %dma_start3A_156 = arith.constant 0 : i32
    %dma_start3A_157 = arith.constant 0 : i32
    %dma_start3A_158 = tpu.memref_slice %arg9[%dma_start3A_155, %dma_start3A_156, %dma_start3A_157] : memref<8x64x128xf32, #tpu.memory_space<vmem>> -> memref<1x64x128xf32, #tpu.memory_space<vmem>>
    %dma_start3A_159 = tpu.memref_squeeze %dma_start3A_158 : memref<1x64x128xf32, #tpu.memory_space<vmem>> -> memref<64x128xf32, #tpu.memory_space<vmem>>
    %dma_start3A_160 = tpu.memref_slice %arg11[%multiple_of3A_154] : memref<2048xi32, #tpu.memory_space<vmem>> -> memref<64xi32, #tpu.memory_space<vmem>>
    %dma_start3A_161 = arith.constant 0 : i32
    %dma_start3A_162 = arith.constant 0 : i32
    %dma_start3A_163 = tpu.memref_slice %arg3[%dma_start3A_161, %dma_start3A_162] : memref<100000x128xf32, #tpu.memory_space<hbm>> -> memref<100000x128xf32, #tpu.memory_space<hbm>>
    tpu.enqueue_indirect_dma source(%dma_start3A_163 : memref<100000x128xf32, #tpu.memory_space<hbm>>) target(%dma_start3A_159 : memref<64x128xf32, #tpu.memory_space<vmem>>) offsets(%dma_start3A_160 : memref<64xi32, #tpu.memory_space<vmem>>) semaphore(%arg17 : memref<!tpu.dma_semaphore, #tpu.memory_space<semaphore_mem>>)
    %multiple_of3A_164 = arith.constant 384 : i32
    %multiple_of3A_165 = tpu.assume_multiple %multiple_of3A_164, 8 : i32
    %dma_start3A_166 = arith.constant 6 : i32
    %dma_start3A_167 = arith.constant 0 : i32
    %dma_start3A_168 = arith.constant 0 : i32
    %dma_start3A_169 = tpu.memref_slice %arg9[%dma_start3A_166, %dma_start3A_167, %dma_start3A_168] : memref<8x64x128xf32, #tpu.memory_space<vmem>> -> memref<1x64x128xf32, #tpu.memory_space<vmem>>
    %dma_start3A_170 = tpu.memref_squeeze %dma_start3A_169 : memref<1x64x128xf32, #tpu.memory_space<vmem>> -> memref<64x128xf32, #tpu.memory_space<vmem>>
    %dma_start3A_171 = tpu.memref_slice %arg11[%multiple_of3A_165] : memref<2048xi32, #tpu.memory_space<vmem>> -> memref<64xi32, #tpu.memory_space<vmem>>
    %dma_start3A_172 = arith.constant 0 : i32
    %dma_start3A_173 = arith.constant 0 : i32
    %dma_start3A_174 = tpu.memref_slice %arg3[%dma_start3A_172, %dma_start3A_173] : memref<100000x128xf32, #tpu.memory_space<hbm>> -> memref<100000x128xf32, #tpu.memory_space<hbm>>
    tpu.enqueue_indirect_dma source(%dma_start3A_174 : memref<100000x128xf32, #tpu.memory_space<hbm>>) target(%dma_start3A_170 : memref<64x128xf32, #tpu.memory_space<vmem>>) offsets(%dma_start3A_171 : memref<64xi32, #tpu.memory_space<vmem>>) semaphore(%arg18 : memref<!tpu.dma_semaphore, #tpu.memory_space<semaphore_mem>>)
    %multiple_of3A_175 = arith.constant 448 : i32
    %multiple_of3A_176 = tpu.assume_multiple %multiple_of3A_175, 8 : i32
    %dma_start3A_177 = arith.constant 7 : i32
    %dma_start3A_178 = arith.constant 0 : i32
    %dma_start3A_179 = arith.constant 0 : i32
    %dma_start3A_180 = tpu.memref_slice %arg9[%dma_start3A_177, %dma_start3A_178, %dma_start3A_179] : memref<8x64x128xf32, #tpu.memory_space<vmem>> -> memref<1x64x128xf32, #tpu.memory_space<vmem>>
    %dma_start3A_181 = tpu.memref_squeeze %dma_start3A_180 : memref<1x64x128xf32, #tpu.memory_space<vmem>> -> memref<64x128xf32, #tpu.memory_space<vmem>>
    %dma_start3A_182 = tpu.memref_slice %arg11[%multiple_of3A_176] : memref<2048xi32, #tpu.memory_space<vmem>> -> memref<64xi32, #tpu.memory_space<vmem>>
    %dma_start3A_183 = arith.constant 0 : i32
    %dma_start3A_184 = arith.constant 0 : i32
    %dma_start3A_185 = tpu.memref_slice %arg3[%dma_start3A_183, %dma_start3A_184] : memref<100000x128xf32, #tpu.memory_space<hbm>> -> memref<100000x128xf32, #tpu.memory_space<hbm>>
    tpu.enqueue_indirect_dma source(%dma_start3A_185 : memref<100000x128xf32, #tpu.memory_space<hbm>>) target(%dma_start3A_181 : memref<64x128xf32, #tpu.memory_space<vmem>>) offsets(%dma_start3A_182 : memref<64xi32, #tpu.memory_space<vmem>>) semaphore(%arg19 : memref<!tpu.dma_semaphore, #tpu.memory_space<semaphore_mem>>)
    %scan3A_186 = arith.constant 0 : i32
    %scan3A_187 = arith.constant 0 : i32
    %scan3A_188 = arith.constant 4 : i32
    %scan3A_189 = arith.addi %scan3A_187, %scan3A_188 : i32
    %scan3A_190 = arith.constant 1 : i32
    scf.for %scan3A_192 = %scan3A_187 to %scan3A_189 step %scan3A_190  : i32 {
      %mul3A_193 = arith.constant 8 : i32
      %mul3A_194 = arith.muli %scan3A_192, %mul3A_193 : i32
      %add3A_195 = arith.constant 0 : i32
      %add3A_196 = arith.addi %mul3A_194, %add3A_195 : i32
      %mul3A_197 = arith.constant 64 : i32
      %mul3A_198 = arith.muli %add3A_196, %mul3A_197 : i32
      %multiple_of3A_199 = tpu.assume_multiple %mul3A_198, 8 : i32
      %dma_wait3A = arith.constant 0 : i32
      %dma_wait3A_200 = arith.constant 0 : i32
      %dma_wait3A_201 = arith.constant 0 : i32
      %dma_wait3A_202 = tpu.memref_slice %arg9[%dma_wait3A, %dma_wait3A_200, %dma_wait3A_201] : memref<8x64x128xf32, #tpu.memory_space<vmem>> -> memref<1x64x128xf32, #tpu.memory_space<vmem>>
      %dma_wait3A_203 = tpu.memref_squeeze %dma_wait3A_202 : memref<1x64x128xf32, #tpu.memory_space<vmem>> -> memref<64x128xf32, #tpu.memory_space<vmem>>
      %dma_wait3A_204 = tpu.memref_slice %arg11[%multiple_of3A_199] : memref<2048xi32, #tpu.memory_space<vmem>> -> memref<64xi32, #tpu.memory_space<vmem>>
      %dma_wait3A_205 = arith.constant 0 : i32
      %dma_wait3A_206 = arith.constant 0 : i32
      %dma_wait3A_207 = tpu.memref_slice %arg3[%dma_wait3A_205, %dma_wait3A_206] : memref<100000x128xf32, #tpu.memory_space<hbm>> -> memref<100000x128xf32, #tpu.memory_space<hbm>>
      tpu.wait_indirect_dma semaphore(%arg12 : memref<!tpu.dma_semaphore, #tpu.memory_space<semaphore_mem>>) src(%dma_wait3A_207 : memref<100000x128xf32, #tpu.memory_space<hbm>>) dst(%dma_wait3A_203 : memref<64x128xf32, #tpu.memory_space<vmem>>)
      %mul3A_208 = arith.constant 16 : i32
      %mul3A_209 = arith.muli %mul3A_2, %mul3A_208 : i32
      %mul3A_210 = arith.constant 64 : i32
      %mul3A_211 = arith.muli %add3A_196, %mul3A_210 : i32
      %add3A_212 = arith.addi %mul3A_209, %mul3A_211 : i32
      %multiple_of3A_213 = tpu.assume_multiple %add3A_212, 8 : i32
      %run_scoped3A = arith.constant 0 : i32
      "tpu.region"() ({
        %run_scoped3A_428 = tpu.sem_alloc : memref<!tpu.dma_semaphore, #tpu.memory_space<semaphore_mem>>
        %dma_start3A_429 = arith.constant 0 : i32
        %dma_start3A_430 = arith.constant 0 : i32
        %dma_start3A_431 = tpu.memref_slice %arg9[%run_scoped3A, %dma_start3A_429, %dma_start3A_430] : memref<8x64x128xf32, #tpu.memory_space<vmem>> -> memref<1x64x128xf32, #tpu.memory_space<vmem>>
        %dma_start3A_432 = tpu.memref_squeeze %dma_start3A_431 : memref<1x64x128xf32, #tpu.memory_space<vmem>> -> memref<64x128xf32, #tpu.memory_space<vmem>>
        %dma_start3A_433 = arith.constant 0 : i32
        %dma_start3A_434 = tpu.memref_slice %arg7[%multiple_of3A_213, %dma_start3A_433] : memref<65536x128xf32, #tpu.memory_space<hbm>> -> memref<64x128xf32, #tpu.memory_space<hbm>>
        %dma_start3A_435 = arith.constant 0 : i32
        %dma_start3A_436 = tpu.memref_slice %arg7[%multiple_of3A_213, %dma_start3A_435] : memref<65536x128xf32, #tpu.memory_space<hbm>> -> memref<64x128xf32, #tpu.memory_space<hbm>>
        %dma_start3A_437 = arith.constant 0 : i32
        %dma_start3A_438 = arith.constant 0 : i32
        %dma_start3A_439 = tpu.memref_slice %arg9[%run_scoped3A, %dma_start3A_437, %dma_start3A_438] : memref<8x64x128xf32, #tpu.memory_space<vmem>> -> memref<1x64x128xf32, #tpu.memory_space<vmem>>
        %dma_start3A_440 = tpu.memref_squeeze %dma_start3A_439 : memref<1x64x128xf32, #tpu.memory_space<vmem>> -> memref<64x128xf32, #tpu.memory_space<vmem>>
        tpu.enqueue_dma source(%dma_start3A_440 : memref<64x128xf32, #tpu.memory_space<vmem>>) target(%dma_start3A_436 : memref<64x128xf32, #tpu.memory_space<hbm>>) target_semaphore(%run_scoped3A_428 : memref<!tpu.dma_semaphore, #tpu.memory_space<semaphore_mem>>)
        %dma_wait3A_441 = arith.constant 0 : i32
        %dma_wait3A_442 = arith.constant 0 : i32
        %dma_wait3A_443 = tpu.memref_slice %arg9[%run_scoped3A, %dma_wait3A_441, %dma_wait3A_442] : memref<8x64x128xf32, #tpu.memory_space<vmem>> -> memref<1x64x128xf32, #tpu.memory_space<vmem>>
        %dma_wait3A_444 = tpu.memref_squeeze %dma_wait3A_443 : memref<1x64x128xf32, #tpu.memory_space<vmem>> -> memref<64x128xf32, #tpu.memory_space<vmem>>
        %dma_wait3A_445 = arith.constant 0 : i32
        %dma_wait3A_446 = tpu.memref_slice %arg7[%multiple_of3A_213, %dma_wait3A_445] : memref<65536x128xf32, #tpu.memory_space<hbm>> -> memref<64x128xf32, #tpu.memory_space<hbm>>
        %dma_wait3A_447 = arith.constant 0 : i32
        %dma_wait3A_448 = tpu.memref_slice %arg7[%multiple_of3A_213, %dma_wait3A_447] : memref<65536x128xf32, #tpu.memory_space<hbm>> -> memref<64x128xf32, #tpu.memory_space<hbm>>
        %dma_wait3A_449 = arith.constant 0 : i32
        %dma_wait3A_450 = arith.constant 0 : i32
        %dma_wait3A_451 = tpu.memref_slice %arg9[%run_scoped3A, %dma_wait3A_449, %dma_wait3A_450] : memref<8x64x128xf32, #tpu.memory_space<vmem>> -> memref<1x64x128xf32, #tpu.memory_space<vmem>>
        %dma_wait3A_452 = tpu.memref_squeeze %dma_wait3A_451 : memref<1x64x128xf32, #tpu.memory_space<vmem>> -> memref<64x128xf32, #tpu.memory_space<vmem>>
        tpu.wait_dma2 semaphore(%run_scoped3A_428 : memref<!tpu.dma_semaphore, #tpu.memory_space<semaphore_mem>>) src(%dma_wait3A_452 : memref<64x128xf32, #tpu.memory_space<vmem>>) dst(%dma_wait3A_448 : memref<64x128xf32, #tpu.memory_space<hbm>>)
        tpu.yield
      }) : () -> ()
      %add3A_214 = arith.constant 8 : i32
      %add3A_215 = arith.addi %add3A_196, %add3A_214 : i32
      %lt3A = arith.constant 32 : i32
      %lt3A_216 = arith.cmpi slt, %add3A_215, %lt3A : i32
      %convert_element_type3A = arith.extui %lt3A_216 : i1 to i32
      %cond3A = arith.constant 0 : i32
      %cond3A_217 = arith.cmpi ne, %convert_element_type3A, %cond3A : i32
      scf.if %cond3A_217 {
        %add3A_428 = arith.constant 8 : i32
        %add3A_429 = arith.addi %add3A_196, %add3A_428 : i32
        %mul3A_430 = arith.constant 64 : i32
        %mul3A_431 = arith.muli %add3A_429, %mul3A_430 : i32
        %multiple_of3A_432 = tpu.assume_multiple %mul3A_431, 8 : i32
        %dma_start3A_433 = arith.constant 0 : i32
        %dma_start3A_434 = arith.constant 0 : i32
        %dma_start3A_435 = arith.constant 0 : i32
        %dma_start3A_436 = tpu.memref_slice %arg9[%dma_start3A_433, %dma_start3A_434, %dma_start3A_435] : memref<8x64x128xf32, #tpu.memory_space<vmem>> -> memref<1x64x128xf32, #tpu.memory_space<vmem>>
        %dma_start3A_437 = tpu.memref_squeeze %dma_start3A_436 : memref<1x64x128xf32, #tpu.memory_space<vmem>> -> memref<64x128xf32, #tpu.memory_space<vmem>>
        %dma_start3A_438 = tpu.memref_slice %arg11[%multiple_of3A_432] : memref<2048xi32, #tpu.memory_space<vmem>> -> memref<64xi32, #tpu.memory_space<vmem>>
        %dma_start3A_439 = arith.constant 0 : i32
        %dma_start3A_440 = arith.constant 0 : i32
        %dma_start3A_441 = tpu.memref_slice %arg3[%dma_start3A_439, %dma_start3A_440] : memref<100000x128xf32, #tpu.memory_space<hbm>> -> memref<100000x128xf32, #tpu.memory_space<hbm>>
        tpu.enqueue_indirect_dma source(%dma_start3A_441 : memref<100000x128xf32, #tpu.memory_space<hbm>>) target(%dma_start3A_437 : memref<64x128xf32, #tpu.memory_space<vmem>>) offsets(%dma_start3A_438 : memref<64xi32, #tpu.memory_space<vmem>>) semaphore(%arg12 : memref<!tpu.dma_semaphore, #tpu.memory_space<semaphore_mem>>)
      } else {
      }
      %mul3A_218 = arith.constant 8 : i32
      %mul3A_219 = arith.muli %scan3A_192, %mul3A_218 : i32
      %add3A_220 = arith.constant 1 : i32
      %add3A_221 = arith.addi %mul3A_219, %add3A_220 : i32
      %mul3A_222 = arith.constant 64 : i32
      %mul3A_223 = arith.muli %add3A_221, %mul3A_222 : i32
      %multiple_of3A_224 = tpu.assume_multiple %mul3A_223, 8 : i32
      %dma_wait3A_225 = arith.constant 1 : i32
      %dma_wait3A_226 = arith.constant 0 : i32
      %dma_wait3A_227 = arith.constant 0 : i32
      %dma_wait3A_228 = tpu.memref_slice %arg9[%dma_wait3A_225, %dma_wait3A_226, %dma_wait3A_227] : memref<8x64x128xf32, #tpu.memory_space<vmem>> -> memref<1x64x128xf32, #tpu.memory_space<vmem>>
      %dma_wait3A_229 = tpu.memref_squeeze %dma_wait3A_228 : memref<1x64x128xf32, #tpu.memory_space<vmem>> -> memref<64x128xf32, #tpu.memory_space<vmem>>
      %dma_wait3A_230 = tpu.memref_slice %arg11[%multiple_of3A_224] : memref<2048xi32, #tpu.memory_space<vmem>> -> memref<64xi32, #tpu.memory_space<vmem>>
      %dma_wait3A_231 = arith.constant 0 : i32
      %dma_wait3A_232 = arith.constant 0 : i32
      %dma_wait3A_233 = tpu.memref_slice %arg3[%dma_wait3A_231, %dma_wait3A_232] : memref<100000x128xf32, #tpu.memory_space<hbm>> -> memref<100000x128xf32, #tpu.memory_space<hbm>>
      tpu.wait_indirect_dma semaphore(%arg13 : memref<!tpu.dma_semaphore, #tpu.memory_space<semaphore_mem>>) src(%dma_wait3A_233 : memref<100000x128xf32, #tpu.memory_space<hbm>>) dst(%dma_wait3A_229 : memref<64x128xf32, #tpu.memory_space<vmem>>)
      %mul3A_234 = arith.constant 16 : i32
      %mul3A_235 = arith.muli %mul3A_2, %mul3A_234 : i32
      %mul3A_236 = arith.constant 64 : i32
      %mul3A_237 = arith.muli %add3A_221, %mul3A_236 : i32
      %add3A_238 = arith.addi %mul3A_235, %mul3A_237 : i32
      %multiple_of3A_239 = tpu.assume_multiple %add3A_238, 8 : i32
      %run_scoped3A_240 = arith.constant 1 : i32
      "tpu.region"() ({
        %run_scoped3A_428 = tpu.sem_alloc : memref<!tpu.dma_semaphore, #tpu.memory_space<semaphore_mem>>
        %dma_start3A_429 = arith.constant 0 : i32
        %dma_start3A_430 = arith.constant 0 : i32
        %dma_start3A_431 = tpu.memref_slice %arg9[%run_scoped3A_240, %dma_start3A_429, %dma_start3A_430] : memref<8x64x128xf32, #tpu.memory_space<vmem>> -> memref<1x64x128xf32, #tpu.memory_space<vmem>>
        %dma_start3A_432 = tpu.memref_squeeze %dma_start3A_431 : memref<1x64x128xf32, #tpu.memory_space<vmem>> -> memref<64x128xf32, #tpu.memory_space<vmem>>
        %dma_start3A_433 = arith.constant 0 : i32
        %dma_start3A_434 = tpu.memref_slice %arg7[%multiple_of3A_239, %dma_start3A_433] : memref<65536x128xf32, #tpu.memory_space<hbm>> -> memref<64x128xf32, #tpu.memory_space<hbm>>
        %dma_start3A_435 = arith.constant 0 : i32
        %dma_start3A_436 = tpu.memref_slice %arg7[%multiple_of3A_239, %dma_start3A_435] : memref<65536x128xf32, #tpu.memory_space<hbm>> -> memref<64x128xf32, #tpu.memory_space<hbm>>
        %dma_start3A_437 = arith.constant 0 : i32
        %dma_start3A_438 = arith.constant 0 : i32
        %dma_start3A_439 = tpu.memref_slice %arg9[%run_scoped3A_240, %dma_start3A_437, %dma_start3A_438] : memref<8x64x128xf32, #tpu.memory_space<vmem>> -> memref<1x64x128xf32, #tpu.memory_space<vmem>>
        %dma_start3A_440 = tpu.memref_squeeze %dma_start3A_439 : memref<1x64x128xf32, #tpu.memory_space<vmem>> -> memref<64x128xf32, #tpu.memory_space<vmem>>
        tpu.enqueue_dma source(%dma_start3A_440 : memref<64x128xf32, #tpu.memory_space<vmem>>) target(%dma_start3A_436 : memref<64x128xf32, #tpu.memory_space<hbm>>) target_semaphore(%run_scoped3A_428 : memref<!tpu.dma_semaphore, #tpu.memory_space<semaphore_mem>>)
        %dma_wait3A_441 = arith.constant 0 : i32
        %dma_wait3A_442 = arith.constant 0 : i32
        %dma_wait3A_443 = tpu.memref_slice %arg9[%run_scoped3A_240, %dma_wait3A_441, %dma_wait3A_442] : memref<8x64x128xf32, #tpu.memory_space<vmem>> -> memref<1x64x128xf32, #tpu.memory_space<vmem>>
        %dma_wait3A_444 = tpu.memref_squeeze %dma_wait3A_443 : memref<1x64x128xf32, #tpu.memory_space<vmem>> -> memref<64x128xf32, #tpu.memory_space<vmem>>
        %dma_wait3A_445 = arith.constant 0 : i32
        %dma_wait3A_446 = tpu.memref_slice %arg7[%multiple_of3A_239, %dma_wait3A_445] : memref<65536x128xf32, #tpu.memory_space<hbm>> -> memref<64x128xf32, #tpu.memory_space<hbm>>
        %dma_wait3A_447 = arith.constant 0 : i32
        %dma_wait3A_448 = tpu.memref_slice %arg7[%multiple_of3A_239, %dma_wait3A_447] : memref<65536x128xf32, #tpu.memory_space<hbm>> -> memref<64x128xf32, #tpu.memory_space<hbm>>
        %dma_wait3A_449 = arith.constant 0 : i32
        %dma_wait3A_450 = arith.constant 0 : i32
        %dma_wait3A_451 = tpu.memref_slice %arg9[%run_scoped3A_240, %dma_wait3A_449, %dma_wait3A_450] : memref<8x64x128xf32, #tpu.memory_space<vmem>> -> memref<1x64x128xf32, #tpu.memory_space<vmem>>
        %dma_wait3A_452 = tpu.memref_squeeze %dma_wait3A_451 : memref<1x64x128xf32, #tpu.memory_space<vmem>> -> memref<64x128xf32, #tpu.memory_space<vmem>>
        tpu.wait_dma2 semaphore(%run_scoped3A_428 : memref<!tpu.dma_semaphore, #tpu.memory_space<semaphore_mem>>) src(%dma_wait3A_452 : memref<64x128xf32, #tpu.memory_space<vmem>>) dst(%dma_wait3A_448 : memref<64x128xf32, #tpu.memory_space<hbm>>)
        tpu.yield
      }) : () -> ()
      %add3A_241 = arith.constant 8 : i32
      %add3A_242 = arith.addi %add3A_221, %add3A_241 : i32
      %lt3A_243 = arith.constant 32 : i32
      %lt3A_244 = arith.cmpi slt, %add3A_242, %lt3A_243 : i32
      %convert_element_type3A_245 = arith.extui %lt3A_244 : i1 to i32
      %cond3A_246 = arith.constant 0 : i32
      %cond3A_247 = arith.cmpi ne, %convert_element_type3A_245, %cond3A_246 : i32
      scf.if %cond3A_247 {
        %add3A_428 = arith.constant 8 : i32
        %add3A_429 = arith.addi %add3A_221, %add3A_428 : i32
        %mul3A_430 = arith.constant 64 : i32
        %mul3A_431 = arith.muli %add3A_429, %mul3A_430 : i32
        %multiple_of3A_432 = tpu.assume_multiple %mul3A_431, 8 : i32
        %dma_start3A_433 = arith.constant 1 : i32
        %dma_start3A_434 = arith.constant 0 : i32
        %dma_start3A_435 = arith.constant 0 : i32
        %dma_start3A_436 = tpu.memref_slice %arg9[%dma_start3A_433, %dma_start3A_434, %dma_start3A_435] : memref<8x64x128xf32, #tpu.memory_space<vmem>> -> memref<1x64x128xf32, #tpu.memory_space<vmem>>
        %dma_start3A_437 = tpu.memref_squeeze %dma_start3A_436 : memref<1x64x128xf32, #tpu.memory_space<vmem>> -> memref<64x128xf32, #tpu.memory_space<vmem>>
        %dma_start3A_438 = tpu.memref_slice %arg11[%multiple_of3A_432] : memref<2048xi32, #tpu.memory_space<vmem>> -> memref<64xi32, #tpu.memory_space<vmem>>
        %dma_start3A_439 = arith.constant 0 : i32
        %dma_start3A_440 = arith.constant 0 : i32
        %dma_start3A_441 = tpu.memref_slice %arg3[%dma_start3A_439, %dma_start3A_440] : memref<100000x128xf32, #tpu.memory_space<hbm>> -> memref<100000x128xf32, #tpu.memory_space<hbm>>
        tpu.enqueue_indirect_dma source(%dma_start3A_441 : memref<100000x128xf32, #tpu.memory_space<hbm>>) target(%dma_start3A_437 : memref<64x128xf32, #tpu.memory_space<vmem>>) offsets(%dma_start3A_438 : memref<64xi32, #tpu.memory_space<vmem>>) semaphore(%arg13 : memref<!tpu.dma_semaphore, #tpu.memory_space<semaphore_mem>>)
      } else {
      }
      %mul3A_248 = arith.constant 8 : i32
      %mul3A_249 = arith.muli %scan3A_192, %mul3A_248 : i32
      %add3A_250 = arith.constant 2 : i32
      %add3A_251 = arith.addi %mul3A_249, %add3A_250 : i32
      %mul3A_252 = arith.constant 64 : i32
      %mul3A_253 = arith.muli %add3A_251, %mul3A_252 : i32
      %multiple_of3A_254 = tpu.assume_multiple %mul3A_253, 8 : i32
      %dma_wait3A_255 = arith.constant 2 : i32
      %dma_wait3A_256 = arith.constant 0 : i32
      %dma_wait3A_257 = arith.constant 0 : i32
      %dma_wait3A_258 = tpu.memref_slice %arg9[%dma_wait3A_255, %dma_wait3A_256, %dma_wait3A_257] : memref<8x64x128xf32, #tpu.memory_space<vmem>> -> memref<1x64x128xf32, #tpu.memory_space<vmem>>
      %dma_wait3A_259 = tpu.memref_squeeze %dma_wait3A_258 : memref<1x64x128xf32, #tpu.memory_space<vmem>> -> memref<64x128xf32, #tpu.memory_space<vmem>>
      %dma_wait3A_260 = tpu.memref_slice %arg11[%multiple_of3A_254] : memref<2048xi32, #tpu.memory_space<vmem>> -> memref<64xi32, #tpu.memory_space<vmem>>
      %dma_wait3A_261 = arith.constant 0 : i32
      %dma_wait3A_262 = arith.constant 0 : i32
      %dma_wait3A_263 = tpu.memref_slice %arg3[%dma_wait3A_261, %dma_wait3A_262] : memref<100000x128xf32, #tpu.memory_space<hbm>> -> memref<100000x128xf32, #tpu.memory_space<hbm>>
      tpu.wait_indirect_dma semaphore(%arg14 : memref<!tpu.dma_semaphore, #tpu.memory_space<semaphore_mem>>) src(%dma_wait3A_263 : memref<100000x128xf32, #tpu.memory_space<hbm>>) dst(%dma_wait3A_259 : memref<64x128xf32, #tpu.memory_space<vmem>>)
      %mul3A_264 = arith.constant 16 : i32
      %mul3A_265 = arith.muli %mul3A_2, %mul3A_264 : i32
      %mul3A_266 = arith.constant 64 : i32
      %mul3A_267 = arith.muli %add3A_251, %mul3A_266 : i32
      %add3A_268 = arith.addi %mul3A_265, %mul3A_267 : i32
      %multiple_of3A_269 = tpu.assume_multiple %add3A_268, 8 : i32
      %run_scoped3A_270 = arith.constant 2 : i32
      "tpu.region"() ({
        %run_scoped3A_428 = tpu.sem_alloc : memref<!tpu.dma_semaphore, #tpu.memory_space<semaphore_mem>>
        %dma_start3A_429 = arith.constant 0 : i32
        %dma_start3A_430 = arith.constant 0 : i32
        %dma_start3A_431 = tpu.memref_slice %arg9[%run_scoped3A_270, %dma_start3A_429, %dma_start3A_430] : memref<8x64x128xf32, #tpu.memory_space<vmem>> -> memref<1x64x128xf32, #tpu.memory_space<vmem>>
        %dma_start3A_432 = tpu.memref_squeeze %dma_start3A_431 : memref<1x64x128xf32, #tpu.memory_space<vmem>> -> memref<64x128xf32, #tpu.memory_space<vmem>>
        %dma_start3A_433 = arith.constant 0 : i32
        %dma_start3A_434 = tpu.memref_slice %arg7[%multiple_of3A_269, %dma_start3A_433] : memref<65536x128xf32, #tpu.memory_space<hbm>> -> memref<64x128xf32, #tpu.memory_space<hbm>>
        %dma_start3A_435 = arith.constant 0 : i32
        %dma_start3A_436 = tpu.memref_slice %arg7[%multiple_of3A_269, %dma_start3A_435] : memref<65536x128xf32, #tpu.memory_space<hbm>> -> memref<64x128xf32, #tpu.memory_space<hbm>>
        %dma_start3A_437 = arith.constant 0 : i32
        %dma_start3A_438 = arith.constant 0 : i32
        %dma_start3A_439 = tpu.memref_slice %arg9[%run_scoped3A_270, %dma_start3A_437, %dma_start3A_438] : memref<8x64x128xf32, #tpu.memory_space<vmem>> -> memref<1x64x128xf32, #tpu.memory_space<vmem>>
        %dma_start3A_440 = tpu.memref_squeeze %dma_start3A_439 : memref<1x64x128xf32, #tpu.memory_space<vmem>> -> memref<64x128xf32, #tpu.memory_space<vmem>>
        tpu.enqueue_dma source(%dma_start3A_440 : memref<64x128xf32, #tpu.memory_space<vmem>>) target(%dma_start3A_436 : memref<64x128xf32, #tpu.memory_space<hbm>>) target_semaphore(%run_scoped3A_428 : memref<!tpu.dma_semaphore, #tpu.memory_space<semaphore_mem>>)
        %dma_wait3A_441 = arith.constant 0 : i32
        %dma_wait3A_442 = arith.constant 0 : i32
        %dma_wait3A_443 = tpu.memref_slice %arg9[%run_scoped3A_270, %dma_wait3A_441, %dma_wait3A_442] : memref<8x64x128xf32, #tpu.memory_space<vmem>> -> memref<1x64x128xf32, #tpu.memory_space<vmem>>
        %dma_wait3A_444 = tpu.memref_squeeze %dma_wait3A_443 : memref<1x64x128xf32, #tpu.memory_space<vmem>> -> memref<64x128xf32, #tpu.memory_space<vmem>>
        %dma_wait3A_445 = arith.constant 0 : i32
        %dma_wait3A_446 = tpu.memref_slice %arg7[%multiple_of3A_269, %dma_wait3A_445] : memref<65536x128xf32, #tpu.memory_space<hbm>> -> memref<64x128xf32, #tpu.memory_space<hbm>>
        %dma_wait3A_447 = arith.constant 0 : i32
        %dma_wait3A_448 = tpu.memref_slice %arg7[%multiple_of3A_269, %dma_wait3A_447] : memref<65536x128xf32, #tpu.memory_space<hbm>> -> memref<64x128xf32, #tpu.memory_space<hbm>>
        %dma_wait3A_449 = arith.constant 0 : i32
        %dma_wait3A_450 = arith.constant 0 : i32
        %dma_wait3A_451 = tpu.memref_slice %arg9[%run_scoped3A_270, %dma_wait3A_449, %dma_wait3A_450] : memref<8x64x128xf32, #tpu.memory_space<vmem>> -> memref<1x64x128xf32, #tpu.memory_space<vmem>>
        %dma_wait3A_452 = tpu.memref_squeeze %dma_wait3A_451 : memref<1x64x128xf32, #tpu.memory_space<vmem>> -> memref<64x128xf32, #tpu.memory_space<vmem>>
        tpu.wait_dma2 semaphore(%run_scoped3A_428 : memref<!tpu.dma_semaphore, #tpu.memory_space<semaphore_mem>>) src(%dma_wait3A_452 : memref<64x128xf32, #tpu.memory_space<vmem>>) dst(%dma_wait3A_448 : memref<64x128xf32, #tpu.memory_space<hbm>>)
        tpu.yield
      }) : () -> ()
      %add3A_271 = arith.constant 8 : i32
      %add3A_272 = arith.addi %add3A_251, %add3A_271 : i32
      %lt3A_273 = arith.constant 32 : i32
      %lt3A_274 = arith.cmpi slt, %add3A_272, %lt3A_273 : i32
      %convert_element_type3A_275 = arith.extui %lt3A_274 : i1 to i32
      %cond3A_276 = arith.constant 0 : i32
      %cond3A_277 = arith.cmpi ne, %convert_element_type3A_275, %cond3A_276 : i32
      scf.if %cond3A_277 {
        %add3A_428 = arith.constant 8 : i32
        %add3A_429 = arith.addi %add3A_251, %add3A_428 : i32
        %mul3A_430 = arith.constant 64 : i32
        %mul3A_431 = arith.muli %add3A_429, %mul3A_430 : i32
        %multiple_of3A_432 = tpu.assume_multiple %mul3A_431, 8 : i32
        %dma_start3A_433 = arith.constant 2 : i32
        %dma_start3A_434 = arith.constant 0 : i32
        %dma_start3A_435 = arith.constant 0 : i32
        %dma_start3A_436 = tpu.memref_slice %arg9[%dma_start3A_433, %dma_start3A_434, %dma_start3A_435] : memref<8x64x128xf32, #tpu.memory_space<vmem>> -> memref<1x64x128xf32, #tpu.memory_space<vmem>>
        %dma_start3A_437 = tpu.memref_squeeze %dma_start3A_436 : memref<1x64x128xf32, #tpu.memory_space<vmem>> -> memref<64x128xf32, #tpu.memory_space<vmem>>
        %dma_start3A_438 = tpu.memref_slice %arg11[%multiple_of3A_432] : memref<2048xi32, #tpu.memory_space<vmem>> -> memref<64xi32, #tpu.memory_space<vmem>>
        %dma_start3A_439 = arith.constant 0 : i32
        %dma_start3A_440 = arith.constant 0 : i32
        %dma_start3A_441 = tpu.memref_slice %arg3[%dma_start3A_439, %dma_start3A_440] : memref<100000x128xf32, #tpu.memory_space<hbm>> -> memref<100000x128xf32, #tpu.memory_space<hbm>>
        tpu.enqueue_indirect_dma source(%dma_start3A_441 : memref<100000x128xf32, #tpu.memory_space<hbm>>) target(%dma_start3A_437 : memref<64x128xf32, #tpu.memory_space<vmem>>) offsets(%dma_start3A_438 : memref<64xi32, #tpu.memory_space<vmem>>) semaphore(%arg14 : memref<!tpu.dma_semaphore, #tpu.memory_space<semaphore_mem>>)
      } else {
      }
      %mul3A_278 = arith.constant 8 : i32
      %mul3A_279 = arith.muli %scan3A_192, %mul3A_278 : i32
      %add3A_280 = arith.constant 3 : i32
      %add3A_281 = arith.addi %mul3A_279, %add3A_280 : i32
      %mul3A_282 = arith.constant 64 : i32
      %mul3A_283 = arith.muli %add3A_281, %mul3A_282 : i32
      %multiple_of3A_284 = tpu.assume_multiple %mul3A_283, 8 : i32
      %dma_wait3A_285 = arith.constant 3 : i32
      %dma_wait3A_286 = arith.constant 0 : i32
      %dma_wait3A_287 = arith.constant 0 : i32
      %dma_wait3A_288 = tpu.memref_slice %arg9[%dma_wait3A_285, %dma_wait3A_286, %dma_wait3A_287] : memref<8x64x128xf32, #tpu.memory_space<vmem>> -> memref<1x64x128xf32, #tpu.memory_space<vmem>>
      %dma_wait3A_289 = tpu.memref_squeeze %dma_wait3A_288 : memref<1x64x128xf32, #tpu.memory_space<vmem>> -> memref<64x128xf32, #tpu.memory_space<vmem>>
      %dma_wait3A_290 = tpu.memref_slice %arg11[%multiple_of3A_284] : memref<2048xi32, #tpu.memory_space<vmem>> -> memref<64xi32, #tpu.memory_space<vmem>>
      %dma_wait3A_291 = arith.constant 0 : i32
      %dma_wait3A_292 = arith.constant 0 : i32
      %dma_wait3A_293 = tpu.memref_slice %arg3[%dma_wait3A_291, %dma_wait3A_292] : memref<100000x128xf32, #tpu.memory_space<hbm>> -> memref<100000x128xf32, #tpu.memory_space<hbm>>
      tpu.wait_indirect_dma semaphore(%arg15 : memref<!tpu.dma_semaphore, #tpu.memory_space<semaphore_mem>>) src(%dma_wait3A_293 : memref<100000x128xf32, #tpu.memory_space<hbm>>) dst(%dma_wait3A_289 : memref<64x128xf32, #tpu.memory_space<vmem>>)
      %mul3A_294 = arith.constant 16 : i32
      %mul3A_295 = arith.muli %mul3A_2, %mul3A_294 : i32
      %mul3A_296 = arith.constant 64 : i32
      %mul3A_297 = arith.muli %add3A_281, %mul3A_296 : i32
      %add3A_298 = arith.addi %mul3A_295, %mul3A_297 : i32
      %multiple_of3A_299 = tpu.assume_multiple %add3A_298, 8 : i32
      %run_scoped3A_300 = arith.constant 3 : i32
      "tpu.region"() ({
        %run_scoped3A_428 = tpu.sem_alloc : memref<!tpu.dma_semaphore, #tpu.memory_space<semaphore_mem>>
        %dma_start3A_429 = arith.constant 0 : i32
        %dma_start3A_430 = arith.constant 0 : i32
        %dma_start3A_431 = tpu.memref_slice %arg9[%run_scoped3A_300, %dma_start3A_429, %dma_start3A_430] : memref<8x64x128xf32, #tpu.memory_space<vmem>> -> memref<1x64x128xf32, #tpu.memory_space<vmem>>
        %dma_start3A_432 = tpu.memref_squeeze %dma_start3A_431 : memref<1x64x128xf32, #tpu.memory_space<vmem>> -> memref<64x128xf32, #tpu.memory_space<vmem>>
        %dma_start3A_433 = arith.constant 0 : i32
        %dma_start3A_434 = tpu.memref_slice %arg7[%multiple_of3A_299, %dma_start3A_433] : memref<65536x128xf32, #tpu.memory_space<hbm>> -> memref<64x128xf32, #tpu.memory_space<hbm>>
        %dma_start3A_435 = arith.constant 0 : i32
        %dma_start3A_436 = tpu.memref_slice %arg7[%multiple_of3A_299, %dma_start3A_435] : memref<65536x128xf32, #tpu.memory_space<hbm>> -> memref<64x128xf32, #tpu.memory_space<hbm>>
        %dma_start3A_437 = arith.constant 0 : i32
        %dma_start3A_438 = arith.constant 0 : i32
        %dma_start3A_439 = tpu.memref_slice %arg9[%run_scoped3A_300, %dma_start3A_437, %dma_start3A_438] : memref<8x64x128xf32, #tpu.memory_space<vmem>> -> memref<1x64x128xf32, #tpu.memory_space<vmem>>
        %dma_start3A_440 = tpu.memref_squeeze %dma_start3A_439 : memref<1x64x128xf32, #tpu.memory_space<vmem>> -> memref<64x128xf32, #tpu.memory_space<vmem>>
        tpu.enqueue_dma source(%dma_start3A_440 : memref<64x128xf32, #tpu.memory_space<vmem>>) target(%dma_start3A_436 : memref<64x128xf32, #tpu.memory_space<hbm>>) target_semaphore(%run_scoped3A_428 : memref<!tpu.dma_semaphore, #tpu.memory_space<semaphore_mem>>)
        %dma_wait3A_441 = arith.constant 0 : i32
        %dma_wait3A_442 = arith.constant 0 : i32
        %dma_wait3A_443 = tpu.memref_slice %arg9[%run_scoped3A_300, %dma_wait3A_441, %dma_wait3A_442] : memref<8x64x128xf32, #tpu.memory_space<vmem>> -> memref<1x64x128xf32, #tpu.memory_space<vmem>>
        %dma_wait3A_444 = tpu.memref_squeeze %dma_wait3A_443 : memref<1x64x128xf32, #tpu.memory_space<vmem>> -> memref<64x128xf32, #tpu.memory_space<vmem>>
        %dma_wait3A_445 = arith.constant 0 : i32
        %dma_wait3A_446 = tpu.memref_slice %arg7[%multiple_of3A_299, %dma_wait3A_445] : memref<65536x128xf32, #tpu.memory_space<hbm>> -> memref<64x128xf32, #tpu.memory_space<hbm>>
        %dma_wait3A_447 = arith.constant 0 : i32
        %dma_wait3A_448 = tpu.memref_slice %arg7[%multiple_of3A_299, %dma_wait3A_447] : memref<65536x128xf32, #tpu.memory_space<hbm>> -> memref<64x128xf32, #tpu.memory_space<hbm>>
        %dma_wait3A_449 = arith.constant 0 : i32
        %dma_wait3A_450 = arith.constant 0 : i32
        %dma_wait3A_451 = tpu.memref_slice %arg9[%run_scoped3A_300, %dma_wait3A_449, %dma_wait3A_450] : memref<8x64x128xf32, #tpu.memory_space<vmem>> -> memref<1x64x128xf32, #tpu.memory_space<vmem>>
        %dma_wait3A_452 = tpu.memref_squeeze %dma_wait3A_451 : memref<1x64x128xf32, #tpu.memory_space<vmem>> -> memref<64x128xf32, #tpu.memory_space<vmem>>
        tpu.wait_dma2 semaphore(%run_scoped3A_428 : memref<!tpu.dma_semaphore, #tpu.memory_space<semaphore_mem>>) src(%dma_wait3A_452 : memref<64x128xf32, #tpu.memory_space<vmem>>) dst(%dma_wait3A_448 : memref<64x128xf32, #tpu.memory_space<hbm>>)
        tpu.yield
      }) : () -> ()
      %add3A_301 = arith.constant 8 : i32
      %add3A_302 = arith.addi %add3A_281, %add3A_301 : i32
      %lt3A_303 = arith.constant 32 : i32
      %lt3A_304 = arith.cmpi slt, %add3A_302, %lt3A_303 : i32
      %convert_element_type3A_305 = arith.extui %lt3A_304 : i1 to i32
      %cond3A_306 = arith.constant 0 : i32
      %cond3A_307 = arith.cmpi ne, %convert_element_type3A_305, %cond3A_306 : i32
      scf.if %cond3A_307 {
        %add3A_428 = arith.constant 8 : i32
        %add3A_429 = arith.addi %add3A_281, %add3A_428 : i32
        %mul3A_430 = arith.constant 64 : i32
        %mul3A_431 = arith.muli %add3A_429, %mul3A_430 : i32
        %multiple_of3A_432 = tpu.assume_multiple %mul3A_431, 8 : i32
        %dma_start3A_433 = arith.constant 3 : i32
        %dma_start3A_434 = arith.constant 0 : i32
        %dma_start3A_435 = arith.constant 0 : i32
        %dma_start3A_436 = tpu.memref_slice %arg9[%dma_start3A_433, %dma_start3A_434, %dma_start3A_435] : memref<8x64x128xf32, #tpu.memory_space<vmem>> -> memref<1x64x128xf32, #tpu.memory_space<vmem>>
        %dma_start3A_437 = tpu.memref_squeeze %dma_start3A_436 : memref<1x64x128xf32, #tpu.memory_space<vmem>> -> memref<64x128xf32, #tpu.memory_space<vmem>>
        %dma_start3A_438 = tpu.memref_slice %arg11[%multiple_of3A_432] : memref<2048xi32, #tpu.memory_space<vmem>> -> memref<64xi32, #tpu.memory_space<vmem>>
        %dma_start3A_439 = arith.constant 0 : i32
        %dma_start3A_440 = arith.constant 0 : i32
        %dma_start3A_441 = tpu.memref_slice %arg3[%dma_start3A_439, %dma_start3A_440] : memref<100000x128xf32, #tpu.memory_space<hbm>> -> memref<100000x128xf32, #tpu.memory_space<hbm>>
        tpu.enqueue_indirect_dma source(%dma_start3A_441 : memref<100000x128xf32, #tpu.memory_space<hbm>>) target(%dma_start3A_437 : memref<64x128xf32, #tpu.memory_space<vmem>>) offsets(%dma_start3A_438 : memref<64xi32, #tpu.memory_space<vmem>>) semaphore(%arg15 : memref<!tpu.dma_semaphore, #tpu.memory_space<semaphore_mem>>)
      } else {
      }
      %mul3A_308 = arith.constant 8 : i32
      %mul3A_309 = arith.muli %scan3A_192, %mul3A_308 : i32
      %add3A_310 = arith.constant 4 : i32
      %add3A_311 = arith.addi %mul3A_309, %add3A_310 : i32
      %mul3A_312 = arith.constant 64 : i32
      %mul3A_313 = arith.muli %add3A_311, %mul3A_312 : i32
      %multiple_of3A_314 = tpu.assume_multiple %mul3A_313, 8 : i32
      %dma_wait3A_315 = arith.constant 4 : i32
      %dma_wait3A_316 = arith.constant 0 : i32
      %dma_wait3A_317 = arith.constant 0 : i32
      %dma_wait3A_318 = tpu.memref_slice %arg9[%dma_wait3A_315, %dma_wait3A_316, %dma_wait3A_317] : memref<8x64x128xf32, #tpu.memory_space<vmem>> -> memref<1x64x128xf32, #tpu.memory_space<vmem>>
      %dma_wait3A_319 = tpu.memref_squeeze %dma_wait3A_318 : memref<1x64x128xf32, #tpu.memory_space<vmem>> -> memref<64x128xf32, #tpu.memory_space<vmem>>
      %dma_wait3A_320 = tpu.memref_slice %arg11[%multiple_of3A_314] : memref<2048xi32, #tpu.memory_space<vmem>> -> memref<64xi32, #tpu.memory_space<vmem>>
      %dma_wait3A_321 = arith.constant 0 : i32
      %dma_wait3A_322 = arith.constant 0 : i32
      %dma_wait3A_323 = tpu.memref_slice %arg3[%dma_wait3A_321, %dma_wait3A_322] : memref<100000x128xf32, #tpu.memory_space<hbm>> -> memref<100000x128xf32, #tpu.memory_space<hbm>>
      tpu.wait_indirect_dma semaphore(%arg16 : memref<!tpu.dma_semaphore, #tpu.memory_space<semaphore_mem>>) src(%dma_wait3A_323 : memref<100000x128xf32, #tpu.memory_space<hbm>>) dst(%dma_wait3A_319 : memref<64x128xf32, #tpu.memory_space<vmem>>)
      %mul3A_324 = arith.constant 16 : i32
      %mul3A_325 = arith.muli %mul3A_2, %mul3A_324 : i32
      %mul3A_326 = arith.constant 64 : i32
      %mul3A_327 = arith.muli %add3A_311, %mul3A_326 : i32
      %add3A_328 = arith.addi %mul3A_325, %mul3A_327 : i32
      %multiple_of3A_329 = tpu.assume_multiple %add3A_328, 8 : i32
      %run_scoped3A_330 = arith.constant 4 : i32
      "tpu.region"() ({
        %run_scoped3A_428 = tpu.sem_alloc : memref<!tpu.dma_semaphore, #tpu.memory_space<semaphore_mem>>
        %dma_start3A_429 = arith.constant 0 : i32
        %dma_start3A_430 = arith.constant 0 : i32
        %dma_start3A_431 = tpu.memref_slice %arg9[%run_scoped3A_330, %dma_start3A_429, %dma_start3A_430] : memref<8x64x128xf32, #tpu.memory_space<vmem>> -> memref<1x64x128xf32, #tpu.memory_space<vmem>>
        %dma_start3A_432 = tpu.memref_squeeze %dma_start3A_431 : memref<1x64x128xf32, #tpu.memory_space<vmem>> -> memref<64x128xf32, #tpu.memory_space<vmem>>
        %dma_start3A_433 = arith.constant 0 : i32
        %dma_start3A_434 = tpu.memref_slice %arg7[%multiple_of3A_329, %dma_start3A_433] : memref<65536x128xf32, #tpu.memory_space<hbm>> -> memref<64x128xf32, #tpu.memory_space<hbm>>
        %dma_start3A_435 = arith.constant 0 : i32
        %dma_start3A_436 = tpu.memref_slice %arg7[%multiple_of3A_329, %dma_start3A_435] : memref<65536x128xf32, #tpu.memory_space<hbm>> -> memref<64x128xf32, #tpu.memory_space<hbm>>
        %dma_start3A_437 = arith.constant 0 : i32
        %dma_start3A_438 = arith.constant 0 : i32
        %dma_start3A_439 = tpu.memref_slice %arg9[%run_scoped3A_330, %dma_start3A_437, %dma_start3A_438] : memref<8x64x128xf32, #tpu.memory_space<vmem>> -> memref<1x64x128xf32, #tpu.memory_space<vmem>>
        %dma_start3A_440 = tpu.memref_squeeze %dma_start3A_439 : memref<1x64x128xf32, #tpu.memory_space<vmem>> -> memref<64x128xf32, #tpu.memory_space<vmem>>
        tpu.enqueue_dma source(%dma_start3A_440 : memref<64x128xf32, #tpu.memory_space<vmem>>) target(%dma_start3A_436 : memref<64x128xf32, #tpu.memory_space<hbm>>) target_semaphore(%run_scoped3A_428 : memref<!tpu.dma_semaphore, #tpu.memory_space<semaphore_mem>>)
        %dma_wait3A_441 = arith.constant 0 : i32
        %dma_wait3A_442 = arith.constant 0 : i32
        %dma_wait3A_443 = tpu.memref_slice %arg9[%run_scoped3A_330, %dma_wait3A_441, %dma_wait3A_442] : memref<8x64x128xf32, #tpu.memory_space<vmem>> -> memref<1x64x128xf32, #tpu.memory_space<vmem>>
        %dma_wait3A_444 = tpu.memref_squeeze %dma_wait3A_443 : memref<1x64x128xf32, #tpu.memory_space<vmem>> -> memref<64x128xf32, #tpu.memory_space<vmem>>
        %dma_wait3A_445 = arith.constant 0 : i32
        %dma_wait3A_446 = tpu.memref_slice %arg7[%multiple_of3A_329, %dma_wait3A_445] : memref<65536x128xf32, #tpu.memory_space<hbm>> -> memref<64x128xf32, #tpu.memory_space<hbm>>
        %dma_wait3A_447 = arith.constant 0 : i32
        %dma_wait3A_448 = tpu.memref_slice %arg7[%multiple_of3A_329, %dma_wait3A_447] : memref<65536x128xf32, #tpu.memory_space<hbm>> -> memref<64x128xf32, #tpu.memory_space<hbm>>
        %dma_wait3A_449 = arith.constant 0 : i32
        %dma_wait3A_450 = arith.constant 0 : i32
        %dma_wait3A_451 = tpu.memref_slice %arg9[%run_scoped3A_330, %dma_wait3A_449, %dma_wait3A_450] : memref<8x64x128xf32, #tpu.memory_space<vmem>> -> memref<1x64x128xf32, #tpu.memory_space<vmem>>
        %dma_wait3A_452 = tpu.memref_squeeze %dma_wait3A_451 : memref<1x64x128xf32, #tpu.memory_space<vmem>> -> memref<64x128xf32, #tpu.memory_space<vmem>>
        tpu.wait_dma2 semaphore(%run_scoped3A_428 : memref<!tpu.dma_semaphore, #tpu.memory_space<semaphore_mem>>) src(%dma_wait3A_452 : memref<64x128xf32, #tpu.memory_space<vmem>>) dst(%dma_wait3A_448 : memref<64x128xf32, #tpu.memory_space<hbm>>)
        tpu.yield
      }) : () -> ()
      %add3A_331 = arith.constant 8 : i32
      %add3A_332 = arith.addi %add3A_311, %add3A_331 : i32
      %lt3A_333 = arith.constant 32 : i32
      %lt3A_334 = arith.cmpi slt, %add3A_332, %lt3A_333 : i32
      %convert_element_type3A_335 = arith.extui %lt3A_334 : i1 to i32
      %cond3A_336 = arith.constant 0 : i32
      %cond3A_337 = arith.cmpi ne, %convert_element_type3A_335, %cond3A_336 : i32
      scf.if %cond3A_337 {
        %add3A_428 = arith.constant 8 : i32
        %add3A_429 = arith.addi %add3A_311, %add3A_428 : i32
        %mul3A_430 = arith.constant 64 : i32
        %mul3A_431 = arith.muli %add3A_429, %mul3A_430 : i32
        %multiple_of3A_432 = tpu.assume_multiple %mul3A_431, 8 : i32
        %dma_start3A_433 = arith.constant 4 : i32
        %dma_start3A_434 = arith.constant 0 : i32
        %dma_start3A_435 = arith.constant 0 : i32
        %dma_start3A_436 = tpu.memref_slice %arg9[%dma_start3A_433, %dma_start3A_434, %dma_start3A_435] : memref<8x64x128xf32, #tpu.memory_space<vmem>> -> memref<1x64x128xf32, #tpu.memory_space<vmem>>
        %dma_start3A_437 = tpu.memref_squeeze %dma_start3A_436 : memref<1x64x128xf32, #tpu.memory_space<vmem>> -> memref<64x128xf32, #tpu.memory_space<vmem>>
        %dma_start3A_438 = tpu.memref_slice %arg11[%multiple_of3A_432] : memref<2048xi32, #tpu.memory_space<vmem>> -> memref<64xi32, #tpu.memory_space<vmem>>
        %dma_start3A_439 = arith.constant 0 : i32
        %dma_start3A_440 = arith.constant 0 : i32
        %dma_start3A_441 = tpu.memref_slice %arg3[%dma_start3A_439, %dma_start3A_440] : memref<100000x128xf32, #tpu.memory_space<hbm>> -> memref<100000x128xf32, #tpu.memory_space<hbm>>
        tpu.enqueue_indirect_dma source(%dma_start3A_441 : memref<100000x128xf32, #tpu.memory_space<hbm>>) target(%dma_start3A_437 : memref<64x128xf32, #tpu.memory_space<vmem>>) offsets(%dma_start3A_438 : memref<64xi32, #tpu.memory_space<vmem>>) semaphore(%arg16 : memref<!tpu.dma_semaphore, #tpu.memory_space<semaphore_mem>>)
      } else {
      }
      %mul3A_338 = arith.constant 8 : i32
      %mul3A_339 = arith.muli %scan3A_192, %mul3A_338 : i32
      %add3A_340 = arith.constant 5 : i32
      %add3A_341 = arith.addi %mul3A_339, %add3A_340 : i32
      %mul3A_342 = arith.constant 64 : i32
      %mul3A_343 = arith.muli %add3A_341, %mul3A_342 : i32
      %multiple_of3A_344 = tpu.assume_multiple %mul3A_343, 8 : i32
      %dma_wait3A_345 = arith.constant 5 : i32
      %dma_wait3A_346 = arith.constant 0 : i32
      %dma_wait3A_347 = arith.constant 0 : i32
      %dma_wait3A_348 = tpu.memref_slice %arg9[%dma_wait3A_345, %dma_wait3A_346, %dma_wait3A_347] : memref<8x64x128xf32, #tpu.memory_space<vmem>> -> memref<1x64x128xf32, #tpu.memory_space<vmem>>
      %dma_wait3A_349 = tpu.memref_squeeze %dma_wait3A_348 : memref<1x64x128xf32, #tpu.memory_space<vmem>> -> memref<64x128xf32, #tpu.memory_space<vmem>>
      %dma_wait3A_350 = tpu.memref_slice %arg11[%multiple_of3A_344] : memref<2048xi32, #tpu.memory_space<vmem>> -> memref<64xi32, #tpu.memory_space<vmem>>
      %dma_wait3A_351 = arith.constant 0 : i32
      %dma_wait3A_352 = arith.constant 0 : i32
      %dma_wait3A_353 = tpu.memref_slice %arg3[%dma_wait3A_351, %dma_wait3A_352] : memref<100000x128xf32, #tpu.memory_space<hbm>> -> memref<100000x128xf32, #tpu.memory_space<hbm>>
      tpu.wait_indirect_dma semaphore(%arg17 : memref<!tpu.dma_semaphore, #tpu.memory_space<semaphore_mem>>) src(%dma_wait3A_353 : memref<100000x128xf32, #tpu.memory_space<hbm>>) dst(%dma_wait3A_349 : memref<64x128xf32, #tpu.memory_space<vmem>>)
      %mul3A_354 = arith.constant 16 : i32
      %mul3A_355 = arith.muli %mul3A_2, %mul3A_354 : i32
      %mul3A_356 = arith.constant 64 : i32
      %mul3A_357 = arith.muli %add3A_341, %mul3A_356 : i32
      %add3A_358 = arith.addi %mul3A_355, %mul3A_357 : i32
      %multiple_of3A_359 = tpu.assume_multiple %add3A_358, 8 : i32
      %run_scoped3A_360 = arith.constant 5 : i32
      "tpu.region"() ({
        %run_scoped3A_428 = tpu.sem_alloc : memref<!tpu.dma_semaphore, #tpu.memory_space<semaphore_mem>>
        %dma_start3A_429 = arith.constant 0 : i32
        %dma_start3A_430 = arith.constant 0 : i32
        %dma_start3A_431 = tpu.memref_slice %arg9[%run_scoped3A_360, %dma_start3A_429, %dma_start3A_430] : memref<8x64x128xf32, #tpu.memory_space<vmem>> -> memref<1x64x128xf32, #tpu.memory_space<vmem>>
        %dma_start3A_432 = tpu.memref_squeeze %dma_start3A_431 : memref<1x64x128xf32, #tpu.memory_space<vmem>> -> memref<64x128xf32, #tpu.memory_space<vmem>>
        %dma_start3A_433 = arith.constant 0 : i32
        %dma_start3A_434 = tpu.memref_slice %arg7[%multiple_of3A_359, %dma_start3A_433] : memref<65536x128xf32, #tpu.memory_space<hbm>> -> memref<64x128xf32, #tpu.memory_space<hbm>>
        %dma_start3A_435 = arith.constant 0 : i32
        %dma_start3A_436 = tpu.memref_slice %arg7[%multiple_of3A_359, %dma_start3A_435] : memref<65536x128xf32, #tpu.memory_space<hbm>> -> memref<64x128xf32, #tpu.memory_space<hbm>>
        %dma_start3A_437 = arith.constant 0 : i32
        %dma_start3A_438 = arith.constant 0 : i32
        %dma_start3A_439 = tpu.memref_slice %arg9[%run_scoped3A_360, %dma_start3A_437, %dma_start3A_438] : memref<8x64x128xf32, #tpu.memory_space<vmem>> -> memref<1x64x128xf32, #tpu.memory_space<vmem>>
        %dma_start3A_440 = tpu.memref_squeeze %dma_start3A_439 : memref<1x64x128xf32, #tpu.memory_space<vmem>> -> memref<64x128xf32, #tpu.memory_space<vmem>>
        tpu.enqueue_dma source(%dma_start3A_440 : memref<64x128xf32, #tpu.memory_space<vmem>>) target(%dma_start3A_436 : memref<64x128xf32, #tpu.memory_space<hbm>>) target_semaphore(%run_scoped3A_428 : memref<!tpu.dma_semaphore, #tpu.memory_space<semaphore_mem>>)
        %dma_wait3A_441 = arith.constant 0 : i32
        %dma_wait3A_442 = arith.constant 0 : i32
        %dma_wait3A_443 = tpu.memref_slice %arg9[%run_scoped3A_360, %dma_wait3A_441, %dma_wait3A_442] : memref<8x64x128xf32, #tpu.memory_space<vmem>> -> memref<1x64x128xf32, #tpu.memory_space<vmem>>
        %dma_wait3A_444 = tpu.memref_squeeze %dma_wait3A_443 : memref<1x64x128xf32, #tpu.memory_space<vmem>> -> memref<64x128xf32, #tpu.memory_space<vmem>>
        %dma_wait3A_445 = arith.constant 0 : i32
        %dma_wait3A_446 = tpu.memref_slice %arg7[%multiple_of3A_359, %dma_wait3A_445] : memref<65536x128xf32, #tpu.memory_space<hbm>> -> memref<64x128xf32, #tpu.memory_space<hbm>>
        %dma_wait3A_447 = arith.constant 0 : i32
        %dma_wait3A_448 = tpu.memref_slice %arg7[%multiple_of3A_359, %dma_wait3A_447] : memref<65536x128xf32, #tpu.memory_space<hbm>> -> memref<64x128xf32, #tpu.memory_space<hbm>>
        %dma_wait3A_449 = arith.constant 0 : i32
        %dma_wait3A_450 = arith.constant 0 : i32
        %dma_wait3A_451 = tpu.memref_slice %arg9[%run_scoped3A_360, %dma_wait3A_449, %dma_wait3A_450] : memref<8x64x128xf32, #tpu.memory_space<vmem>> -> memref<1x64x128xf32, #tpu.memory_space<vmem>>
        %dma_wait3A_452 = tpu.memref_squeeze %dma_wait3A_451 : memref<1x64x128xf32, #tpu.memory_space<vmem>> -> memref<64x128xf32, #tpu.memory_space<vmem>>
        tpu.wait_dma2 semaphore(%run_scoped3A_428 : memref<!tpu.dma_semaphore, #tpu.memory_space<semaphore_mem>>) src(%dma_wait3A_452 : memref<64x128xf32, #tpu.memory_space<vmem>>) dst(%dma_wait3A_448 : memref<64x128xf32, #tpu.memory_space<hbm>>)
        tpu.yield
      }) : () -> ()
      %add3A_361 = arith.constant 8 : i32
      %add3A_362 = arith.addi %add3A_341, %add3A_361 : i32
      %lt3A_363 = arith.constant 32 : i32
      %lt3A_364 = arith.cmpi slt, %add3A_362, %lt3A_363 : i32
      %convert_element_type3A_365 = arith.extui %lt3A_364 : i1 to i32
      %cond3A_366 = arith.constant 0 : i32
      %cond3A_367 = arith.cmpi ne, %convert_element_type3A_365, %cond3A_366 : i32
      scf.if %cond3A_367 {
        %add3A_428 = arith.constant 8 : i32
        %add3A_429 = arith.addi %add3A_341, %add3A_428 : i32
        %mul3A_430 = arith.constant 64 : i32
        %mul3A_431 = arith.muli %add3A_429, %mul3A_430 : i32
        %multiple_of3A_432 = tpu.assume_multiple %mul3A_431, 8 : i32
        %dma_start3A_433 = arith.constant 5 : i32
        %dma_start3A_434 = arith.constant 0 : i32
        %dma_start3A_435 = arith.constant 0 : i32
        %dma_start3A_436 = tpu.memref_slice %arg9[%dma_start3A_433, %dma_start3A_434, %dma_start3A_435] : memref<8x64x128xf32, #tpu.memory_space<vmem>> -> memref<1x64x128xf32, #tpu.memory_space<vmem>>
        %dma_start3A_437 = tpu.memref_squeeze %dma_start3A_436 : memref<1x64x128xf32, #tpu.memory_space<vmem>> -> memref<64x128xf32, #tpu.memory_space<vmem>>
        %dma_start3A_438 = tpu.memref_slice %arg11[%multiple_of3A_432] : memref<2048xi32, #tpu.memory_space<vmem>> -> memref<64xi32, #tpu.memory_space<vmem>>
        %dma_start3A_439 = arith.constant 0 : i32
        %dma_start3A_440 = arith.constant 0 : i32
        %dma_start3A_441 = tpu.memref_slice %arg3[%dma_start3A_439, %dma_start3A_440] : memref<100000x128xf32, #tpu.memory_space<hbm>> -> memref<100000x128xf32, #tpu.memory_space<hbm>>
        tpu.enqueue_indirect_dma source(%dma_start3A_441 : memref<100000x128xf32, #tpu.memory_space<hbm>>) target(%dma_start3A_437 : memref<64x128xf32, #tpu.memory_space<vmem>>) offsets(%dma_start3A_438 : memref<64xi32, #tpu.memory_space<vmem>>) semaphore(%arg17 : memref<!tpu.dma_semaphore, #tpu.memory_space<semaphore_mem>>)
      } else {
      }
      %mul3A_368 = arith.constant 8 : i32
      %mul3A_369 = arith.muli %scan3A_192, %mul3A_368 : i32
      %add3A_370 = arith.constant 6 : i32
      %add3A_371 = arith.addi %mul3A_369, %add3A_370 : i32
      %mul3A_372 = arith.constant 64 : i32
      %mul3A_373 = arith.muli %add3A_371, %mul3A_372 : i32
      %multiple_of3A_374 = tpu.assume_multiple %mul3A_373, 8 : i32
      %dma_wait3A_375 = arith.constant 6 : i32
      %dma_wait3A_376 = arith.constant 0 : i32
      %dma_wait3A_377 = arith.constant 0 : i32
      %dma_wait3A_378 = tpu.memref_slice %arg9[%dma_wait3A_375, %dma_wait3A_376, %dma_wait3A_377] : memref<8x64x128xf32, #tpu.memory_space<vmem>> -> memref<1x64x128xf32, #tpu.memory_space<vmem>>
      %dma_wait3A_379 = tpu.memref_squeeze %dma_wait3A_378 : memref<1x64x128xf32, #tpu.memory_space<vmem>> -> memref<64x128xf32, #tpu.memory_space<vmem>>
      %dma_wait3A_380 = tpu.memref_slice %arg11[%multiple_of3A_374] : memref<2048xi32, #tpu.memory_space<vmem>> -> memref<64xi32, #tpu.memory_space<vmem>>
      %dma_wait3A_381 = arith.constant 0 : i32
      %dma_wait3A_382 = arith.constant 0 : i32
      %dma_wait3A_383 = tpu.memref_slice %arg3[%dma_wait3A_381, %dma_wait3A_382] : memref<100000x128xf32, #tpu.memory_space<hbm>> -> memref<100000x128xf32, #tpu.memory_space<hbm>>
      tpu.wait_indirect_dma semaphore(%arg18 : memref<!tpu.dma_semaphore, #tpu.memory_space<semaphore_mem>>) src(%dma_wait3A_383 : memref<100000x128xf32, #tpu.memory_space<hbm>>) dst(%dma_wait3A_379 : memref<64x128xf32, #tpu.memory_space<vmem>>)
      %mul3A_384 = arith.constant 16 : i32
      %mul3A_385 = arith.muli %mul3A_2, %mul3A_384 : i32
      %mul3A_386 = arith.constant 64 : i32
      %mul3A_387 = arith.muli %add3A_371, %mul3A_386 : i32
      %add3A_388 = arith.addi %mul3A_385, %mul3A_387 : i32
      %multiple_of3A_389 = tpu.assume_multiple %add3A_388, 8 : i32
      %run_scoped3A_390 = arith.constant 6 : i32
      "tpu.region"() ({
        %run_scoped3A_428 = tpu.sem_alloc : memref<!tpu.dma_semaphore, #tpu.memory_space<semaphore_mem>>
        %dma_start3A_429 = arith.constant 0 : i32
        %dma_start3A_430 = arith.constant 0 : i32
        %dma_start3A_431 = tpu.memref_slice %arg9[%run_scoped3A_390, %dma_start3A_429, %dma_start3A_430] : memref<8x64x128xf32, #tpu.memory_space<vmem>> -> memref<1x64x128xf32, #tpu.memory_space<vmem>>
        %dma_start3A_432 = tpu.memref_squeeze %dma_start3A_431 : memref<1x64x128xf32, #tpu.memory_space<vmem>> -> memref<64x128xf32, #tpu.memory_space<vmem>>
        %dma_start3A_433 = arith.constant 0 : i32
        %dma_start3A_434 = tpu.memref_slice %arg7[%multiple_of3A_389, %dma_start3A_433] : memref<65536x128xf32, #tpu.memory_space<hbm>> -> memref<64x128xf32, #tpu.memory_space<hbm>>
        %dma_start3A_435 = arith.constant 0 : i32
        %dma_start3A_436 = tpu.memref_slice %arg7[%multiple_of3A_389, %dma_start3A_435] : memref<65536x128xf32, #tpu.memory_space<hbm>> -> memref<64x128xf32, #tpu.memory_space<hbm>>
        %dma_start3A_437 = arith.constant 0 : i32
        %dma_start3A_438 = arith.constant 0 : i32
        %dma_start3A_439 = tpu.memref_slice %arg9[%run_scoped3A_390, %dma_start3A_437, %dma_start3A_438] : memref<8x64x128xf32, #tpu.memory_space<vmem>> -> memref<1x64x128xf32, #tpu.memory_space<vmem>>
        %dma_start3A_440 = tpu.memref_squeeze %dma_start3A_439 : memref<1x64x128xf32, #tpu.memory_space<vmem>> -> memref<64x128xf32, #tpu.memory_space<vmem>>
        tpu.enqueue_dma source(%dma_start3A_440 : memref<64x128xf32, #tpu.memory_space<vmem>>) target(%dma_start3A_436 : memref<64x128xf32, #tpu.memory_space<hbm>>) target_semaphore(%run_scoped3A_428 : memref<!tpu.dma_semaphore, #tpu.memory_space<semaphore_mem>>)
        %dma_wait3A_441 = arith.constant 0 : i32
        %dma_wait3A_442 = arith.constant 0 : i32
        %dma_wait3A_443 = tpu.memref_slice %arg9[%run_scoped3A_390, %dma_wait3A_441, %dma_wait3A_442] : memref<8x64x128xf32, #tpu.memory_space<vmem>> -> memref<1x64x128xf32, #tpu.memory_space<vmem>>
        %dma_wait3A_444 = tpu.memref_squeeze %dma_wait3A_443 : memref<1x64x128xf32, #tpu.memory_space<vmem>> -> memref<64x128xf32, #tpu.memory_space<vmem>>
        %dma_wait3A_445 = arith.constant 0 : i32
        %dma_wait3A_446 = tpu.memref_slice %arg7[%multiple_of3A_389, %dma_wait3A_445] : memref<65536x128xf32, #tpu.memory_space<hbm>> -> memref<64x128xf32, #tpu.memory_space<hbm>>
        %dma_wait3A_447 = arith.constant 0 : i32
        %dma_wait3A_448 = tpu.memref_slice %arg7[%multiple_of3A_389, %dma_wait3A_447] : memref<65536x128xf32, #tpu.memory_space<hbm>> -> memref<64x128xf32, #tpu.memory_space<hbm>>
        %dma_wait3A_449 = arith.constant 0 : i32
        %dma_wait3A_450 = arith.constant 0 : i32
        %dma_wait3A_451 = tpu.memref_slice %arg9[%run_scoped3A_390, %dma_wait3A_449, %dma_wait3A_450] : memref<8x64x128xf32, #tpu.memory_space<vmem>> -> memref<1x64x128xf32, #tpu.memory_space<vmem>>
        %dma_wait3A_452 = tpu.memref_squeeze %dma_wait3A_451 : memref<1x64x128xf32, #tpu.memory_space<vmem>> -> memref<64x128xf32, #tpu.memory_space<vmem>>
        tpu.wait_dma2 semaphore(%run_scoped3A_428 : memref<!tpu.dma_semaphore, #tpu.memory_space<semaphore_mem>>) src(%dma_wait3A_452 : memref<64x128xf32, #tpu.memory_space<vmem>>) dst(%dma_wait3A_448 : memref<64x128xf32, #tpu.memory_space<hbm>>)
        tpu.yield
      }) : () -> ()
      %add3A_391 = arith.constant 8 : i32
      %add3A_392 = arith.addi %add3A_371, %add3A_391 : i32
      %lt3A_393 = arith.constant 32 : i32
      %lt3A_394 = arith.cmpi slt, %add3A_392, %lt3A_393 : i32
      %convert_element_type3A_395 = arith.extui %lt3A_394 : i1 to i32
      %cond3A_396 = arith.constant 0 : i32
      %cond3A_397 = arith.cmpi ne, %convert_element_type3A_395, %cond3A_396 : i32
      scf.if %cond3A_397 {
        %add3A_428 = arith.constant 8 : i32
        %add3A_429 = arith.addi %add3A_371, %add3A_428 : i32
        %mul3A_430 = arith.constant 64 : i32
        %mul3A_431 = arith.muli %add3A_429, %mul3A_430 : i32
        %multiple_of3A_432 = tpu.assume_multiple %mul3A_431, 8 : i32
        %dma_start3A_433 = arith.constant 6 : i32
        %dma_start3A_434 = arith.constant 0 : i32
        %dma_start3A_435 = arith.constant 0 : i32
        %dma_start3A_436 = tpu.memref_slice %arg9[%dma_start3A_433, %dma_start3A_434, %dma_start3A_435] : memref<8x64x128xf32, #tpu.memory_space<vmem>> -> memref<1x64x128xf32, #tpu.memory_space<vmem>>
        %dma_start3A_437 = tpu.memref_squeeze %dma_start3A_436 : memref<1x64x128xf32, #tpu.memory_space<vmem>> -> memref<64x128xf32, #tpu.memory_space<vmem>>
        %dma_start3A_438 = tpu.memref_slice %arg11[%multiple_of3A_432] : memref<2048xi32, #tpu.memory_space<vmem>> -> memref<64xi32, #tpu.memory_space<vmem>>
        %dma_start3A_439 = arith.constant 0 : i32
        %dma_start3A_440 = arith.constant 0 : i32
        %dma_start3A_441 = tpu.memref_slice %arg3[%dma_start3A_439, %dma_start3A_440] : memref<100000x128xf32, #tpu.memory_space<hbm>> -> memref<100000x128xf32, #tpu.memory_space<hbm>>
        tpu.enqueue_indirect_dma source(%dma_start3A_441 : memref<100000x128xf32, #tpu.memory_space<hbm>>) target(%dma_start3A_437 : memref<64x128xf32, #tpu.memory_space<vmem>>) offsets(%dma_start3A_438 : memref<64xi32, #tpu.memory_space<vmem>>) semaphore(%arg18 : memref<!tpu.dma_semaphore, #tpu.memory_space<semaphore_mem>>)
      } else {
      }
      %mul3A_398 = arith.constant 8 : i32
      %mul3A_399 = arith.muli %scan3A_192, %mul3A_398 : i32
      %add3A_400 = arith.constant 7 : i32
      %add3A_401 = arith.addi %mul3A_399, %add3A_400 : i32
      %mul3A_402 = arith.constant 64 : i32
      %mul3A_403 = arith.muli %add3A_401, %mul3A_402 : i32
      %multiple_of3A_404 = tpu.assume_multiple %mul3A_403, 8 : i32
      %dma_wait3A_405 = arith.constant 7 : i32
      %dma_wait3A_406 = arith.constant 0 : i32
      %dma_wait3A_407 = arith.constant 0 : i32
      %dma_wait3A_408 = tpu.memref_slice %arg9[%dma_wait3A_405, %dma_wait3A_406, %dma_wait3A_407] : memref<8x64x128xf32, #tpu.memory_space<vmem>> -> memref<1x64x128xf32, #tpu.memory_space<vmem>>
      %dma_wait3A_409 = tpu.memref_squeeze %dma_wait3A_408 : memref<1x64x128xf32, #tpu.memory_space<vmem>> -> memref<64x128xf32, #tpu.memory_space<vmem>>
      %dma_wait3A_410 = tpu.memref_slice %arg11[%multiple_of3A_404] : memref<2048xi32, #tpu.memory_space<vmem>> -> memref<64xi32, #tpu.memory_space<vmem>>
      %dma_wait3A_411 = arith.constant 0 : i32
      %dma_wait3A_412 = arith.constant 0 : i32
      %dma_wait3A_413 = tpu.memref_slice %arg3[%dma_wait3A_411, %dma_wait3A_412] : memref<100000x128xf32, #tpu.memory_space<hbm>> -> memref<100000x128xf32, #tpu.memory_space<hbm>>
      tpu.wait_indirect_dma semaphore(%arg19 : memref<!tpu.dma_semaphore, #tpu.memory_space<semaphore_mem>>) src(%dma_wait3A_413 : memref<100000x128xf32, #tpu.memory_space<hbm>>) dst(%dma_wait3A_409 : memref<64x128xf32, #tpu.memory_space<vmem>>)
      %mul3A_414 = arith.constant 16 : i32
      %mul3A_415 = arith.muli %mul3A_2, %mul3A_414 : i32
      %mul3A_416 = arith.constant 64 : i32
      %mul3A_417 = arith.muli %add3A_401, %mul3A_416 : i32
      %add3A_418 = arith.addi %mul3A_415, %mul3A_417 : i32
      %multiple_of3A_419 = tpu.assume_multiple %add3A_418, 8 : i32
      %run_scoped3A_420 = arith.constant 7 : i32
      "tpu.region"() ({
        %run_scoped3A_428 = tpu.sem_alloc : memref<!tpu.dma_semaphore, #tpu.memory_space<semaphore_mem>>
        %dma_start3A_429 = arith.constant 0 : i32
        %dma_start3A_430 = arith.constant 0 : i32
        %dma_start3A_431 = tpu.memref_slice %arg9[%run_scoped3A_420, %dma_start3A_429, %dma_start3A_430] : memref<8x64x128xf32, #tpu.memory_space<vmem>> -> memref<1x64x128xf32, #tpu.memory_space<vmem>>
        %dma_start3A_432 = tpu.memref_squeeze %dma_start3A_431 : memref<1x64x128xf32, #tpu.memory_space<vmem>> -> memref<64x128xf32, #tpu.memory_space<vmem>>
        %dma_start3A_433 = arith.constant 0 : i32
        %dma_start3A_434 = tpu.memref_slice %arg7[%multiple_of3A_419, %dma_start3A_433] : memref<65536x128xf32, #tpu.memory_space<hbm>> -> memref<64x128xf32, #tpu.memory_space<hbm>>
        %dma_start3A_435 = arith.constant 0 : i32
        %dma_start3A_436 = tpu.memref_slice %arg7[%multiple_of3A_419, %dma_start3A_435] : memref<65536x128xf32, #tpu.memory_space<hbm>> -> memref<64x128xf32, #tpu.memory_space<hbm>>
        %dma_start3A_437 = arith.constant 0 : i32
        %dma_start3A_438 = arith.constant 0 : i32
        %dma_start3A_439 = tpu.memref_slice %arg9[%run_scoped3A_420, %dma_start3A_437, %dma_start3A_438] : memref<8x64x128xf32, #tpu.memory_space<vmem>> -> memref<1x64x128xf32, #tpu.memory_space<vmem>>
        %dma_start3A_440 = tpu.memref_squeeze %dma_start3A_439 : memref<1x64x128xf32, #tpu.memory_space<vmem>> -> memref<64x128xf32, #tpu.memory_space<vmem>>
        tpu.enqueue_dma source(%dma_start3A_440 : memref<64x128xf32, #tpu.memory_space<vmem>>) target(%dma_start3A_436 : memref<64x128xf32, #tpu.memory_space<hbm>>) target_semaphore(%run_scoped3A_428 : memref<!tpu.dma_semaphore, #tpu.memory_space<semaphore_mem>>)
        %dma_wait3A_441 = arith.constant 0 : i32
        %dma_wait3A_442 = arith.constant 0 : i32
        %dma_wait3A_443 = tpu.memref_slice %arg9[%run_scoped3A_420, %dma_wait3A_441, %dma_wait3A_442] : memref<8x64x128xf32, #tpu.memory_space<vmem>> -> memref<1x64x128xf32, #tpu.memory_space<vmem>>
        %dma_wait3A_444 = tpu.memref_squeeze %dma_wait3A_443 : memref<1x64x128xf32, #tpu.memory_space<vmem>> -> memref<64x128xf32, #tpu.memory_space<vmem>>
        %dma_wait3A_445 = arith.constant 0 : i32
        %dma_wait3A_446 = tpu.memref_slice %arg7[%multiple_of3A_419, %dma_wait3A_445] : memref<65536x128xf32, #tpu.memory_space<hbm>> -> memref<64x128xf32, #tpu.memory_space<hbm>>
        %dma_wait3A_447 = arith.constant 0 : i32
        %dma_wait3A_448 = tpu.memref_slice %arg7[%multiple_of3A_419, %dma_wait3A_447] : memref<65536x128xf32, #tpu.memory_space<hbm>> -> memref<64x128xf32, #tpu.memory_space<hbm>>
        %dma_wait3A_449 = arith.constant 0 : i32
        %dma_wait3A_450 = arith.constant 0 : i32
        %dma_wait3A_451 = tpu.memref_slice %arg9[%run_scoped3A_420, %dma_wait3A_449, %dma_wait3A_450] : memref<8x64x128xf32, #tpu.memory_space<vmem>> -> memref<1x64x128xf32, #tpu.memory_space<vmem>>
        %dma_wait3A_452 = tpu.memref_squeeze %dma_wait3A_451 : memref<1x64x128xf32, #tpu.memory_space<vmem>> -> memref<64x128xf32, #tpu.memory_space<vmem>>
        tpu.wait_dma2 semaphore(%run_scoped3A_428 : memref<!tpu.dma_semaphore, #tpu.memory_space<semaphore_mem>>) src(%dma_wait3A_452 : memref<64x128xf32, #tpu.memory_space<vmem>>) dst(%dma_wait3A_448 : memref<64x128xf32, #tpu.memory_space<hbm>>)
        tpu.yield
      }) : () -> ()
      %add3A_421 = arith.constant 8 : i32
      %add3A_422 = arith.addi %add3A_401, %add3A_421 : i32
      %lt3A_423 = arith.constant 32 : i32
      %lt3A_424 = arith.cmpi slt, %add3A_422, %lt3A_423 : i32
      %convert_element_type3A_425 = arith.extui %lt3A_424 : i1 to i32
      %cond3A_426 = arith.constant 0 : i32
      %cond3A_427 = arith.cmpi ne, %convert_element_type3A_425, %cond3A_426 : i32
      scf.if %cond3A_427 {
        %add3A_428 = arith.constant 8 : i32
        %add3A_429 = arith.addi %add3A_401, %add3A_428 : i32
        %mul3A_430 = arith.constant 64 : i32
        %mul3A_431 = arith.muli %add3A_429, %mul3A_430 : i32
        %multiple_of3A_432 = tpu.assume_multiple %mul3A_431, 8 : i32
        %dma_start3A_433 = arith.constant 7 : i32
        %dma_start3A_434 = arith.constant 0 : i32
        %dma_start3A_435 = arith.constant 0 : i32
        %dma_start3A_436 = tpu.memref_slice %arg9[%dma_start3A_433, %dma_start3A_434, %dma_start3A_435] : memref<8x64x128xf32, #tpu.memory_space<vmem>> -> memref<1x64x128xf32, #tpu.memory_space<vmem>>
        %dma_start3A_437 = tpu.memref_squeeze %dma_start3A_436 : memref<1x64x128xf32, #tpu.memory_space<vmem>> -> memref<64x128xf32, #tpu.memory_space<vmem>>
        %dma_start3A_438 = tpu.memref_slice %arg11[%multiple_of3A_432] : memref<2048xi32, #tpu.memory_space<vmem>> -> memref<64xi32, #tpu.memory_space<vmem>>
        %dma_start3A_439 = arith.constant 0 : i32
        %dma_start3A_440 = arith.constant 0 : i32
        %dma_start3A_441 = tpu.memref_slice %arg3[%dma_start3A_439, %dma_start3A_440] : memref<100000x128xf32, #tpu.memory_space<hbm>> -> memref<100000x128xf32, #tpu.memory_space<hbm>>
        tpu.enqueue_indirect_dma source(%dma_start3A_441 : memref<100000x128xf32, #tpu.memory_space<hbm>>) target(%dma_start3A_437 : memref<64x128xf32, #tpu.memory_space<vmem>>) offsets(%dma_start3A_438 : memref<64xi32, #tpu.memory_space<vmem>>) semaphore(%arg19 : memref<!tpu.dma_semaphore, #tpu.memory_space<semaphore_mem>>)
      } else {
      }
    }
    %scan3A_191 = arith.constant 4 : i32
    return
  }
}

module attributes {stable_mosaic.version = 14 : i64} {
  func.func @_tc_body(%arg0: i32, %arg1: memref<256x50xi32, #tpu.memory_space<vmem>>, %arg2: memref<256x128xf32, #tpu.memory_space<vmem>>, %arg3: memref<128x128xf32, #tpu.memory_space<vmem>>, %arg4: memref<1x128xf32, #tpu.memory_space<vmem>>, %arg5: memref<4096x128xf32, #tpu.memory_space<vmem>>, %arg6: memref<256x16xf32, #tpu.memory_space<vmem>>) attributes {dimension_semantics = [#tpu.dimension_semantics<arbitrary>], iteration_bounds = array<i64: 16>, scalar_prefetch = 0 : i64, scratch_operands = 0 : i64, tpu.core_type = #tpu.core_type<tc>, window_params = [{transform_indices = @transform_0, window_bounds = array<i64: 256, 50>}, {transform_indices = @transform_1, window_bounds = array<i64: 256, 128>}, {pipeline_mode = #tpu.pipeline_mode<synchronous>, transform_indices = @transform_2, window_bounds = array<i64: 128, 128>}, {pipeline_mode = #tpu.pipeline_mode<synchronous>, transform_indices = @transform_3, window_bounds = array<i64: 1, 128>}, {transform_indices = @transform_4, window_bounds = array<i64: 4096, 128>}, {transform_indices = @transform_5, window_bounds = array<i64: 256, 16>}]} {
    %get3A = arith.constant 0 : index
    %get3A_0 = arith.constant 0 : index
    %get3A_1 = vector.load %arg1[%get3A, %get3A_0] : memref<256x50xi32, #tpu.memory_space<vmem>>, vector<256x50xi32>
    %ne3A = arith.constant 0 : i32
    %ne3A_2 = vector.broadcast %ne3A : i32 to vector<256x50xi32>
    %ne3A_3 = arith.cmpi ne, %get3A_1, %ne3A_2 : vector<256x50xi32>
    %convert_element_type3A = arith.extui %ne3A_3 : vector<256x50xi1> to vector<256x50xi32>
    %convert_element_type3A_4 = arith.sitofp %convert_element_type3A : vector<256x50xi32> to vector<256x50xf32>
    %reduce_sum3A = arith.constant dense<0.000000e+00> : vector<256xf32>
    %reduce_sum3A_5 = vector.multi_reduction <add>, %convert_element_type3A_4, %reduce_sum3A [1] : vector<256x50xf32> to vector<256xf32>
    %broadcast_in_dim3A = vector.shape_cast %reduce_sum3A_5 : vector<256xf32> to vector<256x1xf32>
    %get3A_6 = arith.constant 0 : index
    %get3A_7 = arith.constant 0 : index
    %get3A_8 = vector.load %arg2[%get3A_6, %get3A_7] : memref<256x128xf32, #tpu.memory_space<vmem>>, vector<256x128xf32>
    %max3A = arith.constant 1.000000e+00 : f32
    %max3A_9 = vector.broadcast %max3A : f32 to vector<256x1xf32>
    %max3A_10 = arith.maximumf %broadcast_in_dim3A, %max3A_9 : vector<256x1xf32>
    %div3A = vector.broadcast %max3A_10 : vector<256x1xf32> to vector<256x128xf32>
    %div3A_11 = arith.divf %get3A_8, %div3A : vector<256x128xf32>
    %get3A_12 = arith.constant 0 : index
    %get3A_13 = arith.constant 0 : index
    %get3A_14 = vector.load %arg3[%get3A_12, %get3A_13] : memref<128x128xf32, #tpu.memory_space<vmem>>, vector<128x128xf32>
    %dot_general3A = arith.constant dense<0.000000e+00> : vector<256x128xf32>
    %dot_general3A_15 = tpu.matmul %div3A_11, %get3A_14, %dot_general3A {dimension_numbers = #tpu.dot_dimension_numbers<[1], [1], [0], [0], [0, 0, 1, 0], [], []>, transpose_lhs_hint = false} : vector<256x128xf32>, vector<128x128xf32>, vector<256x128xf32> -> vector<256x128xf32>
    %get3A_16 = arith.constant 0 : index
    %get3A_17 = arith.constant 0 : index
    %get3A_18 = vector.load %arg4[%get3A_16, %get3A_17] : memref<1x128xf32, #tpu.memory_space<vmem>>, vector<1x128xf32>
    %add3A = vector.broadcast %get3A_18 : vector<1x128xf32> to vector<256x128xf32>
    %add3A_19 = arith.addf %dot_general3A_15, %add3A : vector<256x128xf32>
    %get3A_20 = arith.constant 0 : index
    %get3A_21 = arith.constant 0 : index
    %get3A_22 = vector.load %arg5[%get3A_20, %get3A_21] : memref<4096x128xf32, #tpu.memory_space<vmem>>, vector<4096x128xf32>
    %reshape3A = vector.shape_cast %get3A_22 : vector<4096x128xf32> to vector<256x16x128xf32>
    %broadcast_in_dim3A_23 = vector.shape_cast %add3A_19 : vector<256x128xf32> to vector<256x1x128xf32>
    %mul3A = vector.broadcast %broadcast_in_dim3A_23 : vector<256x1x128xf32> to vector<256x16x128xf32>
    %mul3A_24 = arith.mulf %reshape3A, %mul3A : vector<256x16x128xf32>
    %reduce_sum3A_25 = arith.constant dense<0.000000e+00> : vector<256x16xf32>
    %reduce_sum3A_26 = vector.multi_reduction <add>, %mul3A_24, %reduce_sum3A_25 [2] : vector<256x16x128xf32> to vector<256x16xf32>
    %swap3A = arith.constant 0 : index
    %swap3A_27 = arith.constant 0 : index
    %swap3A_28 = vector.load %arg6[%swap3A, %swap3A_27] : memref<256x16xf32, #tpu.memory_space<vmem>>, vector<256x16xf32>
    tpu.vector_store %arg6[%swap3A, %swap3A_27], %reduce_sum3A_26 {strides = array<i32>} : memref<256x16xf32, #tpu.memory_space<vmem>>, vector<256x16xf32>,
    return
  }
  func.func @transform_0(%arg0: i32) -> (i32, i32) {
    %c0_i32 = arith.constant 0 : i32
    %c0_i32_0 = arith.constant 0 : i32
    return %arg0, %c0_i32 : i32, i32
  }
  func.func @transform_1(%arg0: i32) -> (i32, i32) {
    %c0_i32 = arith.constant 0 : i32
    %c0_i32_0 = arith.constant 0 : i32
    return %arg0, %c0_i32 : i32, i32
  }
  func.func @transform_2(%arg0: i32) -> (i32, i32) {
    %c0_i32 = arith.constant 0 : i32
    %c0_i32_0 = arith.constant 0 : i32
    %c0_i32_1 = arith.constant 0 : i32
    return %c0_i32, %c0_i32_0 : i32, i32
  }
  func.func @transform_3(%arg0: i32) -> (i32, i32) {
    %c0_i32 = arith.constant 0 : i32
    %c0_i32_0 = arith.constant 0 : i32
    %c0_i32_1 = arith.constant 0 : i32
    return %c0_i32, %c0_i32_0 : i32, i32
  }
  func.func @transform_4(%arg0: i32) -> (i32, i32) {
    %c0_i32 = arith.constant 0 : i32
    %c0_i32_0 = arith.constant 0 : i32
    return %arg0, %c0_i32 : i32, i32
  }
  func.func @transform_5(%arg0: i32) -> (i32, i32) {
    %c0_i32 = arith.constant 0 : i32
    %c0_i32_0 = arith.constant 0 : i32
    return %arg0, %c0_i32 : i32, i32
  }
}

</mosaic_0001>

<sc_bundles>
// kernel: kernel.4.cloned.1.call-start
scs
__scs_entry_jumppad:
0x0: {  	(pc) =	sbr.rel $0x88, $3  }
0x1: {  	(tag) =	ssettag $0x0;
	lr =	simm.s32 $0x1  }
0x2: {  	[smem:$0x3F9B] =	sst lr;
	_ =	strace $0xD0000000  }
0x3: {  	_ = 	snop  }
0x4: {  	_ = 	snop  }
0x5: {  	_ = 	snop  }
0x6: {  	_ = 	snop  }
0x7: {  	_ = 	snop  }
__scs_overlays_trampoline_lowered:
0x8: {  	[smem:$0x3FAA] =	sst s0  }
0x9: {  	[smem:$0x3FAB] =	sst s1  }
0xa: {  	[smem:$0x3FAC] =	sst s2  }
0xb: {  	[smem:$0x3FAD] =	sst s3  }
0xc: {  	[smem:$0x3FAE] =	sst s4  }
0xd: {  	[smem:$0x3FAF] =	sst s5  }
0xe: {  	[smem:$0x3FB0] =	sst s6  }
0xf: {  	[smem:$0x3FB1] =	sst s7  }
0x10: {  	[smem:$0x3FB2] =	sst s8  }
0x11: {  	[smem:$0x3FB3] =	sst s9;
	s0 =	simm.s32 @!p0 $0x0  }
0x12: {  	s1 =	sld [smem:$0x3F99];
	s0 =	simm.s32 @p0 $0x1  }
0x13: {  	[smem:$0x3FB4] =	sst s0;
	s0 =	simm.s32 @!p1 $0x0  }
0x14: {  	s2 =	sld [smem:$0x3F98];
	s0 =	simm.s32 @p1 $0x1  }
0x15: {  	[smem:$0x3FB5] =	sst s0;
	s0 =	simm.s32 @!p2 $0x0  }
0x16: {  	s3 =	sld [smem:$0x3FDB];
	s0 =	simm.s32 @p2 $0x1  }
0x17: {  	s4 =	simm.s32 $0x1BF5;
	[smem:$0x3FB7] =	sst s0  }
0x18: {  	s0 =	sld [smem:$0x3F9A];
	_ =	swait.ge [sflag:s4], $0x0  }
0x19: {  	s7 =	sld [smem:$0x3F9B]  }
0x1a: {  	s8 =	sadd.s32 $0xFFFFE003, lr  }
0x1b: {  	s9 =	sadd.s32 $0xFFFFFEF7, lr;
	s5 =	simm.s32 $0xFFFFFFFF;
	p2 =	slt.u32 s8, $0xFFFFF086  }
0x1c: {  	p1 =	slt.u32 s9, $0xF7A;
	s5 =	simm.s32 @!p2 $0x0  }
0x1d: {  	s5 =	simm.s32 @p1 $0x1;
	p0 =	seq.s32 s7, s2  }
0x1e: {  	s7 =	smul.u32 @!p0 $0xF7A, s2;
	p2 =	seq.s32 @!p0 s5, $0x0  }
0x1f: {  	s9 =	smul.u32 $0xF7A, s1;
	s8 =	simm.s32 @!p0 $0x1BF5;
	p2 =	por !p2, p0  }
0x20: {  	[sflag:s8] =	ssyncset.s32 @!p0 $0xFFFFF086;
	s6 =	sadd.s32 @!p0 s3, s7;
	s7 =	simm.s32 @!p0 $0x108  }
0x21: {  	s3 =	sadd.s32 s3, s9;
	s6 =	sadd.s32 @!p0 $0x88, s6;
	s7 =	simm.s32 @p2 $0x1082  }
0x22: {  	[simem:s7], [sflag:s8] =	dma.local @!p0 [hbm:s6], $0xF7A  }
0x23: {  	s9 =	sor.u32 $0xD0000000, s2;
	s6 =	simm.s32 $0x108;
	_ =	swait.ge @!p0 [sflag:s8], $0x0  }
0x24: {  	s3 =	sadd.s32 $0x88, s3;
	s6 =	simm.s32 @!p1 $0x1082;
	[sflag:s4] =	ssyncset.s32 $0xFFFFF086  }
0x25: {  	[simem:s6], [sflag:s4] =	dma.local [hbm:s3], $0xF7A  }
0x26: {  	[smem:$0x3F9B] =	sst s1;
	(tag) =	ssettag s2;
	_ =	strace s9  }
0x27: {  	s1 =	sld [smem:$0x3FAB]  }
0x28: {  	s2 =	sld [smem:$0x3FAC]  }
0x29: {  	s4 =	sld [smem:$0x3FAE]  }
0x2a: {  	p0 =	seq.s32 s5, $0x0;
	s5 =	sld [smem:$0x3FAF]  }
0x2b: {  	s6 =	sld [smem:$0x3FB0]  }
0x2c: {  	s7 =	sld [smem:$0x3FB1]  }
0x2d: {  	s3 =	simm.s32 $0x108;
	s8 =	sld [smem:$0x3FB2]  }
0x2e: {  	s3 =	simm.s32 @!p0 $0x1082;
	s9 =	sld [smem:$0x3FB3]  }
0x2f: {  	lr =	sadd.s32 s0, s3;
	s0 =	sld [smem:$0x3FAA]  }
0x30: {  	s3 =	sld [smem:$0x3FAD]  }
0x31: {  	[smem:$0x3FB6] =	sst s10  }
0x32: {  	s10 =	sld [smem:$0x3FB4];
	_ =	sdelay $0x3  }
0x33: {  	p0 =	seq.s32 s10, $0x1;
	s10 =	sld [smem:$0x3FB6];
	_ =	sdelay $0x3  }
0x34: {  	[smem:$0x3FB6] =	sst s10  }
0x35: {  	s10 =	sld [smem:$0x3FB5];
	_ =	sdelay $0x3  }
0x36: {  	p1 =	seq.s32 s10, $0x1;
	s10 =	sld [smem:$0x3FB6];
	_ =	sdelay $0x3  }
0x37: {  	[smem:$0x3FB6] =	sst s10  }
0x38: {  	s10 =	sld [smem:$0x3FB7]  }
0x39: {  	_ = 	snop;
	(pc) =	sbr.ind lr, $3  }
0x3a: {  	_ = 	snop  }
0x3b: {  	_ = 	snop  }
0x3c: {  	p2 =	seq.s32 s10, $0x1;
	s10 =	sld [smem:$0x3FB6]  }
0x3d: {  	_ =	shalt  }
0x3e: {  	_ =	shalt  }
0x3f: {  	_ =	shalt  }
0x40: {  	_ =	shalt  }
0x41: {  	_ =	shalt  }
0x42: {  	_ =	shalt  }
0x43: {  	_ =	shalt  }
0x44: {  	_ =	shalt  }
0x45: {  	_ =	shalt  }
0x46: {  	_ =	shalt  }
0x47: {  	_ =	shalt  }
0x48: {  	_ =	shalt  }
0x49: {  	_ =	shalt  }
0x4a: {  	_ =	shalt  }
0x4b: {  	_ =	shalt  }
0x4c: {  	_ =	shalt  }
0x4d: {  	_ =	shalt  }
0x4e: {  	_ =	shalt  }
0x4f: {  	_ =	shalt  }
0x50: {  	_ =	shalt  }
0x51: {  	_ =	shalt  }
0x52: {  	_ =	shalt  }
0x53: {  	_ =	shalt  }
0x54: {  	_ =	shalt  }
0x55: {  	_ =	shalt  }
0x56: {  	_ =	shalt  }
0x57: {  	_ =	shalt  }
0x58: {  	_ =	shalt  }
0x59: {  	_ =	shalt  }
0x5a: {  	_ =	shalt  }
0x5b: {  	_ =	shalt  }
0x5c: {  	_ =	shalt  }
0x5d: {  	_ =	shalt  }
0x5e: {  	_ =	shalt  }
0x5f: {  	_ =	shalt  }
0x60: {  	_ =	shalt  }
0x61: {  	_ =	shalt  }
0x62: {  	_ =	shalt  }
0x63: {  	_ =	shalt  }
0x64: {  	_ =	shalt  }
0x65: {  	_ =	shalt  }
0x66: {  	_ =	shalt  }
0x67: {  	_ =	shalt  }
0x68: {  	_ =	shalt  }
0x69: {  	_ =	shalt  }
0x6a: {  	_ =	shalt  }
0x6b: {  	_ =	shalt  }
0x6c: {  	_ =	shalt  }
0x6d: {  	_ =	shalt  }
0x6e: {  	_ =	shalt  }
0x6f: {  	_ =	shalt  }
0x70: {  	_ =	shalt  }
0x71: {  	_ =	shalt  }
0x72: {  	_ =	shalt  }
0x73: {  	_ =	shalt  }
0x74: {  	_ =	shalt  }
0x75: {  	_ =	shalt  }
0x76: {  	_ =	shalt  }
0x77: {  	_ =	shalt  }
0x78: {  	_ =	shalt  }
0x79: {  	_ =	shalt  }
0x7a: {  	_ =	shalt  }
0x7b: {  	_ =	shalt  }
0x7c: {  	_ =	shalt  }
0x7d: {  	_ =	shalt  }
0x7e: {  	_ =	shalt  }
0x7f: {  	_ =	shalt  }
0x80: {  	_ =	shalt  }
0x81: {  	_ =	shalt  }
0x82: {  	_ =	shalt  }
0x83: {  	_ =	shalt  }
0x84: {  	_ =	shalt  }
0x85: {  	_ =	shalt  }
0x86: {  	_ =	shalt  }
0x87: {  	_ =	shalt  }
.Lfunc_end0:
.L_simem_size_0:
called_computation_lowered:
.L_overlay_start_0:
0x88: {  	s2 =	sld [smem:$0x3FD9]  }
0x89: {  	s3 =	sld [smem:$0x3FFE];
	_ =	sdelay $0x1  }
0x8a: {  	s1 =	srdreg.scid  }
0x8b: {  	s0 =	sand.u32 $0x1, s1  }
0x8c: {  	s17 =	sshll.u32 s0, $0xA;
	s2 =	sadd.s32 s3, s2  }
0x8d: {  	s2 =	sadd.s32 s2, s17  }
0x8e: {  	[smem:$0x3FC2] =	sst s2  }
0x8f: {  	_ = 	snop  }
0x90: {  	s2 =	sld [smem:$0x3FC9]  }
0x91: {  	s18 =	sld [smem:$0x3FC8]  }
0x92: {  	s4 =	sld [smem:$0x3FD0];
	(tm) =	ssettm $0x1  }
0x93: {  	s5 =	sld [smem:$0x3FFB];
	_ =	sdelay $0x3  }
0x94: {  	_ =	strace s5  }
0x95: {  	s5 =	sld [smem:$0x3FFC];
	_ =	sdelay $0x3  }
0x96: {  	_ =	strace s5  }
0x97: {  	s5 =	sld [smem:$0x3FFD];
	_ =	sdelay $0x3  }
0x98: {  	_ =	strace s5  }
0x99: {  	_ =	strace $0x8FFFFFFF  }
0x9a: {  	s19 =	sld [smem:$0x3FDB];
	_ =	sdelay $0x1  }
0x9b: {  	s6 =	simm.s32 $_scs_section_size  }
0x9c: {  	s7 =	simm.s32 $_size__tile_overlayer_lowered;
	s8 =	simm.s32 $_tile_overlayer_lowered  }
0x9d: {  	s22 =	simm.s32 $0x1BFF;
	s21 =	sshll.u32 s8, $0x1;
	s5 =	sadd.s32 s6, s19  }
0x9e: {  	s9 =	simm.s32 $0x0;
	s20 =	sshll.u32 s7, $0x1;
	s7 =	sadd.s32 s21, s5  }
0x9f: {  	[timem:s9], [sflag:s22] =	dma.local [hbm:s7], s20  }
0xa0: {  	_ =	swait.ge [sflag:s22], s20  }
0xa1: {  	s6 =	ssub.s32 $0x0, s20;
	[sflag:s22] =	ssyncset.done $0x0  }
0xa2: {  	[sflag:s22] =	ssyncadd.s32 s6;
	_ =	sdelay $0x1  }
0xa3: {  	s23 =	simm.s32 $0x1B8B  }
0xa4: {  	_ =	swait.ge [sflag:s23], $0x1  }
0xa5: {  	[sflag:s23] =	ssyncset.done $0x0  }
0xa6: {  	s25 =	simm.s32 $0x1B8E;
	s24 =	sld [smem:$0x3FFE];
	[sflag:s23] =	ssyncadd.s32 $0xFFFFFFFF  }
0xa7: {  	s26 =	simm.s32 $execute0_lowered;
	[smem:$0x3FD2] =	sst s25  }
0xa8: {  	s7 =	sshll.u32 s26, $0x1;
	_ =	strace $0x80000046;
	[dreg:$0x1] =	wrdreg $0xFFFFFFFF  }
0xa9: {  	s28 =	simm.s32 $_size_execute0_lowered;
	s5 =	sadd.s32 s5, s7;
	[dreg:$0x0] =	wrdreg $0x0  }
0xaa: {  	s7 =	sshll.u32 s28, $0x1;
	[dreg:$0x2] =	wrdreg s5  }
0xab: {  	[dreg:$0x3] =	wrdreg s7  }
0xac: {  	[dreg:$0x4] =	wrdreg $0xC0  }
0xad: {  	_ =	task [dreg:s9], $0x5FFFF  }
0xae: {  	[dreg:$0x1] =	wrdreg $0xFFFFFFFF  }
0xaf: {  	[dreg:$0x0] =	wrdreg $0x60  }
0xb0: {  	[dreg:$0x2] =	wrdreg s2  }
0xb1: {  	[dreg:$0x3] =	wrdreg s18  }
0xb2: {  	[dreg:$0x4] =	wrdreg s24  }
0xb3: {  	[dreg:$0x5] =	wrdreg s4  }
0xb4: {  	[dreg:$0x6] =	wrdreg $0x9  }
0xb5: {  	_ =	task.clear_ibuf [dreg:s9], $0x7FFFF;
	_ =	strace $0x90000046  }
0xb6: {  	s29 =	simm.s32 $0x9;
	_ =	strace $0x80000048  }
0xb7: {  	_ =	swait.ge [sflag:s29], $0x1  }
0xb8: {  	[sflag:s29] =	ssyncadd.s32 $0xFFFFFFFF  }
0xb9: {  	_ =	strace $0x90000048  }
0xba: {  	_ =	sfence  }
0xbb: {  	s30 =	sld [smem:$0x0];
	_ =	sdelay $0x2  }
0xbc: {  	s31 =	sshll.u32 s1, $0xD;
	s1 =	sshrl.u32 s1, $0x2  }
0xbd: {  	s3 =	sand.u32 $0x4000, s31;
	s1 =	sadd.s32 s1, s30  }
0xbe: {  	s0 =	sor.u32 s3, s0;
	s1 =	sshll.u32 s1, $0x11  }
0xbf: {  	s0 =	sor.u32 s1, s0  }
0xc0: {  	s0 =	sadd.s32 $0x8F2B, s0  }
0xc1: {  	[sflag:s0] =	ssyncadd.remote.s32 $0x1  }
0xc2: {  	_ =	sfence.sel $0xFFFF  }
0xc3: {  	[dreg:$0x0] =	wrdreg $0xFFFFFFFF;
	(pc) =	sbr.abs _section_cstart, $3  }
0xc4: {  	[dreg:$0x1] =	wrdreg $0xFFFFFFFF  }
0xc5: {  	_ =	task.clear_ibuf [dreg:s9], $0x2FFFF;
	_ =	strace $0x9FFFFFFF  }
0xc6: {  	(tm) =	ssettm $0x7FFFFFFF  }
0xc7: {  	_ =	shalt  }
tec
execute0_lowered:
.L_overlay_start_1:
0x0: {  	(tag) =	ssettag $0x1  }
0x1: {  	s1 =	rddreg [dreg:$0x0]  }
0x2: {  	s2 =	rddreg [dreg:$0x1]  }
0x3: {  	s0 =	rddreg [dreg:$0x2]  }
0x4: {  	s3 =	srdreg.scid;
	s10 =	stileid.u32  }
0x5: {  	s5 =	rddreg [dreg:$0x3];
	s4 =	simm.s32 $0x0;
	s12 =	simm.s32 $0x38  }
0x6: {  	s13 =	simm.s32 $0x1C00;
	s14 =	simm.s32 $0x3C00;
	s16 =	simm.s32 $0x5C00  }
0x7: {  	s18 =	simm.s32 $0x7C00;
	s20 =	simm.s32 $0x9C00;
	s22 =	simm.s32 $0xBC00  }
0x8: {  	s24 =	simm.s32 $0xDC00;
	s28 =	simm.s32 $0x1;
	s29 =	simm.s32 $0x2  }
0x9: {  	s30 =	simm.s32 $0x3;
	s31 =	simm.s32 $0x4;
	s15 =	simm.s32 $0x7  }
0xa: {  	s17 =	simm.s32 $0x8;
	s21 =	simm.s32 $0x40;
	s25 =	simm.s32 $0x0  }
0xb: {  	s3 =	sand.u32 $0x1, s3;
	s6 =	sshll.u32 s10, $0x1;
	[smem:$0x7FF] =	sst s4  }
0xc: {  	s10 =	sshll.u32 s10, $0x10;
	s6 =	sor.u32 s3, s6;
	_ =	strace $0x80000047  }
0xd: {  	s9 =	ssub.s32 $0x2, s3;
	s3 =	sshll.u32 s3, $0xF;
	s7 =	smul.u32 $0x380, s6  }
0xe: {  	s8 =	sshll.u32 s6, $0xB;
	s11 =	sshrl.u32 s9, $0x1;
	s6 =	sshll.u32 s6, $0x8  }
0xf: {  	s8 =	sadd.s32 s8, s0;
	s9 =	ssub.s32 s9, s11;
	s5 =	sadd.s32 s5, s6  }
.Ltmp0:
0x10: {  	s7 =	sadd.s32 s7, s0;
	s0 =	sadd.s32 s10, s0;
	(pc) =	sbr.rel .LBB2_1-.Ltmp0, $4  }
0x11: {  	[dreg:$0x6] =	wrdreg s5;
	s26 =	sadd.s32 $0x8200, s8;
	s8 =	smax.u32 s9, $0x1  }
0x12: {  	s10 =	simm.s32 $0x9;
	s7 =	sadd.s32 $0x1200, s7;
	[dreg:$0x7] =	wrdreg s26  }
0x13: {  	s0 =	sadd.s32 s3, s0;
	s26 =	simm.s32 $0xFC00;
	s3 =	simm.s32 $0x5  }
0x14: {  	[dreg:$0x5] =	wrdreg s7;
	s9 =	sadd.s32 $0x18200, s0;
	s0 =	simm.s32 $0x6  }
.LBB2_23:
0x15: {  	s25 =	sadd.s32 $0x1, s25  }
0x16: {  	p0 =	sne.s32 s25, s8  }
.Ltmp1:
0x17: {  	_ = 	snop;
	(pc) =	sbr.rel @!p0 .LBB2_24-.Ltmp1, $1  }
0x18: {  	_ =	sdelay $0x3  }
.LBB2_1:
0x19: {  	s5 =	rddreg [dreg:$0x5]  }
0x1a: {  	[tilespmem:s4], [sflag:$0x9] =	stream.linear.gather [hbm4b:s5+s4], $0x1C00, $0x38;
	[tilespmem:$0x16400] =	vst v63  }
0x1b: {  	_ =	swait.ge [sflag:s10], $0x1C00  }
0x1c: {  	[sflag:s10] =	ssyncset.done $0x0  }
0x1d: {  	s6 =	simm.s32 $0x15C00;
	s19 =	rddreg [dreg:$0x6];
	[sflag:s10] =	ssyncadd.s32 $0xFFFFE400  }
0x1e: {  	[tilespmem:s6], [sflag:$0x9] =	stream.linear.gather [hbm4b:s19+s4], $0x800, $0x38;
	[tilespmem:$0x16400] =	vst v63  }
0x1f: {  	_ =	swait.ge [sflag:s10], $0x800  }
0x20: {  	[sflag:s10] =	ssyncset.done $0x0  }
0x21: {  	[sflag:s10] =	ssyncadd.s32 $0xFFFFF800  }
0x22: {  	[tilespmem:s13], [sflag:$0x1] =	stream.indirect.gather [hbm4b:s1+s12], $0x80, s4, s12, $0xb8;
	[tilespmem:$0x16400] =	vst v63  }
0x23: {  	_ = 	snop  }
0x24: {  	[tilespmem:s14], [sflag:$0x2] =	stream.indirect.gather [hbm4b:s1+s12], $0x80, s12, s12, $0xb8;
	[tilespmem:$0x16400] =	vst v63  }
0x25: {  	s23 =	simm.s32 $0x70  }
0x26: {  	[tilespmem:s16], [sflag:$0x3] =	stream.indirect.gather [hbm4b:s1+s12], $0x80, s23, s12, $0xb8;
	[tilespmem:$0x16400] =	vst v63  }
0x27: {  	s6 =	simm.s32 $0xA8  }
0x28: {  	[tilespmem:s18], [sflag:$0x4] =	stream.indirect.gather [hbm4b:s1+s12], $0x80, s6, s12, $0xb8;
	[tilespmem:$0x16400] =	vst v63  }
0x29: {  	s7 =	simm.s32 $0xE0  }
0x2a: {  	[tilespmem:s20], [sflag:$0x5] =	stream.indirect.gather [hbm4b:s1+s12], $0x80, s7, s12, $0xb8;
	[tilespmem:$0x16400] =	vst v63  }
0x2b: {  	s11 =	simm.s32 $0x118  }
0x2c: {  	[tilespmem:s22], [sflag:$0x6] =	stream.indirect.gather [hbm4b:s1+s12], $0x80, s11, s12, $0xb8;
	[tilespmem:$0x16400] =	vst v63  }
0x2d: {  	s19 =	simm.s32 $0x150  }
0x2e: {  	[tilespmem:s24], [sflag:$0x7] =	stream.indirect.gather [hbm4b:s1+s12], $0x80, s19, s12, $0xb8;
	[tilespmem:$0x16400] =	vst v63  }
0x2f: {  	s23 =	simm.s32 $0x188;
	s19 =	simm.s32 $0x0  }
0x30: {  	[tilespmem:s26], [sflag:$0x8] =	stream.indirect.gather [hbm4b:s1+s12], $0x80, s23, s12, $0xb8;
	[tilespmem:$0x16400] =	vst v63  }
.LBB2_2:
0x31: {  	_ =	swait.ge [sflag:s28], $0x1C00  }
0x32: {  	[sflag:s28] =	ssyncset.done $0x0  }
0x33: {  	s11 =	simm.s32 $0x0;
	[sflag:s28] =	ssyncadd.s32 $0xFFFFE400  }
0x34: {  	v4 =	vld [tilespmem:s11+$0x1C80]  }
0x35: {  	v5 =	vld [tilespmem:s11+$0x1C90]  }
0x36: {  	v2 =	vld [tilespmem:s11+$0x1CA0]  }
0x37: {  	v3 =	vld [tilespmem:s11+$0x1CB0]  }
0x38: {  	v0 =	vld [tilespmem:s11+$0x1CC0]  }
0x39: {  	v1 =	vld [tilespmem:s11+$0x1CD0]  }
0x3a: {  	v19 =	vld [tilespmem:s11+$0x1C00]  }
0x3b: {  	v20 =	vld [tilespmem:s11+$0x1C10]  }
0x3c: {  	v18 =	vld [tilespmem:s11+$0x1C20]  }
0x3d: {  	v17 =	vld [tilespmem:s11+$0x1C30]  }
0x3e: {  	v10 =	vimm.f32 $0.0e+00;
	v12 =	vimm.f32 $0.0e+00;
	v14 =	vld [tilespmem:s11+$0x1C40]  }
0x3f: {  	v13 =	vimm.f32 $0.0e+00;
	v11 =	vimm.f32 $0.0e+00;
	v8 =	vimm.f32 $0.0e+00;
	v15 =	vld [tilespmem:s11+$0x1C50]  }
0x40: {  	s5 =	simm.s32 $0x400;
	v9 =	vimm.f32 $0.0e+00;
	v7 =	vimm.f32 $0.0e+00;
	v6 =	vimm.f32 $0.0e+00;
	v16 =	vld [tilespmem:s11+$0x1C60]  }
.LBB2_3:
0x41: {  	p0 =	sne.s32 s5, $0x6000;
	v10 =	vadd.f32 v19, v10;
	v12 =	vadd.f32 v20, v12;
	v19 =	vld [tilespmem:s11+$0x1C70]  }
0x42: {  	v13 =	vadd.f32 v18, v13;
	v11 =	vadd.f32 v17, v11;
	v17 =	vld [tilespmem:s11+$0x1CE0]  }
0x43: {  	v10 =	vadd.f32 v4, v10;
	v12 =	vadd.f32 v5, v12;
	v18 =	vld [tilespmem:s11+$0x1CF0];
	s11 =	sshra.s32 s5, $0x2  }
0x44: {  	v13 =	vadd.f32 v2, v13;
	v4 =	vld [tilespmem:s11+$0x1C80];
	v11 =	vadd.f32 v3, v11  }
0x45: {  	v8 =	vadd.f32 v14, v8;
	v9 =	vadd.f32 v15, v9;
	v5 =	vld [tilespmem:s11+$0x1C90]  }
0x46: {  	v7 =	vadd.f32 v16, v7;
	v2 =	vld [tilespmem:s11+$0x1CA0];
	v6 =	vadd.f32 v19, v6  }
0x47: {  	v8 =	vadd.f32 v0, v8;
	v9 =	vadd.f32 v1, v9;
	v3 =	vld [tilespmem:s11+$0x1CB0]  }
0x48: {  	v7 =	vadd.f32 v17, v7;
	v0 =	vld [tilespmem:s11+$0x1CC0];
	v6 =	vadd.f32 v18, v6  }
0x49: {  	v1 =	vld [tilespmem:s11+$0x1CD0]  }
0x4a: {  	v19 =	vld [tilespmem:s11+$0x1C00]  }
0x4b: {  	v20 =	vld [tilespmem:s11+$0x1C10]  }
.Ltmp2:
0x4c: {  	v18 =	vld [tilespmem:s11+$0x1C20];
	(pc) =	sbr.rel @p0 .LBB2_3-.Ltmp2, $4  }
0x4d: {  	v17 =	vld [tilespmem:s11+$0x1C30]  }
0x4e: {  	v14 =	vld [tilespmem:s11+$0x1C40]  }
0x4f: {  	v15 =	vld [tilespmem:s11+$0x1C50]  }
0x50: {  	s5 =	sadd.s32 $0x400, s5;
	v16 =	vld [tilespmem:s11+$0x1C60]  }
0x51: {  	v10 =	vadd.f32 v19, v10  }
0x52: {  	v12 =	vadd.f32 v20, v12  }
0x53: {  	v19 =	vld [tilespmem:s11+$0x1C70];
	v13 =	vadd.f32 v18, v13;
	s5 =	sshll.u32 s19, $0xA;
	v4 =	vadd.f32 v4, v10  }
0x54: {  	v18 =	vld [tilespmem:s11+$0x1CE0];
	s23 =	sand.u32 $0x3FFFFC00, s5;
	v10 =	vadd.f32 v17, v11;
	v5 =	vadd.f32 v5, v12  }
0x55: {  	v11 =	vld [tilespmem:s11+$0x1CF0];
	v2 =	vadd.f32 v2, v13;
	v8 =	vadd.f32 v14, v8;
	[tilespmem:s23+$0x11C00] =	vst v4  }
0x56: {  	v3 =	vadd.f32 v3, v10;
	v4 =	vadd.f32 v15, v9;
	[tilespmem:s23+$0x11C10] =	vst v5  }
0x57: {  	v5 =	vadd.f32 v16, v7;
	v0 =	vadd.f32 v0, v8;
	[tilespmem:s23+$0x11C20] =	vst v2  }
0x58: {  	p0 =	seq.s32 s19, $0xF;
	v2 =	vadd.f32 v19, v6;
	v1 =	vadd.f32 v1, v4;
	[tilespmem:s23+$0x11C30] =	vst v3  }
0x59: {  	s5 =	smul.u32 @!p0 $0x700, s19;
	v3 =	vadd.f32 v18, v5;
	[tilespmem:s23+$0x11C40] =	vst v0  }
0x5a: {  	v0 =	vadd.f32 v11, v2;
	[tilespmem:s23+$0x11C50] =	vst v1  }
0x5b: {  	s11 =	sshra.s32 @!p0 s5, $0x2;
	[tilespmem:s23+$0x11C60] =	vst v3  }
0x5c: {  	s6 =	simm.s32 @!p0 $0x38;
	s7 =	simm.s32 @!p0 $0x1C00;
	s5 =	sadd.s32 @!p0 $0x1C0, s11;
	[tilespmem:s23+$0x11C70] =	vst v0  }
0x5d: {  	[tilespmem:s7], [sflag:$0x1] =	stream.indirect.gather @!p0 [hbm4b:s1+s6], $0x80, s5, s6, $0xb8;
	[tilespmem:$0x16400] =	vst v63  }
0x5e: {  	_ =	swait.ge [sflag:s29], $0x1C00  }
0x5f: {  	[sflag:s29] =	ssyncset.done $0x0  }
0x60: {  	s5 =	simm.s32 $0x0;
	[sflag:s29] =	ssyncadd.s32 $0xFFFFE400  }
0x61: {  	v2 =	vld [tilespmem:s5+$0x3C80]  }
0x62: {  	v5 =	vld [tilespmem:s5+$0x3C90]  }
0x63: {  	v3 =	vld [tilespmem:s5+$0x3CA0]  }
0x64: {  	v4 =	vld [tilespmem:s5+$0x3CB0]  }
0x65: {  	v0 =	vld [tilespmem:s5+$0x3CC0]  }
0x66: {  	v1 =	vld [tilespmem:s5+$0x3CD0]  }
0x67: {  	v19 =	vld [tilespmem:s5+$0x3C00]  }
0x68: {  	v20 =	vld [tilespmem:s5+$0x3C10]  }
0x69: {  	v18 =	vld [tilespmem:s5+$0x3C20]  }
0x6a: {  	v17 =	vld [tilespmem:s5+$0x3C30]  }
0x6b: {  	v13 =	vimm.f32 $0.0e+00;
	v12 =	vimm.f32 $0.0e+00;
	v14 =	vld [tilespmem:s5+$0x3C40]  }
0x6c: {  	v10 =	vimm.f32 $0.0e+00;
	v8 =	vimm.f32 $0.0e+00;
	v9 =	vimm.f32 $0.0e+00;
	v15 =	vld [tilespmem:s5+$0x3C50]  }
0x6d: {  	v7 =	vimm.f32 $0.0e+00;
	v6 =	vimm.f32 $0.0e+00;
	v11 =	vimm.f32 $0.0e+00;
	s6 =	simm.s32 $0x400;
	v16 =	vld [tilespmem:s5+$0x3C60]  }
.LBB2_5:
0x6e: {  	p1 =	sne.s32 s6, $0x6000;
	v10 =	vadd.f32 v19, v10;
	v11 =	vadd.f32 v20, v11;
	v19 =	vld [tilespmem:s5+$0x3C70]  }
0x6f: {  	v13 =	vadd.f32 v18, v13;
	v12 =	vadd.f32 v17, v12;
	v17 =	vld [tilespmem:s5+$0x3CE0]  }
0x70: {  	v10 =	vadd.f32 v2, v10;
	v11 =	vadd.f32 v5, v11;
	v18 =	vld [tilespmem:s5+$0x3CF0];
	s5 =	sshra.s32 s6, $0x2  }
0x71: {  	v13 =	vadd.f32 v3, v13;
	v2 =	vld [tilespmem:s5+$0x3C80];
	v12 =	vadd.f32 v4, v12  }
0x72: {  	v8 =	vadd.f32 v14, v8;
	v9 =	vadd.f32 v15, v9;
	v5 =	vld [tilespmem:s5+$0x3C90]  }
0x73: {  	v7 =	vadd.f32 v16, v7;
	v3 =	vld [tilespmem:s5+$0x3CA0];
	v6 =	vadd.f32 v19, v6  }
0x74: {  	v8 =	vadd.f32 v0, v8;
	v9 =	vadd.f32 v1, v9;
	v4 =	vld [tilespmem:s5+$0x3CB0]  }
0x75: {  	v7 =	vadd.f32 v17, v7;
	v0 =	vld [tilespmem:s5+$0x3CC0];
	v6 =	vadd.f32 v18, v6  }
0x76: {  	v1 =	vld [tilespmem:s5+$0x3CD0]  }
0x77: {  	v19 =	vld [tilespmem:s5+$0x3C00]  }
0x78: {  	v20 =	vld [tilespmem:s5+$0x3C10]  }
.Ltmp3:
0x79: {  	v18 =	vld [tilespmem:s5+$0x3C20];
	(pc) =	sbr.rel @p1 .LBB2_5-.Ltmp3, $4  }
0x7a: {  	v17 =	vld [tilespmem:s5+$0x3C30]  }
0x7b: {  	v14 =	vld [tilespmem:s5+$0x3C40]  }
0x7c: {  	v15 =	vld [tilespmem:s5+$0x3C50]  }
0x7d: {  	s6 =	sadd.s32 $0x400, s6;
	v16 =	vld [tilespmem:s5+$0x3C60]  }
0x7e: {  	v10 =	vadd.f32 v19, v10  }
0x7f: {  	v11 =	vadd.f32 v20, v11  }
0x80: {  	v19 =	vld [tilespmem:s5+$0x3C70];
	v13 =	vadd.f32 v18, v13;
	v2 =	vadd.f32 v2, v10  }
0x81: {  	v18 =	vld [tilespmem:s5+$0x3CE0];
	v10 =	vadd.f32 v17, v12;
	v5 =	vadd.f32 v5, v11  }
0x82: {  	v11 =	vld [tilespmem:s5+$0x3CF0];
	v3 =	vadd.f32 v3, v13;
	v8 =	vadd.f32 v14, v8;
	[tilespmem:s23+$0x11C80] =	vst v2  }
0x83: {  	v2 =	vadd.f32 v4, v10;
	v4 =	vadd.f32 v15, v9;
	[tilespmem:s23+$0x11C90] =	vst v5  }
0x84: {  	v5 =	vadd.f32 v16, v7;
	v0 =	vadd.f32 v0, v8;
	[tilespmem:s23+$0x11CA0] =	vst v3  }
0x85: {  	v3 =	vadd.f32 v19, v6;
	v1 =	vadd.f32 v1, v4;
	[tilespmem:s23+$0x11CB0] =	vst v2  }
0x86: {  	v2 =	vadd.f32 v18, v5;
	[tilespmem:s23+$0x11CC0] =	vst v0  }
0x87: {  	v0 =	vadd.f32 v11, v3;
	[tilespmem:s23+$0x11CD0] =	vst v1  }
0x88: {  	[tilespmem:s23+$0x11CE0] =	vst v2  }
0x89: {  	s6 =	simm.s32 @!p0 $0x38;
	s7 =	simm.s32 @!p0 $0x3C00;
	s5 =	sadd.s32 @!p0 $0x1F8, s11;
	[tilespmem:s23+$0x11CF0] =	vst v0  }
0x8a: {  	[tilespmem:s7], [sflag:$0x2] =	stream.indirect.gather @!p0 [hbm4b:s1+s6], $0x80, s5, s6, $0xb8;
	[tilespmem:$0x16400] =	vst v63  }
0x8b: {  	_ =	swait.ge [sflag:s30], $0x1C00  }
0x8c: {  	[sflag:s30] =	ssyncset.done $0x0  }
0x8d: {  	s5 =	simm.s32 $0x0;
	[sflag:s30] =	ssyncadd.s32 $0xFFFFE400  }
0x8e: {  	v2 =	vld [tilespmem:s5+$0x5C80]  }
0x8f: {  	v5 =	vld [tilespmem:s5+$0x5C90]  }
0x90: {  	v3 =	vld [tilespmem:s5+$0x5CA0]  }
0x91: {  	v4 =	vld [tilespmem:s5+$0x5CB0]  }
0x92: {  	v0 =	vld [tilespmem:s5+$0x5CC0]  }
0x93: {  	v1 =	vld [tilespmem:s5+$0x5CD0]  }
0x94: {  	v19 =	vld [tilespmem:s5+$0x5C00]  }
0x95: {  	v20 =	vld [tilespmem:s5+$0x5C10]  }
0x96: {  	v18 =	vld [tilespmem:s5+$0x5C20]  }
0x97: {  	v17 =	vld [tilespmem:s5+$0x5C30]  }
0x98: {  	v13 =	vimm.f32 $0.0e+00;
	v12 =	vimm.f32 $0.0e+00;
	v14 =	vld [tilespmem:s5+$0x5C40]  }
0x99: {  	v10 =	vimm.f32 $0.0e+00;
	v8 =	vimm.f32 $0.0e+00;
	v9 =	vimm.f32 $0.0e+00;
	v15 =	vld [tilespmem:s5+$0x5C50]  }
0x9a: {  	v7 =	vimm.f32 $0.0e+00;
	v6 =	vimm.f32 $0.0e+00;
	v11 =	vimm.f32 $0.0e+00;
	s6 =	simm.s32 $0x400;
	v16 =	vld [tilespmem:s5+$0x5C60]  }
.LBB2_7:
0x9b: {  	p1 =	sne.s32 s6, $0x6000;
	v10 =	vadd.f32 v19, v10;
	v11 =	vadd.f32 v20, v11;
	v19 =	vld [tilespmem:s5+$0x5C70]  }
0x9c: {  	v13 =	vadd.f32 v18, v13;
	v12 =	vadd.f32 v17, v12;
	v17 =	vld [tilespmem:s5+$0x5CE0]  }
0x9d: {  	v10 =	vadd.f32 v2, v10;
	v11 =	vadd.f32 v5, v11;
	v18 =	vld [tilespmem:s5+$0x5CF0];
	s5 =	sshra.s32 s6, $0x2  }
0x9e: {  	v13 =	vadd.f32 v3, v13;
	v2 =	vld [tilespmem:s5+$0x5C80];
	v12 =	vadd.f32 v4, v12  }
0x9f: {  	v8 =	vadd.f32 v14, v8;
	v9 =	vadd.f32 v15, v9;
	v5 =	vld [tilespmem:s5+$0x5C90]  }
0xa0: {  	v7 =	vadd.f32 v16, v7;
	v3 =	vld [tilespmem:s5+$0x5CA0];
	v6 =	vadd.f32 v19, v6  }
0xa1: {  	v8 =	vadd.f32 v0, v8;
	v9 =	vadd.f32 v1, v9;
	v4 =	vld [tilespmem:s5+$0x5CB0]  }
0xa2: {  	v7 =	vadd.f32 v17, v7;
	v0 =	vld [tilespmem:s5+$0x5CC0];
	v6 =	vadd.f32 v18, v6  }
0xa3: {  	v1 =	vld [tilespmem:s5+$0x5CD0]  }
0xa4: {  	v19 =	vld [tilespmem:s5+$0x5C00]  }
0xa5: {  	v20 =	vld [tilespmem:s5+$0x5C10]  }
.Ltmp4:
0xa6: {  	v18 =	vld [tilespmem:s5+$0x5C20];
	(pc) =	sbr.rel @p1 .LBB2_7-.Ltmp4, $4  }
0xa7: {  	v17 =	vld [tilespmem:s5+$0x5C30]  }
0xa8: {  	v14 =	vld [tilespmem:s5+$0x5C40]  }
0xa9: {  	v15 =	vld [tilespmem:s5+$0x5C50]  }
0xaa: {  	s6 =	sadd.s32 $0x400, s6;
	v16 =	vld [tilespmem:s5+$0x5C60]  }
0xab: {  	v10 =	vadd.f32 v19, v10  }
0xac: {  	v11 =	vadd.f32 v20, v11  }
0xad: {  	v19 =	vld [tilespmem:s5+$0x5C70];
	v13 =	vadd.f32 v18, v13;
	v2 =	vadd.f32 v2, v10  }
0xae: {  	v18 =	vld [tilespmem:s5+$0x5CE0];
	v10 =	vadd.f32 v17, v12;
	v5 =	vadd.f32 v5, v11  }
0xaf: {  	v11 =	vld [tilespmem:s5+$0x5CF0];
	v3 =	vadd.f32 v3, v13;
	v8 =	vadd.f32 v14, v8;
	[tilespmem:s23+$0x11D00] =	vst v2  }
0xb0: {  	v2 =	vadd.f32 v4, v10;
	v4 =	vadd.f32 v15, v9;
	[tilespmem:s23+$0x11D10] =	vst v5  }
0xb1: {  	v5 =	vadd.f32 v16, v7;
	v0 =	vadd.f32 v0, v8;
	[tilespmem:s23+$0x11D20] =	vst v3  }
0xb2: {  	v3 =	vadd.f32 v19, v6;
	v1 =	vadd.f32 v1, v4;
	[tilespmem:s23+$0x11D30] =	vst v2  }
0xb3: {  	v2 =	vadd.f32 v18, v5;
	[tilespmem:s23+$0x11D40] =	vst v0  }
0xb4: {  	v0 =	vadd.f32 v11, v3;
	[tilespmem:s23+$0x11D50] =	vst v1  }
0xb5: {  	[tilespmem:s23+$0x11D60] =	vst v2  }
0xb6: {  	s6 =	simm.s32 @!p0 $0x38;
	s7 =	simm.s32 @!p0 $0x5C00;
	s5 =	sadd.s32 @!p0 $0x230, s11;
	[tilespmem:s23+$0x11D70] =	vst v0  }
0xb7: {  	[tilespmem:s7], [sflag:$0x3] =	stream.indirect.gather @!p0 [hbm4b:s1+s6], $0x80, s5, s6, $0xb8;
	[tilespmem:$0x16400] =	vst v63  }
0xb8: {  	_ =	swait.ge [sflag:s31], $0x1C00  }
0xb9: {  	[sflag:s31] =	ssyncset.done $0x0  }
0xba: {  	s5 =	simm.s32 $0x0;
	[sflag:s31] =	ssyncadd.s32 $0xFFFFE400  }
0xbb: {  	v2 =	vld [tilespmem:s5+$0x7C80]  }
0xbc: {  	v5 =	vld [tilespmem:s5+$0x7C90]  }
0xbd: {  	v3 =	vld [tilespmem:s5+$0x7CA0]  }
0xbe: {  	v4 =	vld [tilespmem:s5+$0x7CB0]  }
0xbf: {  	v0 =	vld [tilespmem:s5+$0x7CC0]  }
0xc0: {  	v1 =	vld [tilespmem:s5+$0x7CD0]  }
0xc1: {  	v19 =	vld [tilespmem:s5+$0x7C00]  }
0xc2: {  	v20 =	vld [tilespmem:s5+$0x7C10]  }
0xc3: {  	v18 =	vld [tilespmem:s5+$0x7C20]  }
0xc4: {  	v17 =	vld [tilespmem:s5+$0x7C30]  }
0xc5: {  	v13 =	vimm.f32 $0.0e+00;
	v12 =	vimm.f32 $0.0e+00;
	v14 =	vld [tilespmem:s5+$0x7C40]  }
0xc6: {  	v10 =	vimm.f32 $0.0e+00;
	v8 =	vimm.f32 $0.0e+00;
	v9 =	vimm.f32 $0.0e+00;
	v15 =	vld [tilespmem:s5+$0x7C50]  }
0xc7: {  	v7 =	vimm.f32 $0.0e+00;
	v6 =	vimm.f32 $0.0e+00;
	v11 =	vimm.f32 $0.0e+00;
	s6 =	simm.s32 $0x400;
	v16 =	vld [tilespmem:s5+$0x7C60]  }
.LBB2_9:
0xc8: {  	p1 =	sne.s32 s6, $0x6000;
	v10 =	vadd.f32 v19, v10;
	v11 =	vadd.f32 v20, v11;
	v19 =	vld [tilespmem:s5+$0x7C70]  }
0xc9: {  	v13 =	vadd.f32 v18, v13;
	v12 =	vadd.f32 v17, v12;
	v17 =	vld [tilespmem:s5+$0x7CE0]  }
0xca: {  	v10 =	vadd.f32 v2, v10;
	v11 =	vadd.f32 v5, v11;
	v18 =	vld [tilespmem:s5+$0x7CF0];
	s5 =	sshra.s32 s6, $0x2  }
0xcb: {  	v13 =	vadd.f32 v3, v13;
	v2 =	vld [tilespmem:s5+$0x7C80];
	v12 =	vadd.f32 v4, v12  }
0xcc: {  	v8 =	vadd.f32 v14, v8;
	v9 =	vadd.f32 v15, v9;
	v5 =	vld [tilespmem:s5+$0x7C90]  }
0xcd: {  	v7 =	vadd.f32 v16, v7;
	v3 =	vld [tilespmem:s5+$0x7CA0];
	v6 =	vadd.f32 v19, v6  }
0xce: {  	v8 =	vadd.f32 v0, v8;
	v9 =	vadd.f32 v1, v9;
	v4 =	vld [tilespmem:s5+$0x7CB0]  }
0xcf: {  	v7 =	vadd.f32 v17, v7;
	v0 =	vld [tilespmem:s5+$0x7CC0];
	v6 =	vadd.f32 v18, v6  }
0xd0: {  	v1 =	vld [tilespmem:s5+$0x7CD0]  }
0xd1: {  	v19 =	vld [tilespmem:s5+$0x7C00]  }
0xd2: {  	v20 =	vld [tilespmem:s5+$0x7C10]  }
.Ltmp5:
0xd3: {  	v18 =	vld [tilespmem:s5+$0x7C20];
	(pc) =	sbr.rel @p1 .LBB2_9-.Ltmp5, $4  }
0xd4: {  	v17 =	vld [tilespmem:s5+$0x7C30]  }
0xd5: {  	v14 =	vld [tilespmem:s5+$0x7C40]  }
0xd6: {  	v15 =	vld [tilespmem:s5+$0x7C50]  }
0xd7: {  	s6 =	sadd.s32 $0x400, s6;
	v16 =	vld [tilespmem:s5+$0x7C60]  }
0xd8: {  	v10 =	vadd.f32 v19, v10  }
0xd9: {  	v11 =	vadd.f32 v20, v11  }
0xda: {  	v19 =	vld [tilespmem:s5+$0x7C70];
	v13 =	vadd.f32 v18, v13;
	v2 =	vadd.f32 v2, v10  }
0xdb: {  	v18 =	vld [tilespmem:s5+$0x7CE0];
	v10 =	vadd.f32 v17, v12;
	v5 =	vadd.f32 v5, v11  }
0xdc: {  	v11 =	vld [tilespmem:s5+$0x7CF0];
	v3 =	vadd.f32 v3, v13;
	v8 =	vadd.f32 v14, v8;
	[tilespmem:s23+$0x11D80] =	vst v2  }
0xdd: {  	v2 =	vadd.f32 v4, v10;
	v4 =	vadd.f32 v15, v9;
	[tilespmem:s23+$0x11D90] =	vst v5  }
0xde: {  	v5 =	vadd.f32 v16, v7;
	v0 =	vadd.f32 v0, v8;
	[tilespmem:s23+$0x11DA0] =	vst v3  }
0xdf: {  	v3 =	vadd.f32 v19, v6;
	v1 =	vadd.f32 v1, v4;
	[tilespmem:s23+$0x11DB0] =	vst v2  }
0xe0: {  	v2 =	vadd.f32 v18, v5;
	[tilespmem:s23+$0x11DC0] =	vst v0  }
0xe1: {  	v0 =	vadd.f32 v11, v3;
	[tilespmem:s23+$0x11DD0] =	vst v1  }
0xe2: {  	[tilespmem:s23+$0x11DE0] =	vst v2  }
0xe3: {  	s6 =	simm.s32 @!p0 $0x38;
	s7 =	simm.s32 @!p0 $0x7C00;
	s5 =	sadd.s32 @!p0 $0x268, s11;
	[tilespmem:s23+$0x11DF0] =	vst v0  }
0xe4: {  	[tilespmem:s7], [sflag:$0x4] =	stream.indirect.gather @!p0 [hbm4b:s1+s6], $0x80, s5, s6, $0xb8;
	[tilespmem:$0x16400] =	vst v63  }
0xe5: {  	_ =	swait.ge [sflag:s3], $0x1C00  }
0xe6: {  	[sflag:s3] =	ssyncset.done $0x0  }
0xe7: {  	s5 =	simm.s32 $0x0;
	[sflag:s3] =	ssyncadd.s32 $0xFFFFE400  }
0xe8: {  	v2 =	vld [tilespmem:s5+$0x9C80]  }
0xe9: {  	v5 =	vld [tilespmem:s5+$0x9C90]  }
0xea: {  	v3 =	vld [tilespmem:s5+$0x9CA0]  }
0xeb: {  	v4 =	vld [tilespmem:s5+$0x9CB0]  }
0xec: {  	v0 =	vld [tilespmem:s5+$0x9CC0]  }
0xed: {  	v1 =	vld [tilespmem:s5+$0x9CD0]  }
0xee: {  	v19 =	vld [tilespmem:s5+$0x9C00]  }
0xef: {  	v20 =	vld [tilespmem:s5+$0x9C10]  }
0xf0: {  	v18 =	vld [tilespmem:s5+$0x9C20]  }
0xf1: {  	v17 =	vld [tilespmem:s5+$0x9C30]  }
0xf2: {  	v13 =	vimm.f32 $0.0e+00;
	v12 =	vimm.f32 $0.0e+00;
	v14 =	vld [tilespmem:s5+$0x9C40]  }
0xf3: {  	v10 =	vimm.f32 $0.0e+00;
	v8 =	vimm.f32 $0.0e+00;
	v9 =	vimm.f32 $0.0e+00;
	v15 =	vld [tilespmem:s5+$0x9C50]  }
0xf4: {  	v7 =	vimm.f32 $0.0e+00;
	v6 =	vimm.f32 $0.0e+00;
	v11 =	vimm.f32 $0.0e+00;
	s6 =	simm.s32 $0x400;
	v16 =	vld [tilespmem:s5+$0x9C60]  }
.LBB2_11:
0xf5: {  	p1 =	sne.s32 s6, $0x6000;
	v10 =	vadd.f32 v19, v10;
	v11 =	vadd.f32 v20, v11;
	v19 =	vld [tilespmem:s5+$0x9C70]  }
0xf6: {  	v13 =	vadd.f32 v18, v13;
	v12 =	vadd.f32 v17, v12;
	v17 =	vld [tilespmem:s5+$0x9CE0]  }
0xf7: {  	v10 =	vadd.f32 v2, v10;
	v11 =	vadd.f32 v5, v11;
	v18 =	vld [tilespmem:s5+$0x9CF0];
	s5 =	sshra.s32 s6, $0x2  }
0xf8: {  	v13 =	vadd.f32 v3, v13;
	v2 =	vld [tilespmem:s5+$0x9C80];
	v12 =	vadd.f32 v4, v12  }
0xf9: {  	v8 =	vadd.f32 v14, v8;
	v9 =	vadd.f32 v15, v9;
	v5 =	vld [tilespmem:s5+$0x9C90]  }
0xfa: {  	v7 =	vadd.f32 v16, v7;
	v3 =	vld [tilespmem:s5+$0x9CA0];
	v6 =	vadd.f32 v19, v6  }
0xfb: {  	v8 =	vadd.f32 v0, v8;
	v9 =	vadd.f32 v1, v9;
	v4 =	vld [tilespmem:s5+$0x9CB0]  }
0xfc: {  	v7 =	vadd.f32 v17, v7;
	v0 =	vld [tilespmem:s5+$0x9CC0];
	v6 =	vadd.f32 v18, v6  }
0xfd: {  	v1 =	vld [tilespmem:s5+$0x9CD0]  }
0xfe: {  	v19 =	vld [tilespmem:s5+$0x9C00]  }
0xff: {  	v20 =	vld [tilespmem:s5+$0x9C10]  }
.Ltmp6:
0x100: {  	v18 =	vld [tilespmem:s5+$0x9C20];
	(pc) =	sbr.rel @p1 .LBB2_11-.Ltmp6, $4  }
0x101: {  	v17 =	vld [tilespmem:s5+$0x9C30]  }
0x102: {  	v14 =	vld [tilespmem:s5+$0x9C40]  }
0x103: {  	v15 =	vld [tilespmem:s5+$0x9C50]  }
0x104: {  	s6 =	sadd.s32 $0x400, s6;
	v16 =	vld [tilespmem:s5+$0x9C60]  }
0x105: {  	v10 =	vadd.f32 v19, v10  }
0x106: {  	v11 =	vadd.f32 v20, v11  }
0x107: {  	v19 =	vld [tilespmem:s5+$0x9C70];
	v13 =	vadd.f32 v18, v13;
	v2 =	vadd.f32 v2, v10  }
0x108: {  	v18 =	vld [tilespmem:s5+$0x9CE0];
	v10 =	vadd.f32 v17, v12;
	v5 =	vadd.f32 v5, v11  }
0x109: {  	v11 =	vld [tilespmem:s5+$0x9CF0];
	v3 =	vadd.f32 v3, v13;
	v8 =	vadd.f32 v14, v8;
	[tilespmem:s23+$0x11E00] =	vst v2  }
0x10a: {  	v2 =	vadd.f32 v4, v10;
	v4 =	vadd.f32 v15, v9;
	[tilespmem:s23+$0x11E10] =	vst v5  }
0x10b: {  	v5 =	vadd.f32 v16, v7;
	v0 =	vadd.f32 v0, v8;
	[tilespmem:s23+$0x11E20] =	vst v3  }
0x10c: {  	v3 =	vadd.f32 v19, v6;
	v1 =	vadd.f32 v1, v4;
	[tilespmem:s23+$0x11E30] =	vst v2  }
0x10d: {  	v2 =	vadd.f32 v18, v5;
	[tilespmem:s23+$0x11E40] =	vst v0  }
0x10e: {  	v0 =	vadd.f32 v11, v3;
	[tilespmem:s23+$0x11E50] =	vst v1  }
0x10f: {  	[tilespmem:s23+$0x11E60] =	vst v2  }
0x110: {  	s6 =	simm.s32 @!p0 $0x38;
	s7 =	simm.s32 @!p0 $0x9C00;
	s5 =	sadd.s32 @!p0 $0x2A0, s11;
	[tilespmem:s23+$0x11E70] =	vst v0  }
0x111: {  	[tilespmem:s7], [sflag:$0x5] =	stream.indirect.gather @!p0 [hbm4b:s1+s6], $0x80, s5, s6, $0xb8;
	[tilespmem:$0x16400] =	vst v63  }
0x112: {  	_ =	swait.ge [sflag:s0], $0x1C00  }
0x113: {  	[sflag:s0] =	ssyncset.done $0x0  }
0x114: {  	s5 =	simm.s32 $0x0;
	[sflag:s0] =	ssyncadd.s32 $0xFFFFE400  }
0x115: {  	v2 =	vld [tilespmem:s5+$0xBC80]  }
0x116: {  	v5 =	vld [tilespmem:s5+$0xBC90]  }
0x117: {  	v3 =	vld [tilespmem:s5+$0xBCA0]  }
0x118: {  	v4 =	vld [tilespmem:s5+$0xBCB0]  }
0x119: {  	v0 =	vld [tilespmem:s5+$0xBCC0]  }
0x11a: {  	v1 =	vld [tilespmem:s5+$0xBCD0]  }
0x11b: {  	v19 =	vld [tilespmem:s5+$0xBC00]  }
0x11c: {  	v20 =	vld [tilespmem:s5+$0xBC10]  }
0x11d: {  	v18 =	vld [tilespmem:s5+$0xBC20]  }
0x11e: {  	v17 =	vld [tilespmem:s5+$0xBC30]  }
0x11f: {  	v13 =	vimm.f32 $0.0e+00;
	v12 =	vimm.f32 $0.0e+00;
	v14 =	vld [tilespmem:s5+$0xBC40]  }
0x120: {  	v10 =	vimm.f32 $0.0e+00;
	v8 =	vimm.f32 $0.0e+00;
	v9 =	vimm.f32 $0.0e+00;
	v15 =	vld [tilespmem:s5+$0xBC50]  }
0x121: {  	v7 =	vimm.f32 $0.0e+00;
	v6 =	vimm.f32 $0.0e+00;
	v11 =	vimm.f32 $0.0e+00;
	s6 =	simm.s32 $0x400;
	v16 =	vld [tilespmem:s5+$0xBC60]  }
.LBB2_13:
0x122: {  	p1 =	sne.s32 s6, $0x6000;
	v10 =	vadd.f32 v19, v10;
	v11 =	vadd.f32 v20, v11;
	v19 =	vld [tilespmem:s5+$0xBC70]  }
0x123: {  	v13 =	vadd.f32 v18, v13;
	v12 =	vadd.f32 v17, v12;
	v17 =	vld [tilespmem:s5+$0xBCE0]  }
0x124: {  	v10 =	vadd.f32 v2, v10;
	v11 =	vadd.f32 v5, v11;
	v18 =	vld [tilespmem:s5+$0xBCF0];
	s5 =	sshra.s32 s6, $0x2  }
0x125: {  	v13 =	vadd.f32 v3, v13;
	v2 =	vld [tilespmem:s5+$0xBC80];
	v12 =	vadd.f32 v4, v12  }
0x126: {  	v8 =	vadd.f32 v14, v8;
	v9 =	vadd.f32 v15, v9;
	v5 =	vld [tilespmem:s5+$0xBC90]  }
0x127: {  	v7 =	vadd.f32 v16, v7;
	v3 =	vld [tilespmem:s5+$0xBCA0];
	v6 =	vadd.f32 v19, v6  }
0x128: {  	v8 =	vadd.f32 v0, v8;
	v9 =	vadd.f32 v1, v9;
	v4 =	vld [tilespmem:s5+$0xBCB0]  }
0x129: {  	v7 =	vadd.f32 v17, v7;
	v0 =	vld [tilespmem:s5+$0xBCC0];
	v6 =	vadd.f32 v18, v6  }
0x12a: {  	v1 =	vld [tilespmem:s5+$0xBCD0]  }
0x12b: {  	v19 =	vld [tilespmem:s5+$0xBC00]  }
0x12c: {  	v20 =	vld [tilespmem:s5+$0xBC10]  }
.Ltmp7:
0x12d: {  	v18 =	vld [tilespmem:s5+$0xBC20];
	(pc) =	sbr.rel @p1 .LBB2_13-.Ltmp7, $4  }
0x12e: {  	v17 =	vld [tilespmem:s5+$0xBC30]  }
0x12f: {  	v14 =	vld [tilespmem:s5+$0xBC40]  }
0x130: {  	v15 =	vld [tilespmem:s5+$0xBC50]  }
0x131: {  	s6 =	sadd.s32 $0x400, s6;
	v16 =	vld [tilespmem:s5+$0xBC60]  }
0x132: {  	v10 =	vadd.f32 v19, v10  }
0x133: {  	v11 =	vadd.f32 v20, v11  }
0x134: {  	v19 =	vld [tilespmem:s5+$0xBC70];
	v13 =	vadd.f32 v18, v13;
	v2 =	vadd.f32 v2, v10  }
0x135: {  	v18 =	vld [tilespmem:s5+$0xBCE0];
	v10 =	vadd.f32 v17, v12;
	v5 =	vadd.f32 v5, v11  }
0x136: {  	v11 =	vld [tilespmem:s5+$0xBCF0];
	v3 =	vadd.f32 v3, v13;
	v8 =	vadd.f32 v14, v8;
	[tilespmem:s23+$0x11E80] =	vst v2  }
0x137: {  	v2 =	vadd.f32 v4, v10;
	v4 =	vadd.f32 v15, v9;
	[tilespmem:s23+$0x11E90] =	vst v5  }
0x138: {  	v5 =	vadd.f32 v16, v7;
	v0 =	vadd.f32 v0, v8;
	[tilespmem:s23+$0x11EA0] =	vst v3  }
0x139: {  	v3 =	vadd.f32 v19, v6;
	v1 =	vadd.f32 v1, v4;
	[tilespmem:s23+$0x11EB0] =	vst v2  }
0x13a: {  	v2 =	vadd.f32 v18, v5;
	[tilespmem:s23+$0x11EC0] =	vst v0  }
0x13b: {  	v0 =	vadd.f32 v11, v3;
	[tilespmem:s23+$0x11ED0] =	vst v1  }
0x13c: {  	[tilespmem:s23+$0x11EE0] =	vst v2  }
0x13d: {  	s6 =	simm.s32 @!p0 $0x38;
	s7 =	simm.s32 @!p0 $0xBC00;
	s5 =	sadd.s32 @!p0 $0x2D8, s11;
	[tilespmem:s23+$0x11EF0] =	vst v0  }
0x13e: {  	[tilespmem:s7], [sflag:$0x6] =	stream.indirect.gather @!p0 [hbm4b:s1+s6], $0x80, s5, s6, $0xb8;
	[tilespmem:$0x16400] =	vst v63  }
0x13f: {  	_ =	swait.ge [sflag:s15], $0x1C00  }
0x140: {  	[sflag:s15] =	ssyncset.done $0x0  }
0x141: {  	s5 =	simm.s32 $0x0;
	[sflag:s15] =	ssyncadd.s32 $0xFFFFE400  }
0x142: {  	v2 =	vld [tilespmem:s5+$0xDC80]  }
0x143: {  	v5 =	vld [tilespmem:s5+$0xDC90]  }
0x144: {  	v3 =	vld [tilespmem:s5+$0xDCA0]  }
0x145: {  	v4 =	vld [tilespmem:s5+$0xDCB0]  }
0x146: {  	v0 =	vld [tilespmem:s5+$0xDCC0]  }
0x147: {  	v1 =	vld [tilespmem:s5+$0xDCD0]  }
0x148: {  	v19 =	vld [tilespmem:s5+$0xDC00]  }
0x149: {  	v20 =	vld [tilespmem:s5+$0xDC10]  }
0x14a: {  	v18 =	vld [tilespmem:s5+$0xDC20]  }
0x14b: {  	v17 =	vld [tilespmem:s5+$0xDC30]  }
0x14c: {  	v13 =	vimm.f32 $0.0e+00;
	v12 =	vimm.f32 $0.0e+00;
	v14 =	vld [tilespmem:s5+$0xDC40]  }
0x14d: {  	v10 =	vimm.f32 $0.0e+00;
	v8 =	vimm.f32 $0.0e+00;
	v9 =	vimm.f32 $0.0e+00;
	v15 =	vld [tilespmem:s5+$0xDC50]  }
0x14e: {  	v7 =	vimm.f32 $0.0e+00;
	v6 =	vimm.f32 $0.0e+00;
	v11 =	vimm.f32 $0.0e+00;
	s6 =	simm.s32 $0x400;
	v16 =	vld [tilespmem:s5+$0xDC60]  }
.LBB2_15:
0x14f: {  	p1 =	sne.s32 s6, $0x6000;
	v10 =	vadd.f32 v19, v10;
	v11 =	vadd.f32 v20, v11;
	v19 =	vld [tilespmem:s5+$0xDC70]  }
0x150: {  	v13 =	vadd.f32 v18, v13;
	v12 =	vadd.f32 v17, v12;
	v17 =	vld [tilespmem:s5+$0xDCE0]  }
0x151: {  	v10 =	vadd.f32 v2, v10;
	v11 =	vadd.f32 v5, v11;
	v18 =	vld [tilespmem:s5+$0xDCF0];
	s5 =	sshra.s32 s6, $0x2  }
0x152: {  	v13 =	vadd.f32 v3, v13;
	v2 =	vld [tilespmem:s5+$0xDC80];
	v12 =	vadd.f32 v4, v12  }
0x153: {  	v8 =	vadd.f32 v14, v8;
	v9 =	vadd.f32 v15, v9;
	v5 =	vld [tilespmem:s5+$0xDC90]  }
0x154: {  	v7 =	vadd.f32 v16, v7;
	v3 =	vld [tilespmem:s5+$0xDCA0];
	v6 =	vadd.f32 v19, v6  }
0x155: {  	v8 =	vadd.f32 v0, v8;
	v9 =	vadd.f32 v1, v9;
	v4 =	vld [tilespmem:s5+$0xDCB0]  }
0x156: {  	v7 =	vadd.f32 v17, v7;
	v0 =	vld [tilespmem:s5+$0xDCC0];
	v6 =	vadd.f32 v18, v6  }
0x157: {  	v1 =	vld [tilespmem:s5+$0xDCD0]  }
0x158: {  	v19 =	vld [tilespmem:s5+$0xDC00]  }
0x159: {  	v20 =	vld [tilespmem:s5+$0xDC10]  }
.Ltmp8:
0x15a: {  	v18 =	vld [tilespmem:s5+$0xDC20];
	(pc) =	sbr.rel @p1 .LBB2_15-.Ltmp8, $4  }
0x15b: {  	v17 =	vld [tilespmem:s5+$0xDC30]  }
0x15c: {  	v14 =	vld [tilespmem:s5+$0xDC40]  }
0x15d: {  	v15 =	vld [tilespmem:s5+$0xDC50]  }
0x15e: {  	s6 =	sadd.s32 $0x400, s6;
	v16 =	vld [tilespmem:s5+$0xDC60]  }
0x15f: {  	v10 =	vadd.f32 v19, v10  }
0x160: {  	v11 =	vadd.f32 v20, v11  }
0x161: {  	v19 =	vld [tilespmem:s5+$0xDC70];
	v13 =	vadd.f32 v18, v13;
	v2 =	vadd.f32 v2, v10  }
0x162: {  	v18 =	vld [tilespmem:s5+$0xDCE0];
	v10 =	vadd.f32 v17, v12;
	v5 =	vadd.f32 v5, v11  }
0x163: {  	v11 =	vld [tilespmem:s5+$0xDCF0];
	v3 =	vadd.f32 v3, v13;
	v8 =	vadd.f32 v14, v8;
	[tilespmem:s23+$0x11F00] =	vst v2  }
0x164: {  	v2 =	vadd.f32 v4, v10;
	v4 =	vadd.f32 v15, v9;
	[tilespmem:s23+$0x11F10] =	vst v5  }
0x165: {  	v5 =	vadd.f32 v16, v7;
	v0 =	vadd.f32 v0, v8;
	[tilespmem:s23+$0x11F20] =	vst v3  }
0x166: {  	v3 =	vadd.f32 v19, v6;
	v1 =	vadd.f32 v1, v4;
	[tilespmem:s23+$0x11F30] =	vst v2  }
0x167: {  	v2 =	vadd.f32 v18, v5;
	[tilespmem:s23+$0x11F40] =	vst v0  }
0x168: {  	v0 =	vadd.f32 v11, v3;
	[tilespmem:s23+$0x11F50] =	vst v1  }
0x169: {  	[tilespmem:s23+$0x11F60] =	vst v2  }
0x16a: {  	s6 =	simm.s32 @!p0 $0x38;
	s7 =	simm.s32 @!p0 $0xDC00;
	s5 =	sadd.s32 @!p0 $0x310, s11;
	[tilespmem:s23+$0x11F70] =	vst v0  }
0x16b: {  	[tilespmem:s7], [sflag:$0x7] =	stream.indirect.gather @!p0 [hbm4b:s1+s6], $0x80, s5, s6, $0xb8;
	[tilespmem:$0x16400] =	vst v63  }
0x16c: {  	_ =	swait.ge [sflag:s17], $0x1C00  }
0x16d: {  	[sflag:s17] =	ssyncset.done $0x0  }
0x16e: {  	s5 =	simm.s32 $0x0;
	[sflag:s17] =	ssyncadd.s32 $0xFFFFE400  }
0x16f: {  	v2 =	vld [tilespmem:s5+$0xFC80]  }
0x170: {  	v5 =	vld [tilespmem:s5+$0xFC90]  }
0x171: {  	v3 =	vld [tilespmem:s5+$0xFCA0]  }
0x172: {  	v4 =	vld [tilespmem:s5+$0xFCB0]  }
0x173: {  	v0 =	vld [tilespmem:s5+$0xFCC0]  }
0x174: {  	v1 =	vld [tilespmem:s5+$0xFCD0]  }
0x175: {  	v19 =	vld [tilespmem:s5+$0xFC00]  }
0x176: {  	v20 =	vld [tilespmem:s5+$0xFC10]  }
0x177: {  	v18 =	vld [tilespmem:s5+$0xFC20]  }
0x178: {  	v17 =	vld [tilespmem:s5+$0xFC30]  }
0x179: {  	v13 =	vimm.f32 $0.0e+00;
	v12 =	vimm.f32 $0.0e+00;
	v14 =	vld [tilespmem:s5+$0xFC40]  }
0x17a: {  	v10 =	vimm.f32 $0.0e+00;
	v8 =	vimm.f32 $0.0e+00;
	v9 =	vimm.f32 $0.0e+00;
	v15 =	vld [tilespmem:s5+$0xFC50]  }
0x17b: {  	v7 =	vimm.f32 $0.0e+00;
	v6 =	vimm.f32 $0.0e+00;
	v11 =	vimm.f32 $0.0e+00;
	s6 =	simm.s32 $0x400;
	v16 =	vld [tilespmem:s5+$0xFC60]  }
.LBB2_17:
0x17c: {  	p1 =	sne.s32 s6, $0x6000;
	v10 =	vadd.f32 v19, v10;
	v11 =	vadd.f32 v20, v11;
	v19 =	vld [tilespmem:s5+$0xFC70]  }
0x17d: {  	v13 =	vadd.f32 v18, v13;
	v12 =	vadd.f32 v17, v12;
	v17 =	vld [tilespmem:s5+$0xFCE0]  }
0x17e: {  	v10 =	vadd.f32 v2, v10;
	v11 =	vadd.f32 v5, v11;
	v18 =	vld [tilespmem:s5+$0xFCF0];
	s5 =	sshra.s32 s6, $0x2  }
0x17f: {  	v13 =	vadd.f32 v3, v13;
	v2 =	vld [tilespmem:s5+$0xFC80];
	v12 =	vadd.f32 v4, v12  }
0x180: {  	v8 =	vadd.f32 v14, v8;
	v9 =	vadd.f32 v15, v9;
	v5 =	vld [tilespmem:s5+$0xFC90]  }
0x181: {  	v7 =	vadd.f32 v16, v7;
	v3 =	vld [tilespmem:s5+$0xFCA0];
	v6 =	vadd.f32 v19, v6  }
0x182: {  	v8 =	vadd.f32 v0, v8;
	v9 =	vadd.f32 v1, v9;
	v4 =	vld [tilespmem:s5+$0xFCB0]  }
0x183: {  	v7 =	vadd.f32 v17, v7;
	v0 =	vld [tilespmem:s5+$0xFCC0];
	v6 =	vadd.f32 v18, v6  }
0x184: {  	v1 =	vld [tilespmem:s5+$0xFCD0]  }
0x185: {  	v19 =	vld [tilespmem:s5+$0xFC00]  }
0x186: {  	v20 =	vld [tilespmem:s5+$0xFC10]  }
.Ltmp9:
0x187: {  	v18 =	vld [tilespmem:s5+$0xFC20];
	(pc) =	sbr.rel @p1 .LBB2_17-.Ltmp9, $4  }
0x188: {  	v17 =	vld [tilespmem:s5+$0xFC30]  }
0x189: {  	v14 =	vld [tilespmem:s5+$0xFC40]  }
0x18a: {  	v15 =	vld [tilespmem:s5+$0xFC50]  }
0x18b: {  	s6 =	sadd.s32 $0x400, s6;
	v16 =	vld [tilespmem:s5+$0xFC60]  }
0x18c: {  	v10 =	vadd.f32 v19, v10  }
0x18d: {  	v11 =	vadd.f32 v20, v11  }
0x18e: {  	v54 =	vld [tilespmem:s5+$0xFC70];
	v13 =	vadd.f32 v18, v13;
	v2 =	vadd.f32 v2, v10  }
0x18f: {  	v55 =	vld [tilespmem:s5+$0xFCE0];
	v56 =	vadd.f32 v17, v12;
	v5 =	vadd.f32 v5, v11  }
0x190: {  	v57 =	vld [tilespmem:s5+$0xFCF0];
	v3 =	vadd.f32 v3, v13;
	v8 =	vadd.f32 v14, v8;
	[tilespmem:s23+$0x11F80] =	vst v2  }
0x191: {  	v58 =	vadd.f32 v4, v56;
	v59 =	vadd.f32 v15, v9;
	[tilespmem:s23+$0x11F90] =	vst v5  }
0x192: {  	v60 =	vadd.f32 v16, v7;
	v0 =	vadd.f32 v0, v8;
	[tilespmem:s23+$0x11FA0] =	vst v3  }
.Ltmp10:
0x193: {  	v61 =	vadd.f32 v54, v6;
	v1 =	vadd.f32 v1, v59;
	[tilespmem:s23+$0x11FB0] =	vst v58;
	(pc) =	sbr.rel @p0 .LBB2_20-.Ltmp10, $4  }
0x194: {  	v62 =	vadd.f32 v55, v60;
	[tilespmem:s23+$0x11FC0] =	vst v0  }
0x195: {  	v63 =	vadd.f32 v57, v61;
	[tilespmem:s23+$0x11FD0] =	vst v1  }
0x196: {  	[tilespmem:s23+$0x11FE0] =	vst v62  }
0x197: {  	[tilespmem:s23+$0x11FF0] =	vst v63  }
0x198: {  	s5 =	smul.u32 $0x700, s19  }
.Ltmp11:
0x199: {  	_ = 	snop;
	(pc) =	sbr.rel .LBB2_2-.Ltmp11, $4  }
0x19a: {  	_ = 	snop  }
0x19b: {  	s5 =	sshra.s32 s5, $0x2  }
0x19c: {  	s19 =	sadd.s32 $0x1, s19;
	s5 =	sadd.s32 $0x348, s5  }
0x19d: {  	[tilespmem:s26], [sflag:$0x8] =	stream.indirect.gather [hbm4b:s1+s12], $0x80, s5, s12, $0xb8;
	[tilespmem:$0x16400] =	vst v63  }
.LBB2_20:
0x19e: {  	s11 =	simm.s32 $0x0;
	s5 =	rddreg [dreg:$0x7];
	s6 =	simm.s32 $0x11C00  }
0x19f: {  	[hbm4b:s5+s11] =	stream.linear.scatter [tilespmem:s6], [sflag:$0x9], $0x4000, $0x38;
	[tilespmem:$0x16400] =	vst v63  }
0x1a0: {  	_ =	swait.ge [sflag:s10], $0x4000  }
0x1a1: {  	[sflag:s10] =	ssyncset.done $0x0  }
0x1a2: {  	s6 =	simm.s32 $0x15C00;
	[sflag:s10] =	ssyncadd.s32 $0xFFFFC000  }
0x1a3: {  	[tilespmem:s13], [sflag:$0x1] =	stream.indirect.gather [hbm4b:s2+s21], $0x80, s6, s21, $0xb8;
	[tilespmem:$0x16400] =	vst v63  }
0x1a4: {  	s7 =	simm.s32 $0x15C40  }
0x1a5: {  	[tilespmem:s14], [sflag:$0x2] =	stream.indirect.gather [hbm4b:s2+s21], $0x80, s7, s21, $0xb8;
	[tilespmem:$0x16400] =	vst v63  }
0x1a6: {  	s19 =	simm.s32 $0x15C80  }
0x1a7: {  	[tilespmem:s16], [sflag:$0x3] =	stream.indirect.gather [hbm4b:s2+s21], $0x80, s19, s21, $0xb8;
	[tilespmem:$0x16400] =	vst v63  }
0x1a8: {  	s23 =	simm.s32 $0x15CC0  }
0x1a9: {  	[tilespmem:s18], [sflag:$0x4] =	stream.indirect.gather [hbm4b:s2+s21], $0x80, s23, s21, $0xb8;
	[tilespmem:$0x16400] =	vst v63  }
0x1aa: {  	s6 =	simm.s32 $0x15D00  }
0x1ab: {  	[tilespmem:s20], [sflag:$0x5] =	stream.indirect.gather [hbm4b:s2+s21], $0x80, s6, s21, $0xb8;
	[tilespmem:$0x16400] =	vst v63  }
0x1ac: {  	s7 =	simm.s32 $0x15D40  }
0x1ad: {  	[tilespmem:s22], [sflag:$0x6] =	stream.indirect.gather [hbm4b:s2+s21], $0x80, s7, s21, $0xb8;
	[tilespmem:$0x16400] =	vst v63  }
0x1ae: {  	s19 =	simm.s32 $0x15D80  }
0x1af: {  	[tilespmem:s24], [sflag:$0x7] =	stream.indirect.gather [hbm4b:s2+s21], $0x80, s19, s21, $0xb8;
	[tilespmem:$0x16400] =	vst v63  }
0x1b0: {  	s23 =	simm.s32 $0x15DC0;
	s19 =	simm.s32 $0x15E00  }
0x1b1: {  	[tilespmem:s26], [sflag:$0x8] =	stream.indirect.gather [hbm4b:s2+s21], $0x80, s23, s21, $0xb8;
	[tilespmem:$0x16400] =	vst v63  }
.LBB2_21:
0x1b2: {  	_ =	swait.ge [sflag:s28], $0x2000  }
0x1b3: {  	[sflag:s28] =	ssyncset.done $0x0  }
0x1b4: {  	s5 =	sadd.s32 s11, s9;
	[sflag:s28] =	ssyncadd.s32 $0xFFFFE000  }
0x1b5: {  	[hbm4b:s5+s4] =	stream.linear.scatter [tilespmem:s13], [sflag:$0x9], $0x2000, $0x38;
	[tilespmem:$0x16400] =	vst v63  }
0x1b6: {  	_ =	swait.ge [sflag:s10], $0x2000  }
0x1b7: {  	p0 =	seq.s32 s11, $0x6000;
	[sflag:s10] =	ssyncset.done $0x0  }
0x1b8: {  	s23 =	simm.s32 @!p0 $0x40;
	s6 =	simm.s32 @!p0 $0x1C00;
	[sflag:s10] =	ssyncadd.s32 $0xFFFFE000  }
0x1b9: {  	[tilespmem:s6], [sflag:$0x1] =	stream.indirect.gather @!p0 [hbm4b:s2+s23], $0x80, s19, s23, $0xb8;
	[tilespmem:$0x16400] =	vst v63  }
0x1ba: {  	_ =	swait.ge [sflag:s29], $0x2000  }
0x1bb: {  	[sflag:s29] =	ssyncset.done $0x0  }
0x1bc: {  	s7 =	sadd.s32 $0x400, s5;
	[sflag:s29] =	ssyncadd.s32 $0xFFFFE000  }
0x1bd: {  	[hbm4b:s7+s4] =	stream.linear.scatter [tilespmem:s14], [sflag:$0x9], $0x2000, $0x38;
	[tilespmem:$0x16400] =	vst v63  }
0x1be: {  	_ =	swait.ge [sflag:s10], $0x2000  }
0x1bf: {  	[sflag:s10] =	ssyncset.done $0x0  }
0x1c0: {  	s6 =	sadd.s32 @!p0 $0x40, s19;
	s7 =	simm.s32 @!p0 $0x3C00;
	[sflag:s10] =	ssyncadd.s32 $0xFFFFE000  }
0x1c1: {  	[tilespmem:s7], [sflag:$0x2] =	stream.indirect.gather @!p0 [hbm4b:s2+s23], $0x80, s6, s23, $0xb8;
	[tilespmem:$0x16400] =	vst v63  }
0x1c2: {  	_ =	swait.ge [sflag:s30], $0x2000  }
0x1c3: {  	[sflag:s30] =	ssyncset.done $0x0  }
0x1c4: {  	s7 =	sadd.s32 $0x800, s5;
	[sflag:s30] =	ssyncadd.s32 $0xFFFFE000  }
0x1c5: {  	[hbm4b:s7+s4] =	stream.linear.scatter [tilespmem:s16], [sflag:$0x9], $0x2000, $0x38;
	[tilespmem:$0x16400] =	vst v63  }
0x1c6: {  	_ =	swait.ge [sflag:s10], $0x2000  }
0x1c7: {  	[sflag:s10] =	ssyncset.done $0x0  }
0x1c8: {  	s6 =	sadd.s32 @!p0 $0x80, s19;
	s7 =	simm.s32 @!p0 $0x5C00;
	[sflag:s10] =	ssyncadd.s32 $0xFFFFE000  }
0x1c9: {  	[tilespmem:s7], [sflag:$0x3] =	stream.indirect.gather @!p0 [hbm4b:s2+s23], $0x80, s6, s23, $0xb8;
	[tilespmem:$0x16400] =	vst v63  }
0x1ca: {  	_ =	swait.ge [sflag:s31], $0x2000  }
0x1cb: {  	[sflag:s31] =	ssyncset.done $0x0  }
0x1cc: {  	s7 =	sadd.s32 $0xC00, s5;
	[sflag:s31] =	ssyncadd.s32 $0xFFFFE000  }
0x1cd: {  	[hbm4b:s7+s4] =	stream.linear.scatter [tilespmem:s18], [sflag:$0x9], $0x2000, $0x38;
	[tilespmem:$0x16400] =	vst v63  }
0x1ce: {  	_ =	swait.ge [sflag:s10], $0x2000  }
0x1cf: {  	[sflag:s10] =	ssyncset.done $0x0  }
0x1d0: {  	s6 =	sadd.s32 @!p0 $0xC0, s19;
	s7 =	simm.s32 @!p0 $0x7C00;
	[sflag:s10] =	ssyncadd.s32 $0xFFFFE000  }
0x1d1: {  	[tilespmem:s7], [sflag:$0x4] =	stream.indirect.gather @!p0 [hbm4b:s2+s23], $0x80, s6, s23, $0xb8;
	[tilespmem:$0x16400] =	vst v63  }
0x1d2: {  	_ =	swait.ge [sflag:s3], $0x2000  }
0x1d3: {  	[sflag:s3] =	ssyncset.done $0x0  }
0x1d4: {  	s7 =	sadd.s32 $0x1000, s5;
	[sflag:s3] =	ssyncadd.s32 $0xFFFFE000  }
0x1d5: {  	[hbm4b:s7+s4] =	stream.linear.scatter [tilespmem:s20], [sflag:$0x9], $0x2000, $0x38;
	[tilespmem:$0x16400] =	vst v63  }
0x1d6: {  	_ =	swait.ge [sflag:s10], $0x2000  }
0x1d7: {  	[sflag:s10] =	ssyncset.done $0x0  }
0x1d8: {  	s6 =	sadd.s32 @!p0 $0x100, s19;
	s7 =	simm.s32 @!p0 $0x9C00;
	[sflag:s10] =	ssyncadd.s32 $0xFFFFE000  }
0x1d9: {  	[tilespmem:s7], [sflag:$0x5] =	stream.indirect.gather @!p0 [hbm4b:s2+s23], $0x80, s6, s23, $0xb8;
	[tilespmem:$0x16400] =	vst v63  }
0x1da: {  	_ =	swait.ge [sflag:s0], $0x2000  }
0x1db: {  	[sflag:s0] =	ssyncset.done $0x0  }
0x1dc: {  	s7 =	sadd.s32 $0x1400, s5;
	[sflag:s0] =	ssyncadd.s32 $0xFFFFE000  }
0x1dd: {  	[hbm4b:s7+s4] =	stream.linear.scatter [tilespmem:s22], [sflag:$0x9], $0x2000, $0x38;
	[tilespmem:$0x16400] =	vst v63  }
0x1de: {  	_ =	swait.ge [sflag:s10], $0x2000  }
0x1df: {  	[sflag:s10] =	ssyncset.done $0x0  }
0x1e0: {  	s6 =	sadd.s32 @!p0 $0x140, s19;
	s7 =	simm.s32 @!p0 $0xBC00;
	[sflag:s10] =	ssyncadd.s32 $0xFFFFE000  }
0x1e1: {  	[tilespmem:s7], [sflag:$0x6] =	stream.indirect.gather @!p0 [hbm4b:s2+s23], $0x80, s6, s23, $0xb8;
	[tilespmem:$0x16400] =	vst v63  }
0x1e2: {  	_ =	swait.ge [sflag:s15], $0x2000  }
0x1e3: {  	[sflag:s15] =	ssyncset.done $0x0  }
0x1e4: {  	s7 =	sadd.s32 $0x1800, s5;
	[sflag:s15] =	ssyncadd.s32 $0xFFFFE000  }
0x1e5: {  	[hbm4b:s7+s4] =	stream.linear.scatter [tilespmem:s24], [sflag:$0x9], $0x2000, $0x38;
	[tilespmem:$0x16400] =	vst v63  }
0x1e6: {  	_ =	swait.ge [sflag:s10], $0x2000  }
0x1e7: {  	[sflag:s10] =	ssyncset.done $0x0  }
0x1e8: {  	s6 =	sadd.s32 @!p0 $0x180, s19;
	s7 =	simm.s32 @!p0 $0xDC00;
	[sflag:s10] =	ssyncadd.s32 $0xFFFFE000  }
0x1e9: {  	[tilespmem:s7], [sflag:$0x7] =	stream.indirect.gather @!p0 [hbm4b:s2+s23], $0x80, s6, s23, $0xb8;
	[tilespmem:$0x16400] =	vst v63  }
0x1ea: {  	_ =	swait.ge [sflag:s17], $0x2000  }
0x1eb: {  	[sflag:s17] =	ssyncset.done $0x0  }
.Ltmp12:
0x1ec: {  	s5 =	sadd.s32 $0x1C00, s5;
	[sflag:s17] =	ssyncadd.s32 $0xFFFFE000;
	(pc) =	sbr.rel @p0 .LBB2_23-.Ltmp12, $4  }
0x1ed: {  	[hbm4b:s5+s4] =	stream.linear.scatter [tilespmem:s26], [sflag:$0x9], $0x2000, $0x38;
	[tilespmem:$0x16400] =	vst v63  }
0x1ee: {  	_ =	swait.ge [sflag:s10], $0x2000  }
0x1ef: {  	[sflag:s10] =	ssyncset.done $0x0  }
0x1f0: {  	[sflag:s10] =	ssyncadd.s32 $0xFFFFE000  }
.Ltmp13:
0x1f1: {  	(pc) =	sbr.rel .LBB2_21-.Ltmp13, $3  }
0x1f2: {  	_ =	sdelay $0x1  }
0x1f3: {  	s5 =	sadd.s32 $0x1C0, s19;
	s11 =	sadd.s32 $0x2000, s11;
	s19 =	sadd.s32 $0x200, s19  }
0x1f4: {  	[tilespmem:s26], [sflag:$0x8] =	stream.indirect.gather [hbm4b:s2+s21], $0x80, s5, s21, $0xb8;
	[tilespmem:$0x16400] =	vst v63  }
.LBB2_24:
0x1f5: {  	_ =	sfence.sel $0x180000  }
0x1f6: {  	[bflag:$0x0] =	sbarrier.arrive $0xFFFF  }
0x1f7: {  	_ =	strace $0x90000047  }
0x1f8: {  	s0 =	stileid.u32;
	[bflag:$0x2] =	sbarrier.arrive $0xFFFF  }
0x1f9: {  	p0 =	sne.s32 s0, $0x0;
	s0 =	rddreg [dreg:$0x4]  }
0x1fa: {  	s0 =	sadd.s32 @!p0 $0x100000, s0  }
0x1fb: {  	[sflag:s0] =	ssyncadd.tile.s32 @!p0 $0x1;
	_ =	shalt  }
.Lfunc_end2:
_tile_overlayer_lowered:
.L_overlay_start_2:
0x1fc: {  	(tag) =	ssettag $0x2  }
0x1fd: {  	s0 =	rddreg [dreg:$0x0];
	s2 =	stileid.u32  }
0x1fe: {  	s1 =	rddreg [dreg:$0x1];
	p0 =	sne.s32 s2, $0x0  }
0x1ff: {  	s3 =	rddreg [dreg:$0x2];
	[bflag:$0x3] =	sbarrier.arrive $0xFFFF;
	s2 =	simm.s32 @!p0 $0x1C09  }
0x200: {  	[timem:s3], [sflag:s2] =	dma.local @!p0 [hbm:s0], s1  }
0x201: {  	s0 =	simm.s32 @!p0 $0x9  }
0x202: {  	_ =	swait.ge @!p0 [sflag:s0], s1  }
0x203: {  	s1 =	ssub.s32 @!p0 $0x0, s1;
	[sflag:s0] =	ssyncset.done @!p0 $0x0  }
0x204: {  	[sflag:s0] =	ssyncadd.s32 @!p0 s1  }
0x205: {  	[bflag:$0x3] =	sbarrier.arrive $0xFFFF  }
0x206: {  	_ =	shalt  }

</sc_bundles>
